<compile_context>
chip_gen: v7x
topology: tpu7x:2x2x1
jax: 0.10.2.dev20260603
libtpu: 0.0.44.dev20260713+nightly
codegen_flags: <defaults>
</compile_context>

<pallas_src>
import functools

import jax
import jax.numpy as jnp
from jax import lax
from jax.experimental import pallas as pl
from jax.experimental.pallas import tpu as pltpu
from jax.experimental.pallas import tpu_sc as plsc

_E = 64
_G = 8
_GS = 8
_TOPK = 8
_TOPKG = 4
_SCALE = 2.5
_L = 16


def _gate_tc_body(w_ref, x_ref, b_ref, s_ref, hv_ref, hi_ref):
    logits = lax.dot_general(
        w_ref[...], x_ref[...],
        dimension_numbers=(((1,), (1,)), ((), ())),
        preferred_element_type=jnp.float32,
    )
    s = jax.nn.sigmoid(logits) + b_ref[...]
    s_ref[...] = s
    bt = s.shape[1]
    g3 = s.reshape(_G, _GS, bt)
    iota_j = lax.broadcasted_iota(jnp.int32, (_G, _GS, bt), 1)
    m1 = jnp.max(g3, axis=1)
    eq = g3 == m1[:, None, :]
    fi = jnp.min(jnp.where(eq, iota_j, _GS), axis=1)
    first = eq & (iota_j == fi[:, None, :])
    m2 = jnp.max(jnp.where(first, -1.0, g3), axis=1)
    gsc = m1 + m2
    iota_g = lax.broadcasted_iota(jnp.int32, (_G, bt), 0)
    sel = None
    for _ in range(_TOPKG):
        gm = jnp.max(gsc, axis=0)
        eqg = gsc == gm[None, :]
        fg = jnp.min(jnp.where(eqg, iota_g, _G), axis=0)
        hit = iota_g == fg[None, :]
        sel = hit if sel is None else (sel | hit)
        gsc = jnp.where(hit, -1.0, gsc)
    hv_ref[...] = jnp.where(sel, m1, -1.0)
    hi_ref[...] = iota_g * _GS + fi


def _gate_scores_t(x, w, b, block_t=1024):
    t, h = x.shape
    return pl.pallas_call(
        _gate_tc_body,
        grid=(t // block_t,),
        in_specs=[
            pl.BlockSpec((_E, h), lambda i: (0, 0)),
            pl.BlockSpec((block_t, h), lambda i: (i, 0)),
            pl.BlockSpec((_E, 1), lambda i: (0, 0)),
        ],
        out_specs=[
            pl.BlockSpec((_E, block_t), lambda i: (0, i)),
            pl.BlockSpec((_G, block_t), lambda i: (0, i)),
            pl.BlockSpec((_G, block_t), lambda i: (0, i)),
        ],
        out_shape=[
            jax.ShapeDtypeStruct((_E, t), jnp.float32),
            jax.ShapeDtypeStruct((_G, t), jnp.float32),
            jax.ShapeDtypeStruct((_G, t), jnp.int32),
        ],
    )(w, x, b.reshape(_E, 1))


def _route_sc(scores_t, hv0, hi0, bias):
    t = scores_t.shape[1]
    info = plsc.get_sparse_core_info()
    nc, ns = info.num_cores, info.num_subcores
    nw = nc * ns
    tw = t // nw
    nslab = tw // _L
    mesh = plsc.VectorSubcoreMesh(core_axis_name="c", subcore_axis_name="s")

    @functools.partial(
        pl.kernel,
        mesh=mesh,
        compiler_params=pltpu.CompilerParams(needs_layout_passes=False),
        out_type=[
            jax.ShapeDtypeStruct((_TOPK, t), jnp.int32),
            jax.ShapeDtypeStruct((_TOPK, t), jnp.float32),
        ],
        scratch_types=[
            pltpu.VMEM((_E, tw), jnp.float32),
            pltpu.VMEM((_G, tw), jnp.float32),
            pltpu.VMEM((_G, tw), jnp.int32),
            pltpu.VMEM((_E,), jnp.float32),
            pltpu.VMEM((_TOPK, tw), jnp.int32),
            pltpu.VMEM((_TOPK, tw), jnp.float32),
        ],
    )
    def route(scores_hbm, hv_hbm, hi_hbm, bias_hbm, oi_hbm, ow_hbm,
              sbuf, hvbuf, hibuf, bvmem, oi, ow):
        wid = lax.axis_index("s") * nc + lax.axis_index("c")
        base = wid * tw
        pltpu.sync_copy(scores_hbm.at[:, pl.ds(base, tw)], sbuf)
        pltpu.sync_copy(hv_hbm.at[:, pl.ds(base, tw)], hvbuf)
        pltpu.sync_copy(hi_hbm.at[:, pl.ds(base, tw)], hibuf)
        pltpu.sync_copy(bias_hbm, bvmem)
        lanes = lax.iota(jnp.int32, _L)
        neg = jnp.full((_L,), -1.0, jnp.float32)

        @plsc.parallel_loop(0, nslab, unroll=2)
        def slab_body(i):
            off = pl.multiple_of(i * _L, _L)
            col = off + lanes
            hv = [hvbuf[g, pl.ds(off, _L)] for g in range(_G)]
            hi = [hibuf[g, pl.ds(off, _L)] for g in range(_G)]
            den = jnp.zeros((_L,), jnp.float32)
            sel_i = [None] * _TOPK
            sel_w = [None] * _TOPK
            def tree_argmax(vals, idxs):
                while len(vals) > 1:
                    nvals, nidxs = [], []
                    for a in range(0, len(vals), 2):
                        take = vals[a + 1] > vals[a]
                        nvals.append(jnp.maximum(vals[a], vals[a + 1]))
                        nidxs.append(jnp.where(take, idxs[a + 1], idxs[a]))
                    vals, idxs = nvals, nidxs
                return vals[0], idxs[0]

            for r in range(_TOPK):
                bv, bi = tree_argmax(list(hv), list(hi))
                w_r = bv - plsc.load_gather(bvmem, [bi])
                den = den + w_r
                sel_i[r] = bi
                sel_w[r] = w_r
                if r == _TOPK - 1:
                    break
                plsc.store_scatter(sbuf, [bi, col], neg)
                gbase = jnp.bitwise_and(bi, jnp.int32(-_GS))
                cs = [plsc.load_gather(sbuf, [gbase + j, col]) for j in range(_GS)]
                nv, ni = tree_argmax(cs, [gbase + j for j in range(_GS)])
                wg = lax.shift_right_logical(bi, 3)
                for g in range(_G):
                    hit = wg == g
                    hv[g] = jnp.where(hit, nv, hv[g])
                    hi[g] = jnp.where(hit, ni, hi[g])
            f = jnp.float32(_SCALE) / (den + jnp.float32(1e-20))
            for r in range(_TOPK):
                oi[r, pl.ds(off, _L)] = sel_i[r]
                ow[r, pl.ds(off, _L)] = sel_w[r] * f

        pltpu.sync_copy(oi, oi_hbm.at[:, pl.ds(base, tw)])
        pltpu.sync_copy(ow, ow_hbm.at[:, pl.ds(base, tw)])

    return route(scores_t, hv0, hi0, bias)


def kernel(hidden_states, weight, e_score_correction_bias):
    bsz, seq_len, h = hidden_states.shape
    t = bsz * seq_len
    x = hidden_states.reshape(t, h).astype(jnp.float32)
    w = weight.astype(jnp.float32)
    b = e_score_correction_bias.astype(jnp.float32)
    scores_t, hv0, hi0 = _gate_scores_t(x, w, b)
    oi, ow = _route_sc(scores_t, hv0, hi0, b)
    return oi.T, ow.T

# --- scband reference (transcript-rebuilt; emitter-appended) ---
"""Pipeline reference for scband-mo-egate-4647154615074 (READ-ONLY COPY).

The authoritative reference and input builder live on the scoring server;
editing this copy changes nothing except your own understanding.
"""

import jax, jax.numpy as jnp
import numpy as np

HIDDEN = 2048
E = 64
TOP_K = 8
N_GROUP = 8
TOPK_GROUP = 4
SCALE = 2.5
NORM_TOPK = True


def setup_inputs(seed: int = 0) -> dict:
    key = jax.random.key(seed)
    k1, k2 = jax.random.split(key)
    hidden_states = jax.random.normal(k1, (2, 4096, HIDDEN), dtype=jnp.float32)
    # kaiming_uniform_(a=sqrt(5)) on [E, HIDDEN]: bound = 1/sqrt(fan_in)
    bound = 1.0 / np.sqrt(HIDDEN)
    weight = jax.random.uniform(k2, (E, HIDDEN), dtype=jnp.float32, minval=-bound, maxval=bound)
    e_score_correction_bias = jnp.zeros((E,), dtype=jnp.float32)
    return {
        "hidden_states": hidden_states,
        "weight": weight,
        "e_score_correction_bias": e_score_correction_bias,
    }


def reference(hidden_states, weight, e_score_correction_bias):
    bsz, seq_len, h = hidden_states.shape
    T = bsz * seq_len
    x = hidden_states.reshape(T, h).astype(jnp.float32)
    logits = x @ weight.astype(jnp.float32).T                      # [T, E]
    scores = jax.nn.sigmoid(logits)
    scores_for_choice = scores + e_score_correction_bias[None, :]  # [T, E]
    grouped = scores_for_choice.reshape(T, N_GROUP, E // N_GROUP)
    top2_vals, _ = jax.lax.top_k(grouped, 2)                       # [T, G, 2]
    group_scores = top2_vals.sum(axis=-1)                          # [T, G]
    _, group_idx = jax.lax.top_k(group_scores, TOPK_GROUP)         # [T, topk_group]
    group_mask = jax.nn.one_hot(group_idx, N_GROUP, dtype=scores.dtype).sum(axis=1)  # [T, G]
    score_mask = jnp.broadcast_to(group_mask[:, :, None], (T, N_GROUP, E // N_GROUP)).reshape(T, E)
    tmp_scores = jnp.where(score_mask > 0, scores_for_choice, 0.0)
    _, topk_idx = jax.lax.top_k(tmp_scores, TOP_K)                 # [T, top_k]
    topk_weight = jnp.take_along_axis(scores, topk_idx, axis=1)    # [T, top_k]
    if TOP_K > 1 and NORM_TOPK:
        denom = topk_weight.sum(axis=-1, keepdims=True) + 1e-20
        topk_weight = topk_weight / denom
    topk_weight = topk_weight * SCALE
    return (topk_idx, topk_weight)

if __name__ == "__main__":
    import jax
    _d = setup_inputs()
    print(jax.jit(kernel)(*tuple(_d.values())))

</pallas_src>

<mosaic_0001>
#map = affine_map<(d0, d1) -> (0, 0)>
#map1 = affine_map<(d0, d1) -> (0)>
module attributes {stable_mosaic.version = 14 : i64} {
  func.func @route(%arg0: i32, %arg1: i32, %arg2: memref<64x8192xf32, #tpu.memory_space<hbm>>, %arg3: memref<8x8192xf32, #tpu.memory_space<hbm>>, %arg4: memref<8x8192xi32, #tpu.memory_space<hbm>>, %arg5: memref<64xf32, #tpu.memory_space<hbm>>, %arg6: memref<8x8192xi32, #tpu.memory_space<hbm>>, %arg7: memref<8x8192xf32, #tpu.memory_space<hbm>>, %arg8: memref<64x256xf32, #tpu.memory_space<vmem>>, %arg9: memref<8x256xf32, #tpu.memory_space<vmem>>, %arg10: memref<8x256xi32, #tpu.memory_space<vmem>>, %arg11: memref<64xf32, #tpu.memory_space<vmem>>, %arg12: memref<8x256xi32, #tpu.memory_space<vmem>>, %arg13: memref<8x256xf32, #tpu.memory_space<vmem>>) attributes {dimension_semantics = [#tpu.dimension_semantics<core_parallel>, #tpu.dimension_semantics<subcore_parallel>], iteration_bounds = array<i64: 2, 16>, scalar_prefetch = 0 : i64, scratch_operands = 6 : i64, tpu.core_type = #tpu.core_type<sc_vector_subcore>, window_params = [{transform_indices = #map}, {transform_indices = #map}, {transform_indices = #map}, {transform_indices = #map1}, {transform_indices = #map}, {transform_indices = #map}]} {
    %mul3A = arith.constant 2 : i32
    %mul3A_0 = arith.muli %arg1, %mul3A : i32
    %add3A = arith.addi %mul3A_0, %arg0 : i32
    %mul3A_1 = arith.constant 256 : i32
    %mul3A_2 = arith.muli %add3A, %mul3A_1 : i32
    "tpu.region"() ({
      %run_scoped3A = tpu.sem_alloc : memref<!tpu.dma_semaphore, #tpu.memory_space<semaphore_mem>>
      %dma_start3A = arith.constant 0 : i32
      %dma_start3A_6 = tpu.memref_slice %arg2[%dma_start3A, %mul3A_2] : memref<64x8192xf32, #tpu.memory_space<hbm>> -> memref<64x256xf32, #tpu.memory_space<hbm>>
      %dma_start3A_7 = arith.constant 0 : i32
      %dma_start3A_8 = tpu.memref_slice %arg2[%dma_start3A_7, %mul3A_2] : memref<64x8192xf32, #tpu.memory_space<hbm>> -> memref<64x256xf32, #tpu.memory_space<hbm>>
      tpu.enqueue_dma source(%dma_start3A_8 : memref<64x256xf32, #tpu.memory_space<hbm>>) target(%arg8 : memref<64x256xf32, #tpu.memory_space<vmem>>) target_semaphore(%run_scoped3A : memref<!tpu.dma_semaphore, #tpu.memory_space<semaphore_mem>>)
      %dma_wait3A = arith.constant 0 : i32
      %dma_wait3A_9 = tpu.memref_slice %arg2[%dma_wait3A, %mul3A_2] : memref<64x8192xf32, #tpu.memory_space<hbm>> -> memref<64x256xf32, #tpu.memory_space<hbm>>
      %dma_wait3A_10 = arith.constant 0 : i32
      %dma_wait3A_11 = tpu.memref_slice %arg2[%dma_wait3A_10, %mul3A_2] : memref<64x8192xf32, #tpu.memory_space<hbm>> -> memref<64x256xf32, #tpu.memory_space<hbm>>
      tpu.wait_dma2 semaphore(%run_scoped3A : memref<!tpu.dma_semaphore, #tpu.memory_space<semaphore_mem>>) src(%dma_wait3A_11 : memref<64x256xf32, #tpu.memory_space<hbm>>) dst(%arg8 : memref<64x256xf32, #tpu.memory_space<vmem>>)
      tpu.yield
    }) : () -> ()
    "tpu.region"() ({
      %run_scoped3A = tpu.sem_alloc : memref<!tpu.dma_semaphore, #tpu.memory_space<semaphore_mem>>
      %dma_start3A = arith.constant 0 : i32
      %dma_start3A_6 = tpu.memref_slice %arg3[%dma_start3A, %mul3A_2] : memref<8x8192xf32, #tpu.memory_space<hbm>> -> memref<8x256xf32, #tpu.memory_space<hbm>>
      %dma_start3A_7 = arith.constant 0 : i32
      %dma_start3A_8 = tpu.memref_slice %arg3[%dma_start3A_7, %mul3A_2] : memref<8x8192xf32, #tpu.memory_space<hbm>> -> memref<8x256xf32, #tpu.memory_space<hbm>>
      tpu.enqueue_dma source(%dma_start3A_8 : memref<8x256xf32, #tpu.memory_space<hbm>>) target(%arg9 : memref<8x256xf32, #tpu.memory_space<vmem>>) target_semaphore(%run_scoped3A : memref<!tpu.dma_semaphore, #tpu.memory_space<semaphore_mem>>)
      %dma_wait3A = arith.constant 0 : i32
      %dma_wait3A_9 = tpu.memref_slice %arg3[%dma_wait3A, %mul3A_2] : memref<8x8192xf32, #tpu.memory_space<hbm>> -> memref<8x256xf32, #tpu.memory_space<hbm>>
      %dma_wait3A_10 = arith.constant 0 : i32
      %dma_wait3A_11 = tpu.memref_slice %arg3[%dma_wait3A_10, %mul3A_2] : memref<8x8192xf32, #tpu.memory_space<hbm>> -> memref<8x256xf32, #tpu.memory_space<hbm>>
      tpu.wait_dma2 semaphore(%run_scoped3A : memref<!tpu.dma_semaphore, #tpu.memory_space<semaphore_mem>>) src(%dma_wait3A_11 : memref<8x256xf32, #tpu.memory_space<hbm>>) dst(%arg9 : memref<8x256xf32, #tpu.memory_space<vmem>>)
      tpu.yield
    }) : () -> ()
    "tpu.region"() ({
      %run_scoped3A = tpu.sem_alloc : memref<!tpu.dma_semaphore, #tpu.memory_space<semaphore_mem>>
      %dma_start3A = arith.constant 0 : i32
      %dma_start3A_6 = tpu.memref_slice %arg4[%dma_start3A, %mul3A_2] : memref<8x8192xi32, #tpu.memory_space<hbm>> -> memref<8x256xi32, #tpu.memory_space<hbm>>
      %dma_start3A_7 = arith.constant 0 : i32
      %dma_start3A_8 = tpu.memref_slice %arg4[%dma_start3A_7, %mul3A_2] : memref<8x8192xi32, #tpu.memory_space<hbm>> -> memref<8x256xi32, #tpu.memory_space<hbm>>
      tpu.enqueue_dma source(%dma_start3A_8 : memref<8x256xi32, #tpu.memory_space<hbm>>) target(%arg10 : memref<8x256xi32, #tpu.memory_space<vmem>>) target_semaphore(%run_scoped3A : memref<!tpu.dma_semaphore, #tpu.memory_space<semaphore_mem>>)
      %dma_wait3A = arith.constant 0 : i32
      %dma_wait3A_9 = tpu.memref_slice %arg4[%dma_wait3A, %mul3A_2] : memref<8x8192xi32, #tpu.memory_space<hbm>> -> memref<8x256xi32, #tpu.memory_space<hbm>>
      %dma_wait3A_10 = arith.constant 0 : i32
      %dma_wait3A_11 = tpu.memref_slice %arg4[%dma_wait3A_10, %mul3A_2] : memref<8x8192xi32, #tpu.memory_space<hbm>> -> memref<8x256xi32, #tpu.memory_space<hbm>>
      tpu.wait_dma2 semaphore(%run_scoped3A : memref<!tpu.dma_semaphore, #tpu.memory_space<semaphore_mem>>) src(%dma_wait3A_11 : memref<8x256xi32, #tpu.memory_space<hbm>>) dst(%arg10 : memref<8x256xi32, #tpu.memory_space<vmem>>)
      tpu.yield
    }) : () -> ()
    "tpu.region"() ({
      %run_scoped3A = tpu.sem_alloc : memref<!tpu.dma_semaphore, #tpu.memory_space<semaphore_mem>>
      tpu.enqueue_dma source(%arg5 : memref<64xf32, #tpu.memory_space<hbm>>) target(%arg11 : memref<64xf32, #tpu.memory_space<vmem>>) target_semaphore(%run_scoped3A : memref<!tpu.dma_semaphore, #tpu.memory_space<semaphore_mem>>)
      tpu.wait_dma2 semaphore(%run_scoped3A : memref<!tpu.dma_semaphore, #tpu.memory_space<semaphore_mem>>) src(%arg5 : memref<64xf32, #tpu.memory_space<hbm>>) dst(%arg11 : memref<64xf32, #tpu.memory_space<vmem>>)
      tpu.yield
    }) : () -> ()
    %iota3A = tpu.iota {dimensions = array<i32: 0>} : vector<16xi32>
    %broadcast_in_dim3A = arith.constant -1.000000e+00 : f32
    %broadcast_in_dim3A_3 = vector.broadcast %broadcast_in_dim3A : f32 to vector<16xf32>
    %parallel_loop3A = arith.constant 0 : i32
    %parallel_loop3A_4 = arith.constant 16 : i32
    %parallel_loop3A_5 = arith.constant 1 : i32
    scf.for %parallel_loop3A_6 = %parallel_loop3A to %parallel_loop3A_4 step %parallel_loop3A_5  : i32 {
      %parallel_loop3A_7 = arith.constant 16 : i32
      %parallel_loop3A_8 = arith.muli %parallel_loop3A_6, %parallel_loop3A_7 : i32
      %parallel_loop3A_9 = tpu.assume_multiple %parallel_loop3A_8, 16 : i32
      %parallel_loop3A_10 = vector.broadcast %parallel_loop3A_9 : i32 to vector<16xi32>
      %parallel_loop3A_11 = arith.addi %parallel_loop3A_10, %iota3A : vector<16xi32>
      %parallel_loop3A_12 = arith.constant 0 : i32
      %parallel_loop3A_13 = arith.index_cast %parallel_loop3A_12 : i32 to index
      %parallel_loop3A_14 = arith.index_cast %parallel_loop3A_9 : i32 to index
      %parallel_loop3A_15 = tpu.vector_load %arg9[%parallel_loop3A_13, %parallel_loop3A_14] {strides = array<i32>} : memref<8x256xf32, #tpu.memory_space<vmem>>, vector<16xf32>,
      %parallel_loop3A_16 = arith.constant 1 : i32
      %parallel_loop3A_17 = arith.index_cast %parallel_loop3A_16 : i32 to index
      %parallel_loop3A_18 = arith.index_cast %parallel_loop3A_9 : i32 to index
      %parallel_loop3A_19 = tpu.vector_load %arg9[%parallel_loop3A_17, %parallel_loop3A_18] {strides = array<i32>} : memref<8x256xf32, #tpu.memory_space<vmem>>, vector<16xf32>,
      %parallel_loop3A_20 = arith.constant 2 : i32
      %parallel_loop3A_21 = arith.index_cast %parallel_loop3A_20 : i32 to index
      %parallel_loop3A_22 = arith.index_cast %parallel_loop3A_9 : i32 to index
      %parallel_loop3A_23 = tpu.vector_load %arg9[%parallel_loop3A_21, %parallel_loop3A_22] {strides = array<i32>} : memref<8x256xf32, #tpu.memory_space<vmem>>, vector<16xf32>,
      %parallel_loop3A_24 = arith.constant 3 : i32
      %parallel_loop3A_25 = arith.index_cast %parallel_loop3A_24 : i32 to index
      %parallel_loop3A_26 = arith.index_cast %parallel_loop3A_9 : i32 to index
      %parallel_loop3A_27 = tpu.vector_load %arg9[%parallel_loop3A_25, %parallel_loop3A_26] {strides = array<i32>} : memref<8x256xf32, #tpu.memory_space<vmem>>, vector<16xf32>,
      %parallel_loop3A_28 = arith.constant 4 : i32
      %parallel_loop3A_29 = arith.index_cast %parallel_loop3A_28 : i32 to index
      %parallel_loop3A_30 = arith.index_cast %parallel_loop3A_9 : i32 to index
      %parallel_loop3A_31 = tpu.vector_load %arg9[%parallel_loop3A_29, %parallel_loop3A_30] {strides = array<i32>} : memref<8x256xf32, #tpu.memory_space<vmem>>, vector<16xf32>,
      %parallel_loop3A_32 = arith.constant 5 : i32
      %parallel_loop3A_33 = arith.index_cast %parallel_loop3A_32 : i32 to index
      %parallel_loop3A_34 = arith.index_cast %parallel_loop3A_9 : i32 to index
      %parallel_loop3A_35 = tpu.vector_load %arg9[%parallel_loop3A_33, %parallel_loop3A_34] {strides = array<i32>} : memref<8x256xf32, #tpu.memory_space<vmem>>, vector<16xf32>,
      %parallel_loop3A_36 = arith.constant 6 : i32
      %parallel_loop3A_37 = arith.index_cast %parallel_loop3A_36 : i32 to index
      %parallel_loop3A_38 = arith.index_cast %parallel_loop3A_9 : i32 to index
      %parallel_loop3A_39 = tpu.vector_load %arg9[%parallel_loop3A_37, %parallel_loop3A_38] {strides = array<i32>} : memref<8x256xf32, #tpu.memory_space<vmem>>, vector<16xf32>,
      %parallel_loop3A_40 = arith.constant 7 : i32
      %parallel_loop3A_41 = arith.index_cast %parallel_loop3A_40 : i32 to index
      %parallel_loop3A_42 = arith.index_cast %parallel_loop3A_9 : i32 to index
      %parallel_loop3A_43 = tpu.vector_load %arg9[%parallel_loop3A_41, %parallel_loop3A_42] {strides = array<i32>} : memref<8x256xf32, #tpu.memory_space<vmem>>, vector<16xf32>,
      %parallel_loop3A_44 = arith.constant 0 : i32
      %parallel_loop3A_45 = arith.index_cast %parallel_loop3A_44 : i32 to index
      %parallel_loop3A_46 = arith.index_cast %parallel_loop3A_9 : i32 to index
      %parallel_loop3A_47 = tpu.vector_load %arg10[%parallel_loop3A_45, %parallel_loop3A_46] {strides = array<i32>} : memref<8x256xi32, #tpu.memory_space<vmem>>, vector<16xi32>,
      %parallel_loop3A_48 = arith.constant 1 : i32
      %parallel_loop3A_49 = arith.index_cast %parallel_loop3A_48 : i32 to index
      %parallel_loop3A_50 = arith.index_cast %parallel_loop3A_9 : i32 to index
      %parallel_loop3A_51 = tpu.vector_load %arg10[%parallel_loop3A_49, %parallel_loop3A_50] {strides = array<i32>} : memref<8x256xi32, #tpu.memory_space<vmem>>, vector<16xi32>,
      %parallel_loop3A_52 = arith.constant 2 : i32
      %parallel_loop3A_53 = arith.index_cast %parallel_loop3A_52 : i32 to index
      %parallel_loop3A_54 = arith.index_cast %parallel_loop3A_9 : i32 to index
      %parallel_loop3A_55 = tpu.vector_load %arg10[%parallel_loop3A_53, %parallel_loop3A_54] {strides = array<i32>} : memref<8x256xi32, #tpu.memory_space<vmem>>, vector<16xi32>,
      %parallel_loop3A_56 = arith.constant 3 : i32
      %parallel_loop3A_57 = arith.index_cast %parallel_loop3A_56 : i32 to index
      %parallel_loop3A_58 = arith.index_cast %parallel_loop3A_9 : i32 to index
      %parallel_loop3A_59 = tpu.vector_load %arg10[%parallel_loop3A_57, %parallel_loop3A_58] {strides = array<i32>} : memref<8x256xi32, #tpu.memory_space<vmem>>, vector<16xi32>,
      %parallel_loop3A_60 = arith.constant 4 : i32
      %parallel_loop3A_61 = arith.index_cast %parallel_loop3A_60 : i32 to index
      %parallel_loop3A_62 = arith.index_cast %parallel_loop3A_9 : i32 to index
      %parallel_loop3A_63 = tpu.vector_load %arg10[%parallel_loop3A_61, %parallel_loop3A_62] {strides = array<i32>} : memref<8x256xi32, #tpu.memory_space<vmem>>, vector<16xi32>,
      %parallel_loop3A_64 = arith.constant 5 : i32
      %parallel_loop3A_65 = arith.index_cast %parallel_loop3A_64 : i32 to index
      %parallel_loop3A_66 = arith.index_cast %parallel_loop3A_9 : i32 to index
      %parallel_loop3A_67 = tpu.vector_load %arg10[%parallel_loop3A_65, %parallel_loop3A_66] {strides = array<i32>} : memref<8x256xi32, #tpu.memory_space<vmem>>, vector<16xi32>,
      %parallel_loop3A_68 = arith.constant 6 : i32
      %parallel_loop3A_69 = arith.index_cast %parallel_loop3A_68 : i32 to index
      %parallel_loop3A_70 = arith.index_cast %parallel_loop3A_9 : i32 to index
      %parallel_loop3A_71 = tpu.vector_load %arg10[%parallel_loop3A_69, %parallel_loop3A_70] {strides = array<i32>} : memref<8x256xi32, #tpu.memory_space<vmem>>, vector<16xi32>,
      %parallel_loop3A_72 = arith.constant 7 : i32
      %parallel_loop3A_73 = arith.index_cast %parallel_loop3A_72 : i32 to index
      %parallel_loop3A_74 = arith.index_cast %parallel_loop3A_9 : i32 to index
      %parallel_loop3A_75 = tpu.vector_load %arg10[%parallel_loop3A_73, %parallel_loop3A_74] {strides = array<i32>} : memref<8x256xi32, #tpu.memory_space<vmem>>, vector<16xi32>,
      %parallel_loop3A_76 = arith.constant 0.000000e+00 : f32
      %parallel_loop3A_77 = vector.broadcast %parallel_loop3A_76 : f32 to vector<16xf32>
      %parallel_loop3A_78 = arith.cmpf ogt, %parallel_loop3A_19, %parallel_loop3A_15 : vector<16xf32>
      %parallel_loop3A_79 = arith.maximumf %parallel_loop3A_15, %parallel_loop3A_19 : vector<16xf32>
      %parallel_loop3A_80 = arith.select %parallel_loop3A_78, %parallel_loop3A_51, %parallel_loop3A_47 : vector<16xi1>, vector<16xi32>
      %parallel_loop3A_81 = arith.cmpf ogt, %parallel_loop3A_27, %parallel_loop3A_23 : vector<16xf32>
      %parallel_loop3A_82 = arith.maximumf %parallel_loop3A_23, %parallel_loop3A_27 : vector<16xf32>
      %parallel_loop3A_83 = arith.select %parallel_loop3A_81, %parallel_loop3A_59, %parallel_loop3A_55 : vector<16xi1>, vector<16xi32>
      %parallel_loop3A_84 = arith.cmpf ogt, %parallel_loop3A_35, %parallel_loop3A_31 : vector<16xf32>
      %parallel_loop3A_85 = arith.maximumf %parallel_loop3A_31, %parallel_loop3A_35 : vector<16xf32>
      %parallel_loop3A_86 = arith.select %parallel_loop3A_84, %parallel_loop3A_67, %parallel_loop3A_63 : vector<16xi1>, vector<16xi32>
      %parallel_loop3A_87 = arith.cmpf ogt, %parallel_loop3A_43, %parallel_loop3A_39 : vector<16xf32>
      %parallel_loop3A_88 = arith.maximumf %parallel_loop3A_39, %parallel_loop3A_43 : vector<16xf32>
      %parallel_loop3A_89 = arith.select %parallel_loop3A_87, %parallel_loop3A_75, %parallel_loop3A_71 : vector<16xi1>, vector<16xi32>
      %parallel_loop3A_90 = arith.cmpf ogt, %parallel_loop3A_82, %parallel_loop3A_79 : vector<16xf32>
      %parallel_loop3A_91 = arith.maximumf %parallel_loop3A_79, %parallel_loop3A_82 : vector<16xf32>
      %parallel_loop3A_92 = arith.select %parallel_loop3A_90, %parallel_loop3A_83, %parallel_loop3A_80 : vector<16xi1>, vector<16xi32>
      %parallel_loop3A_93 = arith.cmpf ogt, %parallel_loop3A_88, %parallel_loop3A_85 : vector<16xf32>
      %parallel_loop3A_94 = arith.maximumf %parallel_loop3A_85, %parallel_loop3A_88 : vector<16xf32>
      %parallel_loop3A_95 = arith.select %parallel_loop3A_93, %parallel_loop3A_89, %parallel_loop3A_86 : vector<16xi1>, vector<16xi32>
      %parallel_loop3A_96 = arith.cmpf ogt, %parallel_loop3A_94, %parallel_loop3A_91 : vector<16xf32>
      %parallel_loop3A_97 = arith.maximumf %parallel_loop3A_91, %parallel_loop3A_94 : vector<16xf32>
      %parallel_loop3A_98 = arith.select %parallel_loop3A_96, %parallel_loop3A_95, %parallel_loop3A_92 : vector<16xi1>, vector<16xi32>
      %parallel_loop3A_99 = tpu.vector_load_idx %arg11[%parallel_loop3A_98] : memref<64xf32, #tpu.memory_space<vmem>>[vector<16xi32>], vector<16xf32>,
      %parallel_loop3A_100 = arith.subf %parallel_loop3A_97, %parallel_loop3A_99 : vector<16xf32>
      %parallel_loop3A_101 = arith.addf %parallel_loop3A_77, %parallel_loop3A_100 : vector<16xf32>
      tpu.vector_store_idx %arg8[%parallel_loop3A_98, %parallel_loop3A_11], %broadcast_in_dim3A_3 : memref<64x256xf32, #tpu.memory_space<vmem>>[vector<16xi32>, vector<16xi32>], vector<16xf32>,
      %parallel_loop3A_102 = arith.constant -8 : i32
      %parallel_loop3A_103 = vector.broadcast %parallel_loop3A_102 : i32 to vector<16xi32>
      %parallel_loop3A_104 = arith.andi %parallel_loop3A_98, %parallel_loop3A_103 : vector<16xi32>
      %parallel_loop3A_105 = arith.constant 0 : i32
      %parallel_loop3A_106 = vector.broadcast %parallel_loop3A_105 : i32 to vector<16xi32>
      %parallel_loop3A_107 = arith.addi %parallel_loop3A_104, %parallel_loop3A_106 : vector<16xi32>
      %parallel_loop3A_108 = tpu.vector_load_idx %arg8[%parallel_loop3A_107, %parallel_loop3A_11] : memref<64x256xf32, #tpu.memory_space<vmem>>[vector<16xi32>, vector<16xi32>], vector<16xf32>,
      %parallel_loop3A_109 = arith.constant 1 : i32
      %parallel_loop3A_110 = vector.broadcast %parallel_loop3A_109 : i32 to vector<16xi32>
      %parallel_loop3A_111 = arith.addi %parallel_loop3A_104, %parallel_loop3A_110 : vector<16xi32>
      %parallel_loop3A_112 = tpu.vector_load_idx %arg8[%parallel_loop3A_111, %parallel_loop3A_11] : memref<64x256xf32, #tpu.memory_space<vmem>>[vector<16xi32>, vector<16xi32>], vector<16xf32>,
      %parallel_loop3A_113 = arith.constant 2 : i32
      %parallel_loop3A_114 = vector.broadcast %parallel_loop3A_113 : i32 to vector<16xi32>
      %parallel_loop3A_115 = arith.addi %parallel_loop3A_104, %parallel_loop3A_114 : vector<16xi32>
      %parallel_loop3A_116 = tpu.vector_load_idx %arg8[%parallel_loop3A_115, %parallel_loop3A_11] : memref<64x256xf32, #tpu.memory_space<vmem>>[vector<16xi32>, vector<16xi32>], vector<16xf32>,
      %parallel_loop3A_117 = arith.constant 3 : i32
      %parallel_loop3A_118 = vector.broadcast %parallel_loop3A_117 : i32 to vector<16xi32>
      %parallel_loop3A_119 = arith.addi %parallel_loop3A_104, %parallel_loop3A_118 : vector<16xi32>
      %parallel_loop3A_120 = tpu.vector_load_idx %arg8[%parallel_loop3A_119, %parallel_loop3A_11] : memref<64x256xf32, #tpu.memory_space<vmem>>[vector<16xi32>, vector<16xi32>], vector<16xf32>,
      %parallel_loop3A_121 = arith.constant 4 : i32
      %parallel_loop3A_122 = vector.broadcast %parallel_loop3A_121 : i32 to vector<16xi32>
      %parallel_loop3A_123 = arith.addi %parallel_loop3A_104, %parallel_loop3A_122 : vector<16xi32>
      %parallel_loop3A_124 = tpu.vector_load_idx %arg8[%parallel_loop3A_123, %parallel_loop3A_11] : memref<64x256xf32, #tpu.memory_space<vmem>>[vector<16xi32>, vector<16xi32>], vector<16xf32>,
      %parallel_loop3A_125 = arith.constant 5 : i32
      %parallel_loop3A_126 = vector.broadcast %parallel_loop3A_125 : i32 to vector<16xi32>
      %parallel_loop3A_127 = arith.addi %parallel_loop3A_104, %parallel_loop3A_126 : vector<16xi32>
      %parallel_loop3A_128 = tpu.vector_load_idx %arg8[%parallel_loop3A_127, %parallel_loop3A_11] : memref<64x256xf32, #tpu.memory_space<vmem>>[vector<16xi32>, vector<16xi32>], vector<16xf32>,
      %parallel_loop3A_129 = arith.constant 6 : i32
      %parallel_loop3A_130 = vector.broadcast %parallel_loop3A_129 : i32 to vector<16xi32>
      %parallel_loop3A_131 = arith.addi %parallel_loop3A_104, %parallel_loop3A_130 : vector<16xi32>
      %parallel_loop3A_132 = tpu.vector_load_idx %arg8[%parallel_loop3A_131, %parallel_loop3A_11] : memref<64x256xf32, #tpu.memory_space<vmem>>[vector<16xi32>, vector<16xi32>], vector<16xf32>,
      %parallel_loop3A_133 = arith.constant 7 : i32
      %parallel_loop3A_134 = vector.broadcast %parallel_loop3A_133 : i32 to vector<16xi32>
      %parallel_loop3A_135 = arith.addi %parallel_loop3A_104, %parallel_loop3A_134 : vector<16xi32>
      %parallel_loop3A_136 = tpu.vector_load_idx %arg8[%parallel_loop3A_135, %parallel_loop3A_11] : memref<64x256xf32, #tpu.memory_space<vmem>>[vector<16xi32>, vector<16xi32>], vector<16xf32>,
      %parallel_loop3A_137 = arith.constant 0 : i32
      %parallel_loop3A_138 = vector.broadcast %parallel_loop3A_137 : i32 to vector<16xi32>
      %parallel_loop3A_139 = arith.addi %parallel_loop3A_104, %parallel_loop3A_138 : vector<16xi32>
      %parallel_loop3A_140 = arith.constant 1 : i32
      %parallel_loop3A_141 = vector.broadcast %parallel_loop3A_140 : i32 to vector<16xi32>
      %parallel_loop3A_142 = arith.addi %parallel_loop3A_104, %parallel_loop3A_141 : vector<16xi32>
      %parallel_loop3A_143 = arith.constant 2 : i32
      %parallel_loop3A_144 = vector.broadcast %parallel_loop3A_143 : i32 to vector<16xi32>
      %parallel_loop3A_145 = arith.addi %parallel_loop3A_104, %parallel_loop3A_144 : vector<16xi32>
      %parallel_loop3A_146 = arith.constant 3 : i32
      %parallel_loop3A_147 = vector.broadcast %parallel_loop3A_146 : i32 to vector<16xi32>
      %parallel_loop3A_148 = arith.addi %parallel_loop3A_104, %parallel_loop3A_147 : vector<16xi32>
      %parallel_loop3A_149 = arith.constant 4 : i32
      %parallel_loop3A_150 = vector.broadcast %parallel_loop3A_149 : i32 to vector<16xi32>
      %parallel_loop3A_151 = arith.addi %parallel_loop3A_104, %parallel_loop3A_150 : vector<16xi32>
      %parallel_loop3A_152 = arith.constant 5 : i32
      %parallel_loop3A_153 = vector.broadcast %parallel_loop3A_152 : i32 to vector<16xi32>
      %parallel_loop3A_154 = arith.addi %parallel_loop3A_104, %parallel_loop3A_153 : vector<16xi32>
      %parallel_loop3A_155 = arith.constant 6 : i32
      %parallel_loop3A_156 = vector.broadcast %parallel_loop3A_155 : i32 to vector<16xi32>
      %parallel_loop3A_157 = arith.addi %parallel_loop3A_104, %parallel_loop3A_156 : vector<16xi32>
      %parallel_loop3A_158 = arith.constant 7 : i32
      %parallel_loop3A_159 = vector.broadcast %parallel_loop3A_158 : i32 to vector<16xi32>
      %parallel_loop3A_160 = arith.addi %parallel_loop3A_104, %parallel_loop3A_159 : vector<16xi32>
      %parallel_loop3A_161 = arith.cmpf ogt, %parallel_loop3A_112, %parallel_loop3A_108 : vector<16xf32>
      %parallel_loop3A_162 = arith.maximumf %parallel_loop3A_108, %parallel_loop3A_112 : vector<16xf32>
      %parallel_loop3A_163 = arith.select %parallel_loop3A_161, %parallel_loop3A_142, %parallel_loop3A_139 : vector<16xi1>, vector<16xi32>
      %parallel_loop3A_164 = arith.cmpf ogt, %parallel_loop3A_120, %parallel_loop3A_116 : vector<16xf32>
      %parallel_loop3A_165 = arith.maximumf %parallel_loop3A_116, %parallel_loop3A_120 : vector<16xf32>
      %parallel_loop3A_166 = arith.select %parallel_loop3A_164, %parallel_loop3A_148, %parallel_loop3A_145 : vector<16xi1>, vector<16xi32>
      %parallel_loop3A_167 = arith.cmpf ogt, %parallel_loop3A_128, %parallel_loop3A_124 : vector<16xf32>
      %parallel_loop3A_168 = arith.maximumf %parallel_loop3A_124, %parallel_loop3A_128 : vector<16xf32>
      %parallel_loop3A_169 = arith.select %parallel_loop3A_167, %parallel_loop3A_154, %parallel_loop3A_151 : vector<16xi1>, vector<16xi32>
      %parallel_loop3A_170 = arith.cmpf ogt, %parallel_loop3A_136, %parallel_loop3A_132 : vector<16xf32>
      %parallel_loop3A_171 = arith.maximumf %parallel_loop3A_132, %parallel_loop3A_136 : vector<16xf32>
      %parallel_loop3A_172 = arith.select %parallel_loop3A_170, %parallel_loop3A_160, %parallel_loop3A_157 : vector<16xi1>, vector<16xi32>
      %parallel_loop3A_173 = arith.cmpf ogt, %parallel_loop3A_165, %parallel_loop3A_162 : vector<16xf32>
      %parallel_loop3A_174 = arith.maximumf %parallel_loop3A_162, %parallel_loop3A_165 : vector<16xf32>
      %parallel_loop3A_175 = arith.select %parallel_loop3A_173, %parallel_loop3A_166, %parallel_loop3A_163 : vector<16xi1>, vector<16xi32>
      %parallel_loop3A_176 = arith.cmpf ogt, %parallel_loop3A_171, %parallel_loop3A_168 : vector<16xf32>
      %parallel_loop3A_177 = arith.maximumf %parallel_loop3A_168, %parallel_loop3A_171 : vector<16xf32>
      %parallel_loop3A_178 = arith.select %parallel_loop3A_176, %parallel_loop3A_172, %parallel_loop3A_169 : vector<16xi1>, vector<16xi32>
      %parallel_loop3A_179 = arith.cmpf ogt, %parallel_loop3A_177, %parallel_loop3A_174 : vector<16xf32>
      %parallel_loop3A_180 = arith.maximumf %parallel_loop3A_174, %parallel_loop3A_177 : vector<16xf32>
      %parallel_loop3A_181 = arith.select %parallel_loop3A_179, %parallel_loop3A_178, %parallel_loop3A_175 : vector<16xi1>, vector<16xi32>
      %parallel_loop3A_182 = arith.constant 3 : i32
      %parallel_loop3A_183 = vector.broadcast %parallel_loop3A_182 : i32 to vector<16xi32>
      %parallel_loop3A_184 = arith.shrui %parallel_loop3A_98, %parallel_loop3A_183 : vector<16xi32>
      %parallel_loop3A_185 = arith.constant 0 : i32
      %parallel_loop3A_186 = vector.broadcast %parallel_loop3A_185 : i32 to vector<16xi32>
      %parallel_loop3A_187 = arith.cmpi eq, %parallel_loop3A_184, %parallel_loop3A_186 : vector<16xi32>
      %parallel_loop3A_188 = arith.select %parallel_loop3A_187, %parallel_loop3A_180, %parallel_loop3A_15 : vector<16xi1>, vector<16xf32>
      %parallel_loop3A_189 = arith.select %parallel_loop3A_187, %parallel_loop3A_181, %parallel_loop3A_47 : vector<16xi1>, vector<16xi32>
      %parallel_loop3A_190 = arith.constant 1 : i32
      %parallel_loop3A_191 = vector.broadcast %parallel_loop3A_190 : i32 to vector<16xi32>
      %parallel_loop3A_192 = arith.cmpi eq, %parallel_loop3A_184, %parallel_loop3A_191 : vector<16xi32>
      %parallel_loop3A_193 = arith.select %parallel_loop3A_192, %parallel_loop3A_180, %parallel_loop3A_19 : vector<16xi1>, vector<16xf32>
      %parallel_loop3A_194 = arith.select %parallel_loop3A_192, %parallel_loop3A_181, %parallel_loop3A_51 : vector<16xi1>, vector<16xi32>
      %parallel_loop3A_195 = arith.constant 2 : i32
      %parallel_loop3A_196 = vector.broadcast %parallel_loop3A_195 : i32 to vector<16xi32>
      %parallel_loop3A_197 = arith.cmpi eq, %parallel_loop3A_184, %parallel_loop3A_196 : vector<16xi32>
      %parallel_loop3A_198 = arith.select %parallel_loop3A_197, %parallel_loop3A_180, %parallel_loop3A_23 : vector<16xi1>, vector<16xf32>
      %parallel_loop3A_199 = arith.select %parallel_loop3A_197, %parallel_loop3A_181, %parallel_loop3A_55 : vector<16xi1>, vector<16xi32>
      %parallel_loop3A_200 = arith.constant 3 : i32
      %parallel_loop3A_201 = vector.broadcast %parallel_loop3A_200 : i32 to vector<16xi32>
      %parallel_loop3A_202 = arith.cmpi eq, %parallel_loop3A_184, %parallel_loop3A_201 : vector<16xi32>
      %parallel_loop3A_203 = arith.select %parallel_loop3A_202, %parallel_loop3A_180, %parallel_loop3A_27 : vector<16xi1>, vector<16xf32>
      %parallel_loop3A_204 = arith.select %parallel_loop3A_202, %parallel_loop3A_181, %parallel_loop3A_59 : vector<16xi1>, vector<16xi32>
      %parallel_loop3A_205 = arith.constant 4 : i32
      %parallel_loop3A_206 = vector.broadcast %parallel_loop3A_205 : i32 to vector<16xi32>
      %parallel_loop3A_207 = arith.cmpi eq, %parallel_loop3A_184, %parallel_loop3A_206 : vector<16xi32>
      %parallel_loop3A_208 = arith.select %parallel_loop3A_207, %parallel_loop3A_180, %parallel_loop3A_31 : vector<16xi1>, vector<16xf32>
      %parallel_loop3A_209 = arith.select %parallel_loop3A_207, %parallel_loop3A_181, %parallel_loop3A_63 : vector<16xi1>, vector<16xi32>
      %parallel_loop3A_210 = arith.constant 5 : i32
      %parallel_loop3A_211 = vector.broadcast %parallel_loop3A_210 : i32 to vector<16xi32>
      %parallel_loop3A_212 = arith.cmpi eq, %parallel_loop3A_184, %parallel_loop3A_211 : vector<16xi32>
      %parallel_loop3A_213 = arith.select %parallel_loop3A_212, %parallel_loop3A_180, %parallel_loop3A_35 : vector<16xi1>, vector<16xf32>
      %parallel_loop3A_214 = arith.select %parallel_loop3A_212, %parallel_loop3A_181, %parallel_loop3A_67 : vector<16xi1>, vector<16xi32>
      %parallel_loop3A_215 = arith.constant 6 : i32
      %parallel_loop3A_216 = vector.broadcast %parallel_loop3A_215 : i32 to vector<16xi32>
      %parallel_loop3A_217 = arith.cmpi eq, %parallel_loop3A_184, %parallel_loop3A_216 : vector<16xi32>
      %parallel_loop3A_218 = arith.select %parallel_loop3A_217, %parallel_loop3A_180, %parallel_loop3A_39 : vector<16xi1>, vector<16xf32>
      %parallel_loop3A_219 = arith.select %parallel_loop3A_217, %parallel_loop3A_181, %parallel_loop3A_71 : vector<16xi1>, vector<16xi32>
      %parallel_loop3A_220 = arith.constant 7 : i32
      %parallel_loop3A_221 = vector.broadcast %parallel_loop3A_220 : i32 to vector<16xi32>
      %parallel_loop3A_222 = arith.cmpi eq, %parallel_loop3A_184, %parallel_loop3A_221 : vector<16xi32>
      %parallel_loop3A_223 = arith.select %parallel_loop3A_222, %parallel_loop3A_180, %parallel_loop3A_43 : vector<16xi1>, vector<16xf32>
      %parallel_loop3A_224 = arith.select %parallel_loop3A_222, %parallel_loop3A_181, %parallel_loop3A_75 : vector<16xi1>, vector<16xi32>
      %parallel_loop3A_225 = arith.cmpf ogt, %parallel_loop3A_193, %parallel_loop3A_188 : vector<16xf32>
      %parallel_loop3A_226 = arith.maximumf %parallel_loop3A_188, %parallel_loop3A_193 : vector<16xf32>
      %parallel_loop3A_227 = arith.select %parallel_loop3A_225, %parallel_loop3A_194, %parallel_loop3A_189 : vector<16xi1>, vector<16xi32>
      %parallel_loop3A_228 = arith.cmpf ogt, %parallel_loop3A_203, %parallel_loop3A_198 : vector<16xf32>
      %parallel_loop3A_229 = arith.maximumf %parallel_loop3A_198, %parallel_loop3A_203 : vector<16xf32>
      %parallel_loop3A_230 = arith.select %parallel_loop3A_228, %parallel_loop3A_204, %parallel_loop3A_199 : vector<16xi1>, vector<16xi32>
      %parallel_loop3A_231 = arith.cmpf ogt, %parallel_loop3A_213, %parallel_loop3A_208 : vector<16xf32>
      %parallel_loop3A_232 = arith.maximumf %parallel_loop3A_208, %parallel_loop3A_213 : vector<16xf32>
      %parallel_loop3A_233 = arith.select %parallel_loop3A_231, %parallel_loop3A_214, %parallel_loop3A_209 : vector<16xi1>, vector<16xi32>
      %parallel_loop3A_234 = arith.cmpf ogt, %parallel_loop3A_223, %parallel_loop3A_218 : vector<16xf32>
      %parallel_loop3A_235 = arith.maximumf %parallel_loop3A_218, %parallel_loop3A_223 : vector<16xf32>
      %parallel_loop3A_236 = arith.select %parallel_loop3A_234, %parallel_loop3A_224, %parallel_loop3A_219 : vector<16xi1>, vector<16xi32>
      %parallel_loop3A_237 = arith.cmpf ogt, %parallel_loop3A_229, %parallel_loop3A_226 : vector<16xf32>
      %parallel_loop3A_238 = arith.maximumf %parallel_loop3A_226, %parallel_loop3A_229 : vector<16xf32>
      %parallel_loop3A_239 = arith.select %parallel_loop3A_237, %parallel_loop3A_230, %parallel_loop3A_227 : vector<16xi1>, vector<16xi32>
      %parallel_loop3A_240 = arith.cmpf ogt, %parallel_loop3A_235, %parallel_loop3A_232 : vector<16xf32>
      %parallel_loop3A_241 = arith.maximumf %parallel_loop3A_232, %parallel_loop3A_235 : vector<16xf32>
      %parallel_loop3A_242 = arith.select %parallel_loop3A_240, %parallel_loop3A_236, %parallel_loop3A_233 : vector<16xi1>, vector<16xi32>
      %parallel_loop3A_243 = arith.cmpf ogt, %parallel_loop3A_241, %parallel_loop3A_238 : vector<16xf32>
      %parallel_loop3A_244 = arith.maximumf %parallel_loop3A_238, %parallel_loop3A_241 : vector<16xf32>
      %parallel_loop3A_245 = arith.select %parallel_loop3A_243, %parallel_loop3A_242, %parallel_loop3A_239 : vector<16xi1>, vector<16xi32>
      %parallel_loop3A_246 = tpu.vector_load_idx %arg11[%parallel_loop3A_245] : memref<64xf32, #tpu.memory_space<vmem>>[vector<16xi32>], vector<16xf32>,
      %parallel_loop3A_247 = arith.subf %parallel_loop3A_244, %parallel_loop3A_246 : vector<16xf32>
      %parallel_loop3A_248 = arith.addf %parallel_loop3A_101, %parallel_loop3A_247 : vector<16xf32>
      tpu.vector_store_idx %arg8[%parallel_loop3A_245, %parallel_loop3A_11], %broadcast_in_dim3A_3 : memref<64x256xf32, #tpu.memory_space<vmem>>[vector<16xi32>, vector<16xi32>], vector<16xf32>,
      %parallel_loop3A_249 = arith.constant -8 : i32
      %parallel_loop3A_250 = vector.broadcast %parallel_loop3A_249 : i32 to vector<16xi32>
      %parallel_loop3A_251 = arith.andi %parallel_loop3A_245, %parallel_loop3A_250 : vector<16xi32>
      %parallel_loop3A_252 = arith.constant 0 : i32
      %parallel_loop3A_253 = vector.broadcast %parallel_loop3A_252 : i32 to vector<16xi32>
      %parallel_loop3A_254 = arith.addi %parallel_loop3A_251, %parallel_loop3A_253 : vector<16xi32>
      %parallel_loop3A_255 = tpu.vector_load_idx %arg8[%parallel_loop3A_254, %parallel_loop3A_11] : memref<64x256xf32, #tpu.memory_space<vmem>>[vector<16xi32>, vector<16xi32>], vector<16xf32>,
      %parallel_loop3A_256 = arith.constant 1 : i32
      %parallel_loop3A_257 = vector.broadcast %parallel_loop3A_256 : i32 to vector<16xi32>
      %parallel_loop3A_258 = arith.addi %parallel_loop3A_251, %parallel_loop3A_257 : vector<16xi32>
      %parallel_loop3A_259 = tpu.vector_load_idx %arg8[%parallel_loop3A_258, %parallel_loop3A_11] : memref<64x256xf32, #tpu.memory_space<vmem>>[vector<16xi32>, vector<16xi32>], vector<16xf32>,
      %parallel_loop3A_260 = arith.constant 2 : i32
      %parallel_loop3A_261 = vector.broadcast %parallel_loop3A_260 : i32 to vector<16xi32>
      %parallel_loop3A_262 = arith.addi %parallel_loop3A_251, %parallel_loop3A_261 : vector<16xi32>
      %parallel_loop3A_263 = tpu.vector_load_idx %arg8[%parallel_loop3A_262, %parallel_loop3A_11] : memref<64x256xf32, #tpu.memory_space<vmem>>[vector<16xi32>, vector<16xi32>], vector<16xf32>,
      %parallel_loop3A_264 = arith.constant 3 : i32
      %parallel_loop3A_265 = vector.broadcast %parallel_loop3A_264 : i32 to vector<16xi32>
      %parallel_loop3A_266 = arith.addi %parallel_loop3A_251, %parallel_loop3A_265 : vector<16xi32>
      %parallel_loop3A_267 = tpu.vector_load_idx %arg8[%parallel_loop3A_266, %parallel_loop3A_11] : memref<64x256xf32, #tpu.memory_space<vmem>>[vector<16xi32>, vector<16xi32>], vector<16xf32>,
      %parallel_loop3A_268 = arith.constant 4 : i32
      %parallel_loop3A_269 = vector.broadcast %parallel_loop3A_268 : i32 to vector<16xi32>
      %parallel_loop3A_270 = arith.addi %parallel_loop3A_251, %parallel_loop3A_269 : vector<16xi32>
      %parallel_loop3A_271 = tpu.vector_load_idx %arg8[%parallel_loop3A_270, %parallel_loop3A_11] : memref<64x256xf32, #tpu.memory_space<vmem>>[vector<16xi32>, vector<16xi32>], vector<16xf32>,
      %parallel_loop3A_272 = arith.constant 5 : i32
      %parallel_loop3A_273 = vector.broadcast %parallel_loop3A_272 : i32 to vector<16xi32>
      %parallel_loop3A_274 = arith.addi %parallel_loop3A_251, %parallel_loop3A_273 : vector<16xi32>
      %parallel_loop3A_275 = tpu.vector_load_idx %arg8[%parallel_loop3A_274, %parallel_loop3A_11] : memref<64x256xf32, #tpu.memory_space<vmem>>[vector<16xi32>, vector<16xi32>], vector<16xf32>,
      %parallel_loop3A_276 = arith.constant 6 : i32
      %parallel_loop3A_277 = vector.broadcast %parallel_loop3A_276 : i32 to vector<16xi32>
      %parallel_loop3A_278 = arith.addi %parallel_loop3A_251, %parallel_loop3A_277 : vector<16xi32>
      %parallel_loop3A_279 = tpu.vector_load_idx %arg8[%parallel_loop3A_278, %parallel_loop3A_11] : memref<64x256xf32, #tpu.memory_space<vmem>>[vector<16xi32>, vector<16xi32>], vector<16xf32>,
      %parallel_loop3A_280 = arith.constant 7 : i32
      %parallel_loop3A_281 = vector.broadcast %parallel_loop3A_280 : i32 to vector<16xi32>
      %parallel_loop3A_282 = arith.addi %parallel_loop3A_251, %parallel_loop3A_281 : vector<16xi32>
      %parallel_loop3A_283 = tpu.vector_load_idx %arg8[%parallel_loop3A_282, %parallel_loop3A_11] : memref<64x256xf32, #tpu.memory_space<vmem>>[vector<16xi32>, vector<16xi32>], vector<16xf32>,
      %parallel_loop3A_284 = arith.constant 0 : i32
      %parallel_loop3A_285 = vector.broadcast %parallel_loop3A_284 : i32 to vector<16xi32>
      %parallel_loop3A_286 = arith.addi %parallel_loop3A_251, %parallel_loop3A_285 : vector<16xi32>
      %parallel_loop3A_287 = arith.constant 1 : i32
      %parallel_loop3A_288 = vector.broadcast %parallel_loop3A_287 : i32 to vector<16xi32>
      %parallel_loop3A_289 = arith.addi %parallel_loop3A_251, %parallel_loop3A_288 : vector<16xi32>
      %parallel_loop3A_290 = arith.constant 2 : i32
      %parallel_loop3A_291 = vector.broadcast %parallel_loop3A_290 : i32 to vector<16xi32>
      %parallel_loop3A_292 = arith.addi %parallel_loop3A_251, %parallel_loop3A_291 : vector<16xi32>
      %parallel_loop3A_293 = arith.constant 3 : i32
      %parallel_loop3A_294 = vector.broadcast %parallel_loop3A_293 : i32 to vector<16xi32>
      %parallel_loop3A_295 = arith.addi %parallel_loop3A_251, %parallel_loop3A_294 : vector<16xi32>
      %parallel_loop3A_296 = arith.constant 4 : i32
      %parallel_loop3A_297 = vector.broadcast %parallel_loop3A_296 : i32 to vector<16xi32>
      %parallel_loop3A_298 = arith.addi %parallel_loop3A_251, %parallel_loop3A_297 : vector<16xi32>
      %parallel_loop3A_299 = arith.constant 5 : i32
      %parallel_loop3A_300 = vector.broadcast %parallel_loop3A_299 : i32 to vector<16xi32>
      %parallel_loop3A_301 = arith.addi %parallel_loop3A_251, %parallel_loop3A_300 : vector<16xi32>
      %parallel_loop3A_302 = arith.constant 6 : i32
      %parallel_loop3A_303 = vector.broadcast %parallel_loop3A_302 : i32 to vector<16xi32>
      %parallel_loop3A_304 = arith.addi %parallel_loop3A_251, %parallel_loop3A_303 : vector<16xi32>
      %parallel_loop3A_305 = arith.constant 7 : i32
      %parallel_loop3A_306 = vector.broadcast %parallel_loop3A_305 : i32 to vector<16xi32>
      %parallel_loop3A_307 = arith.addi %parallel_loop3A_251, %parallel_loop3A_306 : vector<16xi32>
      %parallel_loop3A_308 = arith.cmpf ogt, %parallel_loop3A_259, %parallel_loop3A_255 : vector<16xf32>
      %parallel_loop3A_309 = arith.maximumf %parallel_loop3A_255, %parallel_loop3A_259 : vector<16xf32>
      %parallel_loop3A_310 = arith.select %parallel_loop3A_308, %parallel_loop3A_289, %parallel_loop3A_286 : vector<16xi1>, vector<16xi32>
      %parallel_loop3A_311 = arith.cmpf ogt, %parallel_loop3A_267, %parallel_loop3A_263 : vector<16xf32>
      %parallel_loop3A_312 = arith.maximumf %parallel_loop3A_263, %parallel_loop3A_267 : vector<16xf32>
      %parallel_loop3A_313 = arith.select %parallel_loop3A_311, %parallel_loop3A_295, %parallel_loop3A_292 : vector<16xi1>, vector<16xi32>
      %parallel_loop3A_314 = arith.cmpf ogt, %parallel_loop3A_275, %parallel_loop3A_271 : vector<16xf32>
      %parallel_loop3A_315 = arith.maximumf %parallel_loop3A_271, %parallel_loop3A_275 : vector<16xf32>
      %parallel_loop3A_316 = arith.select %parallel_loop3A_314, %parallel_loop3A_301, %parallel_loop3A_298 : vector<16xi1>, vector<16xi32>
      %parallel_loop3A_317 = arith.cmpf ogt, %parallel_loop3A_283, %parallel_loop3A_279 : vector<16xf32>
      %parallel_loop3A_318 = arith.maximumf %parallel_loop3A_279, %parallel_loop3A_283 : vector<16xf32>
      %parallel_loop3A_319 = arith.select %parallel_loop3A_317, %parallel_loop3A_307, %parallel_loop3A_304 : vector<16xi1>, vector<16xi32>
      %parallel_loop3A_320 = arith.cmpf ogt, %parallel_loop3A_312, %parallel_loop3A_309 : vector<16xf32>
      %parallel_loop3A_321 = arith.maximumf %parallel_loop3A_309, %parallel_loop3A_312 : vector<16xf32>
      %parallel_loop3A_322 = arith.select %parallel_loop3A_320, %parallel_loop3A_313, %parallel_loop3A_310 : vector<16xi1>, vector<16xi32>
      %parallel_loop3A_323 = arith.cmpf ogt, %parallel_loop3A_318, %parallel_loop3A_315 : vector<16xf32>
      %parallel_loop3A_324 = arith.maximumf %parallel_loop3A_315, %parallel_loop3A_318 : vector<16xf32>
      %parallel_loop3A_325 = arith.select %parallel_loop3A_323, %parallel_loop3A_319, %parallel_loop3A_316 : vector<16xi1>, vector<16xi32>
      %parallel_loop3A_326 = arith.cmpf ogt, %parallel_loop3A_324, %parallel_loop3A_321 : vector<16xf32>
      %parallel_loop3A_327 = arith.maximumf %parallel_loop3A_321, %parallel_loop3A_324 : vector<16xf32>
      %parallel_loop3A_328 = arith.select %parallel_loop3A_326, %parallel_loop3A_325, %parallel_loop3A_322 : vector<16xi1>, vector<16xi32>
      %parallel_loop3A_329 = arith.constant 3 : i32
      %parallel_loop3A_330 = vector.broadcast %parallel_loop3A_329 : i32 to vector<16xi32>
      %parallel_loop3A_331 = arith.shrui %parallel_loop3A_245, %parallel_loop3A_330 : vector<16xi32>
      %parallel_loop3A_332 = arith.constant 0 : i32
      %parallel_loop3A_333 = vector.broadcast %parallel_loop3A_332 : i32 to vector<16xi32>
      %parallel_loop3A_334 = arith.cmpi eq, %parallel_loop3A_331, %parallel_loop3A_333 : vector<16xi32>
      %parallel_loop3A_335 = arith.select %parallel_loop3A_334, %parallel_loop3A_327, %parallel_loop3A_188 : vector<16xi1>, vector<16xf32>
      %parallel_loop3A_336 = arith.select %parallel_loop3A_334, %parallel_loop3A_328, %parallel_loop3A_189 : vector<16xi1>, vector<16xi32>
      %parallel_loop3A_337 = arith.constant 1 : i32
      %parallel_loop3A_338 = vector.broadcast %parallel_loop3A_337 : i32 to vector<16xi32>
      %parallel_loop3A_339 = arith.cmpi eq, %parallel_loop3A_331, %parallel_loop3A_338 : vector<16xi32>
      %parallel_loop3A_340 = arith.select %parallel_loop3A_339, %parallel_loop3A_327, %parallel_loop3A_193 : vector<16xi1>, vector<16xf32>
      %parallel_loop3A_341 = arith.select %parallel_loop3A_339, %parallel_loop3A_328, %parallel_loop3A_194 : vector<16xi1>, vector<16xi32>
      %parallel_loop3A_342 = arith.constant 2 : i32
      %parallel_loop3A_343 = vector.broadcast %parallel_loop3A_342 : i32 to vector<16xi32>
      %parallel_loop3A_344 = arith.cmpi eq, %parallel_loop3A_331, %parallel_loop3A_343 : vector<16xi32>
      %parallel_loop3A_345 = arith.select %parallel_loop3A_344, %parallel_loop3A_327, %parallel_loop3A_198 : vector<16xi1>, vector<16xf32>
      %parallel_loop3A_346 = arith.select %parallel_loop3A_344, %parallel_loop3A_328, %parallel_loop3A_199 : vector<16xi1>, vector<16xi32>
      %parallel_loop3A_347 = arith.constant 3 : i32
      %parallel_loop3A_348 = vector.broadcast %parallel_loop3A_347 : i32 to vector<16xi32>
      %parallel_loop3A_349 = arith.cmpi eq, %parallel_loop3A_331, %parallel_loop3A_348 : vector<16xi32>
      %parallel_loop3A_350 = arith.select %parallel_loop3A_349, %parallel_loop3A_327, %parallel_loop3A_203 : vector<16xi1>, vector<16xf32>
      %parallel_loop3A_351 = arith.select %parallel_loop3A_349, %parallel_loop3A_328, %parallel_loop3A_204 : vector<16xi1>, vector<16xi32>
      %parallel_loop3A_352 = arith.constant 4 : i32
      %parallel_loop3A_353 = vector.broadcast %parallel_loop3A_352 : i32 to vector<16xi32>
      %parallel_loop3A_354 = arith.cmpi eq, %parallel_loop3A_331, %parallel_loop3A_353 : vector<16xi32>
      %parallel_loop3A_355 = arith.select %parallel_loop3A_354, %parallel_loop3A_327, %parallel_loop3A_208 : vector<16xi1>, vector<16xf32>
      %parallel_loop3A_356 = arith.select %parallel_loop3A_354, %parallel_loop3A_328, %parallel_loop3A_209 : vector<16xi1>, vector<16xi32>
      %parallel_loop3A_357 = arith.constant 5 : i32
      %parallel_loop3A_358 = vector.broadcast %parallel_loop3A_357 : i32 to vector<16xi32>
      %parallel_loop3A_359 = arith.cmpi eq, %parallel_loop3A_331, %parallel_loop3A_358 : vector<16xi32>
      %parallel_loop3A_360 = arith.select %parallel_loop3A_359, %parallel_loop3A_327, %parallel_loop3A_213 : vector<16xi1>, vector<16xf32>
      %parallel_loop3A_361 = arith.select %parallel_loop3A_359, %parallel_loop3A_328, %parallel_loop3A_214 : vector<16xi1>, vector<16xi32>
      %parallel_loop3A_362 = arith.constant 6 : i32
      %parallel_loop3A_363 = vector.broadcast %parallel_loop3A_362 : i32 to vector<16xi32>
      %parallel_loop3A_364 = arith.cmpi eq, %parallel_loop3A_331, %parallel_loop3A_363 : vector<16xi32>
      %parallel_loop3A_365 = arith.select %parallel_loop3A_364, %parallel_loop3A_327, %parallel_loop3A_218 : vector<16xi1>, vector<16xf32>
      %parallel_loop3A_366 = arith.select %parallel_loop3A_364, %parallel_loop3A_328, %parallel_loop3A_219 : vector<16xi1>, vector<16xi32>
      %parallel_loop3A_367 = arith.constant 7 : i32
      %parallel_loop3A_368 = vector.broadcast %parallel_loop3A_367 : i32 to vector<16xi32>
      %parallel_loop3A_369 = arith.cmpi eq, %parallel_loop3A_331, %parallel_loop3A_368 : vector<16xi32>
      %parallel_loop3A_370 = arith.select %parallel_loop3A_369, %parallel_loop3A_327, %parallel_loop3A_223 : vector<16xi1>, vector<16xf32>
      %parallel_loop3A_371 = arith.select %parallel_loop3A_369, %parallel_loop3A_328, %parallel_loop3A_224 : vector<16xi1>, vector<16xi32>
      %parallel_loop3A_372 = arith.cmpf ogt, %parallel_loop3A_340, %parallel_loop3A_335 : vector<16xf32>
      %parallel_loop3A_373 = arith.maximumf %parallel_loop3A_335, %parallel_loop3A_340 : vector<16xf32>
      %parallel_loop3A_374 = arith.select %parallel_loop3A_372, %parallel_loop3A_341, %parallel_loop3A_336 : vector<16xi1>, vector<16xi32>
      %parallel_loop3A_375 = arith.cmpf ogt, %parallel_loop3A_350, %parallel_loop3A_345 : vector<16xf32>
      %parallel_loop3A_376 = arith.maximumf %parallel_loop3A_345, %parallel_loop3A_350 : vector<16xf32>
      %parallel_loop3A_377 = arith.select %parallel_loop3A_375, %parallel_loop3A_351, %parallel_loop3A_346 : vector<16xi1>, vector<16xi32>
      %parallel_loop3A_378 = arith.cmpf ogt, %parallel_loop3A_360, %parallel_loop3A_355 : vector<16xf32>
      %parallel_loop3A_379 = arith.maximumf %parallel_loop3A_355, %parallel_loop3A_360 : vector<16xf32>
      %parallel_loop3A_380 = arith.select %parallel_loop3A_378, %parallel_loop3A_361, %parallel_loop3A_356 : vector<16xi1>, vector<16xi32>
      %parallel_loop3A_381 = arith.cmpf ogt, %parallel_loop3A_370, %parallel_loop3A_365 : vector<16xf32>
      %parallel_loop3A_382 = arith.maximumf %parallel_loop3A_365, %parallel_loop3A_370 : vector<16xf32>
      %parallel_loop3A_383 = arith.select %parallel_loop3A_381, %parallel_loop3A_371, %parallel_loop3A_366 : vector<16xi1>, vector<16xi32>
      %parallel_loop3A_384 = arith.cmpf ogt, %parallel_loop3A_376, %parallel_loop3A_373 : vector<16xf32>
      %parallel_loop3A_385 = arith.maximumf %parallel_loop3A_373, %parallel_loop3A_376 : vector<16xf32>
      %parallel_loop3A_386 = arith.select %parallel_loop3A_384, %parallel_loop3A_377, %parallel_loop3A_374 : vector<16xi1>, vector<16xi32>
      %parallel_loop3A_387 = arith.cmpf ogt, %parallel_loop3A_382, %parallel_loop3A_379 : vector<16xf32>
      %parallel_loop3A_388 = arith.maximumf %parallel_loop3A_379, %parallel_loop3A_382 : vector<16xf32>
      %parallel_loop3A_389 = arith.select %parallel_loop3A_387, %parallel_loop3A_383, %parallel_loop3A_380 : vector<16xi1>, vector<16xi32>
      %parallel_loop3A_390 = arith.cmpf ogt, %parallel_loop3A_388, %parallel_loop3A_385 : vector<16xf32>
      %parallel_loop3A_391 = arith.maximumf %parallel_loop3A_385, %parallel_loop3A_388 : vector<16xf32>
      %parallel_loop3A_392 = arith.select %parallel_loop3A_390, %parallel_loop3A_389, %parallel_loop3A_386 : vector<16xi1>, vector<16xi32>
      %parallel_loop3A_393 = tpu.vector_load_idx %arg11[%parallel_loop3A_392] : memref<64xf32, #tpu.memory_space<vmem>>[vector<16xi32>], vector<16xf32>,
      %parallel_loop3A_394 = arith.subf %parallel_loop3A_391, %parallel_loop3A_393 : vector<16xf32>
      %parallel_loop3A_395 = arith.addf %parallel_loop3A_248, %parallel_loop3A_394 : vector<16xf32>
      tpu.vector_store_idx %arg8[%parallel_loop3A_392, %parallel_loop3A_11], %broadcast_in_dim3A_3 : memref<64x256xf32, #tpu.memory_space<vmem>>[vector<16xi32>, vector<16xi32>], vector<16xf32>,
      %parallel_loop3A_396 = arith.constant -8 : i32
      %parallel_loop3A_397 = vector.broadcast %parallel_loop3A_396 : i32 to vector<16xi32>
      %parallel_loop3A_398 = arith.andi %parallel_loop3A_392, %parallel_loop3A_397 : vector<16xi32>
      %parallel_loop3A_399 = arith.constant 0 : i32
      %parallel_loop3A_400 = vector.broadcast %parallel_loop3A_399 : i32 to vector<16xi32>
      %parallel_loop3A_401 = arith.addi %parallel_loop3A_398, %parallel_loop3A_400 : vector<16xi32>
      %parallel_loop3A_402 = tpu.vector_load_idx %arg8[%parallel_loop3A_401, %parallel_loop3A_11] : memref<64x256xf32, #tpu.memory_space<vmem>>[vector<16xi32>, vector<16xi32>], vector<16xf32>,
      %parallel_loop3A_403 = arith.constant 1 : i32
      %parallel_loop3A_404 = vector.broadcast %parallel_loop3A_403 : i32 to vector<16xi32>
      %parallel_loop3A_405 = arith.addi %parallel_loop3A_398, %parallel_loop3A_404 : vector<16xi32>
      %parallel_loop3A_406 = tpu.vector_load_idx %arg8[%parallel_loop3A_405, %parallel_loop3A_11] : memref<64x256xf32, #tpu.memory_space<vmem>>[vector<16xi32>, vector<16xi32>], vector<16xf32>,
      %parallel_loop3A_407 = arith.constant 2 : i32
      %parallel_loop3A_408 = vector.broadcast %parallel_loop3A_407 : i32 to vector<16xi32>
      %parallel_loop3A_409 = arith.addi %parallel_loop3A_398, %parallel_loop3A_408 : vector<16xi32>
      %parallel_loop3A_410 = tpu.vector_load_idx %arg8[%parallel_loop3A_409, %parallel_loop3A_11] : memref<64x256xf32, #tpu.memory_space<vmem>>[vector<16xi32>, vector<16xi32>], vector<16xf32>,
      %parallel_loop3A_411 = arith.constant 3 : i32
      %parallel_loop3A_412 = vector.broadcast %parallel_loop3A_411 : i32 to vector<16xi32>
      %parallel_loop3A_413 = arith.addi %parallel_loop3A_398, %parallel_loop3A_412 : vector<16xi32>
      %parallel_loop3A_414 = tpu.vector_load_idx %arg8[%parallel_loop3A_413, %parallel_loop3A_11] : memref<64x256xf32, #tpu.memory_space<vmem>>[vector<16xi32>, vector<16xi32>], vector<16xf32>,
      %parallel_loop3A_415 = arith.constant 4 : i32
      %parallel_loop3A_416 = vector.broadcast %parallel_loop3A_415 : i32 to vector<16xi32>
      %parallel_loop3A_417 = arith.addi %parallel_loop3A_398, %parallel_loop3A_416 : vector<16xi32>
      %parallel_loop3A_418 = tpu.vector_load_idx %arg8[%parallel_loop3A_417, %parallel_loop3A_11] : memref<64x256xf32, #tpu.memory_space<vmem>>[vector<16xi32>, vector<16xi32>], vector<16xf32>,
      %parallel_loop3A_419 = arith.constant 5 : i32
      %parallel_loop3A_420 = vector.broadcast %parallel_loop3A_419 : i32 to vector<16xi32>
      %parallel_loop3A_421 = arith.addi %parallel_loop3A_398, %parallel_loop3A_420 : vector<16xi32>
      %parallel_loop3A_422 = tpu.vector_load_idx %arg8[%parallel_loop3A_421, %parallel_loop3A_11] : memref<64x256xf32, #tpu.memory_space<vmem>>[vector<16xi32>, vector<16xi32>], vector<16xf32>,
      %parallel_loop3A_423 = arith.constant 6 : i32
      %parallel_loop3A_424 = vector.broadcast %parallel_loop3A_423 : i32 to vector<16xi32>
      %parallel_loop3A_425 = arith.addi %parallel_loop3A_398, %parallel_loop3A_424 : vector<16xi32>
      %parallel_loop3A_426 = tpu.vector_load_idx %arg8[%parallel_loop3A_425, %parallel_loop3A_11] : memref<64x256xf32, #tpu.memory_space<vmem>>[vector<16xi32>, vector<16xi32>], vector<16xf32>,
      %parallel_loop3A_427 = arith.constant 7 : i32
      %parallel_loop3A_428 = vector.broadcast %parallel_loop3A_427 : i32 to vector<16xi32>
      %parallel_loop3A_429 = arith.addi %parallel_loop3A_398, %parallel_loop3A_428 : vector<16xi32>
      %parallel_loop3A_430 = tpu.vector_load_idx %arg8[%parallel_loop3A_429, %parallel_loop3A_11] : memref<64x256xf32, #tpu.memory_space<vmem>>[vector<16xi32>, vector<16xi32>], vector<16xf32>,
      %parallel_loop3A_431 = arith.constant 0 : i32
      %parallel_loop3A_432 = vector.broadcast %parallel_loop3A_431 : i32 to vector<16xi32>
      %parallel_loop3A_433 = arith.addi %parallel_loop3A_398, %parallel_loop3A_432 : vector<16xi32>
      %parallel_loop3A_434 = arith.constant 1 : i32
      %parallel_loop3A_435 = vector.broadcast %parallel_loop3A_434 : i32 to vector<16xi32>
      %parallel_loop3A_436 = arith.addi %parallel_loop3A_398, %parallel_loop3A_435 : vector<16xi32>
      %parallel_loop3A_437 = arith.constant 2 : i32
      %parallel_loop3A_438 = vector.broadcast %parallel_loop3A_437 : i32 to vector<16xi32>
      %parallel_loop3A_439 = arith.addi %parallel_loop3A_398, %parallel_loop3A_438 : vector<16xi32>
      %parallel_loop3A_440 = arith.constant 3 : i32
      %parallel_loop3A_441 = vector.broadcast %parallel_loop3A_440 : i32 to vector<16xi32>
      %parallel_loop3A_442 = arith.addi %parallel_loop3A_398, %parallel_loop3A_441 : vector<16xi32>
      %parallel_loop3A_443 = arith.constant 4 : i32
      %parallel_loop3A_444 = vector.broadcast %parallel_loop3A_443 : i32 to vector<16xi32>
      %parallel_loop3A_445 = arith.addi %parallel_loop3A_398, %parallel_loop3A_444 : vector<16xi32>
      %parallel_loop3A_446 = arith.constant 5 : i32
      %parallel_loop3A_447 = vector.broadcast %parallel_loop3A_446 : i32 to vector<16xi32>
      %parallel_loop3A_448 = arith.addi %parallel_loop3A_398, %parallel_loop3A_447 : vector<16xi32>
      %parallel_loop3A_449 = arith.constant 6 : i32
      %parallel_loop3A_450 = vector.broadcast %parallel_loop3A_449 : i32 to vector<16xi32>
      %parallel_loop3A_451 = arith.addi %parallel_loop3A_398, %parallel_loop3A_450 : vector<16xi32>
      %parallel_loop3A_452 = arith.constant 7 : i32
      %parallel_loop3A_453 = vector.broadcast %parallel_loop3A_452 : i32 to vector<16xi32>
      %parallel_loop3A_454 = arith.addi %parallel_loop3A_398, %parallel_loop3A_453 : vector<16xi32>
      %parallel_loop3A_455 = arith.cmpf ogt, %parallel_loop3A_406, %parallel_loop3A_402 : vector<16xf32>
      %parallel_loop3A_456 = arith.maximumf %parallel_loop3A_402, %parallel_loop3A_406 : vector<16xf32>
      %parallel_loop3A_457 = arith.select %parallel_loop3A_455, %parallel_loop3A_436, %parallel_loop3A_433 : vector<16xi1>, vector<16xi32>
      %parallel_loop3A_458 = arith.cmpf ogt, %parallel_loop3A_414, %parallel_loop3A_410 : vector<16xf32>
      %parallel_loop3A_459 = arith.maximumf %parallel_loop3A_410, %parallel_loop3A_414 : vector<16xf32>
      %parallel_loop3A_460 = arith.select %parallel_loop3A_458, %parallel_loop3A_442, %parallel_loop3A_439 : vector<16xi1>, vector<16xi32>
      %parallel_loop3A_461 = arith.cmpf ogt, %parallel_loop3A_422, %parallel_loop3A_418 : vector<16xf32>
      %parallel_loop3A_462 = arith.maximumf %parallel_loop3A_418, %parallel_loop3A_422 : vector<16xf32>
      %parallel_loop3A_463 = arith.select %parallel_loop3A_461, %parallel_loop3A_448, %parallel_loop3A_445 : vector<16xi1>, vector<16xi32>
      %parallel_loop3A_464 = arith.cmpf ogt, %parallel_loop3A_430, %parallel_loop3A_426 : vector<16xf32>
      %parallel_loop3A_465 = arith.maximumf %parallel_loop3A_426, %parallel_loop3A_430 : vector<16xf32>
      %parallel_loop3A_466 = arith.select %parallel_loop3A_464, %parallel_loop3A_454, %parallel_loop3A_451 : vector<16xi1>, vector<16xi32>
      %parallel_loop3A_467 = arith.cmpf ogt, %parallel_loop3A_459, %parallel_loop3A_456 : vector<16xf32>
      %parallel_loop3A_468 = arith.maximumf %parallel_loop3A_456, %parallel_loop3A_459 : vector<16xf32>
      %parallel_loop3A_469 = arith.select %parallel_loop3A_467, %parallel_loop3A_460, %parallel_loop3A_457 : vector<16xi1>, vector<16xi32>
      %parallel_loop3A_470 = arith.cmpf ogt, %parallel_loop3A_465, %parallel_loop3A_462 : vector<16xf32>
      %parallel_loop3A_471 = arith.maximumf %parallel_loop3A_462, %parallel_loop3A_465 : vector<16xf32>
      %parallel_loop3A_472 = arith.select %parallel_loop3A_470, %parallel_loop3A_466, %parallel_loop3A_463 : vector<16xi1>, vector<16xi32>
      %parallel_loop3A_473 = arith.cmpf ogt, %parallel_loop3A_471, %parallel_loop3A_468 : vector<16xf32>
      %parallel_loop3A_474 = arith.maximumf %parallel_loop3A_468, %parallel_loop3A_471 : vector<16xf32>
      %parallel_loop3A_475 = arith.select %parallel_loop3A_473, %parallel_loop3A_472, %parallel_loop3A_469 : vector<16xi1>, vector<16xi32>
      %parallel_loop3A_476 = arith.constant 3 : i32
      %parallel_loop3A_477 = vector.broadcast %parallel_loop3A_476 : i32 to vector<16xi32>
      %parallel_loop3A_478 = arith.shrui %parallel_loop3A_392, %parallel_loop3A_477 : vector<16xi32>
      %parallel_loop3A_479 = arith.constant 0 : i32
      %parallel_loop3A_480 = vector.broadcast %parallel_loop3A_479 : i32 to vector<16xi32>
      %parallel_loop3A_481 = arith.cmpi eq, %parallel_loop3A_478, %parallel_loop3A_480 : vector<16xi32>
      %parallel_loop3A_482 = arith.select %parallel_loop3A_481, %parallel_loop3A_474, %parallel_loop3A_335 : vector<16xi1>, vector<16xf32>
      %parallel_loop3A_483 = arith.select %parallel_loop3A_481, %parallel_loop3A_475, %parallel_loop3A_336 : vector<16xi1>, vector<16xi32>
      %parallel_loop3A_484 = arith.constant 1 : i32
      %parallel_loop3A_485 = vector.broadcast %parallel_loop3A_484 : i32 to vector<16xi32>
      %parallel_loop3A_486 = arith.cmpi eq, %parallel_loop3A_478, %parallel_loop3A_485 : vector<16xi32>
      %parallel_loop3A_487 = arith.select %parallel_loop3A_486, %parallel_loop3A_474, %parallel_loop3A_340 : vector<16xi1>, vector<16xf32>
      %parallel_loop3A_488 = arith.select %parallel_loop3A_486, %parallel_loop3A_475, %parallel_loop3A_341 : vector<16xi1>, vector<16xi32>
      %parallel_loop3A_489 = arith.constant 2 : i32
      %parallel_loop3A_490 = vector.broadcast %parallel_loop3A_489 : i32 to vector<16xi32>
      %parallel_loop3A_491 = arith.cmpi eq, %parallel_loop3A_478, %parallel_loop3A_490 : vector<16xi32>
      %parallel_loop3A_492 = arith.select %parallel_loop3A_491, %parallel_loop3A_474, %parallel_loop3A_345 : vector<16xi1>, vector<16xf32>
      %parallel_loop3A_493 = arith.select %parallel_loop3A_491, %parallel_loop3A_475, %parallel_loop3A_346 : vector<16xi1>, vector<16xi32>
      %parallel_loop3A_494 = arith.constant 3 : i32
      %parallel_loop3A_495 = vector.broadcast %parallel_loop3A_494 : i32 to vector<16xi32>
      %parallel_loop3A_496 = arith.cmpi eq, %parallel_loop3A_478, %parallel_loop3A_495 : vector<16xi32>
      %parallel_loop3A_497 = arith.select %parallel_loop3A_496, %parallel_loop3A_474, %parallel_loop3A_350 : vector<16xi1>, vector<16xf32>
      %parallel_loop3A_498 = arith.select %parallel_loop3A_496, %parallel_loop3A_475, %parallel_loop3A_351 : vector<16xi1>, vector<16xi32>
      %parallel_loop3A_499 = arith.constant 4 : i32
      %parallel_loop3A_500 = vector.broadcast %parallel_loop3A_499 : i32 to vector<16xi32>
      %parallel_loop3A_501 = arith.cmpi eq, %parallel_loop3A_478, %parallel_loop3A_500 : vector<16xi32>
      %parallel_loop3A_502 = arith.select %parallel_loop3A_501, %parallel_loop3A_474, %parallel_loop3A_355 : vector<16xi1>, vector<16xf32>
      %parallel_loop3A_503 = arith.select %parallel_loop3A_501, %parallel_loop3A_475, %parallel_loop3A_356 : vector<16xi1>, vector<16xi32>
      %parallel_loop3A_504 = arith.constant 5 : i32
      %parallel_loop3A_505 = vector.broadcast %parallel_loop3A_504 : i32 to vector<16xi32>
      %parallel_loop3A_506 = arith.cmpi eq, %parallel_loop3A_478, %parallel_loop3A_505 : vector<16xi32>
      %parallel_loop3A_507 = arith.select %parallel_loop3A_506, %parallel_loop3A_474, %parallel_loop3A_360 : vector<16xi1>, vector<16xf32>
      %parallel_loop3A_508 = arith.select %parallel_loop3A_506, %parallel_loop3A_475, %parallel_loop3A_361 : vector<16xi1>, vector<16xi32>
      %parallel_loop3A_509 = arith.constant 6 : i32
      %parallel_loop3A_510 = vector.broadcast %parallel_loop3A_509 : i32 to vector<16xi32>
      %parallel_loop3A_511 = arith.cmpi eq, %parallel_loop3A_478, %parallel_loop3A_510 : vector<16xi32>
      %parallel_loop3A_512 = arith.select %parallel_loop3A_511, %parallel_loop3A_474, %parallel_loop3A_365 : vector<16xi1>, vector<16xf32>
      %parallel_loop3A_513 = arith.select %parallel_loop3A_511, %parallel_loop3A_475, %parallel_loop3A_366 : vector<16xi1>, vector<16xi32>
      %parallel_loop3A_514 = arith.constant 7 : i32
      %parallel_loop3A_515 = vector.broadcast %parallel_loop3A_514 : i32 to vector<16xi32>
      %parallel_loop3A_516 = arith.cmpi eq, %parallel_loop3A_478, %parallel_loop3A_515 : vector<16xi32>
      %parallel_loop3A_517 = arith.select %parallel_loop3A_516, %parallel_loop3A_474, %parallel_loop3A_370 : vector<16xi1>, vector<16xf32>
      %parallel_loop3A_518 = arith.select %parallel_loop3A_516, %parallel_loop3A_475, %parallel_loop3A_371 : vector<16xi1>, vector<16xi32>
      %parallel_loop3A_519 = arith.cmpf ogt, %parallel_loop3A_487, %parallel_loop3A_482 : vector<16xf32>
      %parallel_loop3A_520 = arith.maximumf %parallel_loop3A_482, %parallel_loop3A_487 : vector<16xf32>
      %parallel_loop3A_521 = arith.select %parallel_loop3A_519, %parallel_loop3A_488, %parallel_loop3A_483 : vector<16xi1>, vector<16xi32>
      %parallel_loop3A_522 = arith.cmpf ogt, %parallel_loop3A_497, %parallel_loop3A_492 : vector<16xf32>
      %parallel_loop3A_523 = arith.maximumf %parallel_loop3A_492, %parallel_loop3A_497 : vector<16xf32>
      %parallel_loop3A_524 = arith.select %parallel_loop3A_522, %parallel_loop3A_498, %parallel_loop3A_493 : vector<16xi1>, vector<16xi32>
      %parallel_loop3A_525 = arith.cmpf ogt, %parallel_loop3A_507, %parallel_loop3A_502 : vector<16xf32>
      %parallel_loop3A_526 = arith.maximumf %parallel_loop3A_502, %parallel_loop3A_507 : vector<16xf32>
      %parallel_loop3A_527 = arith.select %parallel_loop3A_525, %parallel_loop3A_508, %parallel_loop3A_503 : vector<16xi1>, vector<16xi32>
      %parallel_loop3A_528 = arith.cmpf ogt, %parallel_loop3A_517, %parallel_loop3A_512 : vector<16xf32>
      %parallel_loop3A_529 = arith.maximumf %parallel_loop3A_512, %parallel_loop3A_517 : vector<16xf32>
      %parallel_loop3A_530 = arith.select %parallel_loop3A_528, %parallel_loop3A_518, %parallel_loop3A_513 : vector<16xi1>, vector<16xi32>
      %parallel_loop3A_531 = arith.cmpf ogt, %parallel_loop3A_523, %parallel_loop3A_520 : vector<16xf32>
      %parallel_loop3A_532 = arith.maximumf %parallel_loop3A_520, %parallel_loop3A_523 : vector<16xf32>
      %parallel_loop3A_533 = arith.select %parallel_loop3A_531, %parallel_loop3A_524, %parallel_loop3A_521 : vector<16xi1>, vector<16xi32>
      %parallel_loop3A_534 = arith.cmpf ogt, %parallel_loop3A_529, %parallel_loop3A_526 : vector<16xf32>
      %parallel_loop3A_535 = arith.maximumf %parallel_loop3A_526, %parallel_loop3A_529 : vector<16xf32>
      %parallel_loop3A_536 = arith.select %parallel_loop3A_534, %parallel_loop3A_530, %parallel_loop3A_527 : vector<16xi1>, vector<16xi32>
      %parallel_loop3A_537 = arith.cmpf ogt, %parallel_loop3A_535, %parallel_loop3A_532 : vector<16xf32>
      %parallel_loop3A_538 = arith.maximumf %parallel_loop3A_532, %parallel_loop3A_535 : vector<16xf32>
      %parallel_loop3A_539 = arith.select %parallel_loop3A_537, %parallel_loop3A_536, %parallel_loop3A_533 : vector<16xi1>, vector<16xi32>
      %parallel_loop3A_540 = tpu.vector_load_idx %arg11[%parallel_loop3A_539] : memref<64xf32, #tpu.memory_space<vmem>>[vector<16xi32>], vector<16xf32>,
      %parallel_loop3A_541 = arith.subf %parallel_loop3A_538, %parallel_loop3A_540 : vector<16xf32>
      %parallel_loop3A_542 = arith.addf %parallel_loop3A_395, %parallel_loop3A_541 : vector<16xf32>
      tpu.vector_store_idx %arg8[%parallel_loop3A_539, %parallel_loop3A_11], %broadcast_in_dim3A_3 : memref<64x256xf32, #tpu.memory_space<vmem>>[vector<16xi32>, vector<16xi32>], vector<16xf32>,
      %parallel_loop3A_543 = arith.constant -8 : i32
      %parallel_loop3A_544 = vector.broadcast %parallel_loop3A_543 : i32 to vector<16xi32>
      %parallel_loop3A_545 = arith.andi %parallel_loop3A_539, %parallel_loop3A_544 : vector<16xi32>
      %parallel_loop3A_546 = arith.constant 0 : i32
      %parallel_loop3A_547 = vector.broadcast %parallel_loop3A_546 : i32 to vector<16xi32>
      %parallel_loop3A_548 = arith.addi %parallel_loop3A_545, %parallel_loop3A_547 : vector<16xi32>
      %parallel_loop3A_549 = tpu.vector_load_idx %arg8[%parallel_loop3A_548, %parallel_loop3A_11] : memref<64x256xf32, #tpu.memory_space<vmem>>[vector<16xi32>, vector<16xi32>], vector<16xf32>,
      %parallel_loop3A_550 = arith.constant 1 : i32
      %parallel_loop3A_551 = vector.broadcast %parallel_loop3A_550 : i32 to vector<16xi32>
      %parallel_loop3A_552 = arith.addi %parallel_loop3A_545, %parallel_loop3A_551 : vector<16xi32>
      %parallel_loop3A_553 = tpu.vector_load_idx %arg8[%parallel_loop3A_552, %parallel_loop3A_11] : memref<64x256xf32, #tpu.memory_space<vmem>>[vector<16xi32>, vector<16xi32>], vector<16xf32>,
      %parallel_loop3A_554 = arith.constant 2 : i32
      %parallel_loop3A_555 = vector.broadcast %parallel_loop3A_554 : i32 to vector<16xi32>
      %parallel_loop3A_556 = arith.addi %parallel_loop3A_545, %parallel_loop3A_555 : vector<16xi32>
      %parallel_loop3A_557 = tpu.vector_load_idx %arg8[%parallel_loop3A_556, %parallel_loop3A_11] : memref<64x256xf32, #tpu.memory_space<vmem>>[vector<16xi32>, vector<16xi32>], vector<16xf32>,
      %parallel_loop3A_558 = arith.constant 3 : i32
      %parallel_loop3A_559 = vector.broadcast %parallel_loop3A_558 : i32 to vector<16xi32>
      %parallel_loop3A_560 = arith.addi %parallel_loop3A_545, %parallel_loop3A_559 : vector<16xi32>
      %parallel_loop3A_561 = tpu.vector_load_idx %arg8[%parallel_loop3A_560, %parallel_loop3A_11] : memref<64x256xf32, #tpu.memory_space<vmem>>[vector<16xi32>, vector<16xi32>], vector<16xf32>,
      %parallel_loop3A_562 = arith.constant 4 : i32
      %parallel_loop3A_563 = vector.broadcast %parallel_loop3A_562 : i32 to vector<16xi32>
      %parallel_loop3A_564 = arith.addi %parallel_loop3A_545, %parallel_loop3A_563 : vector<16xi32>
      %parallel_loop3A_565 = tpu.vector_load_idx %arg8[%parallel_loop3A_564, %parallel_loop3A_11] : memref<64x256xf32, #tpu.memory_space<vmem>>[vector<16xi32>, vector<16xi32>], vector<16xf32>,
      %parallel_loop3A_566 = arith.constant 5 : i32
      %parallel_loop3A_567 = vector.broadcast %parallel_loop3A_566 : i32 to vector<16xi32>
      %parallel_loop3A_568 = arith.addi %parallel_loop3A_545, %parallel_loop3A_567 : vector<16xi32>
      %parallel_loop3A_569 = tpu.vector_load_idx %arg8[%parallel_loop3A_568, %parallel_loop3A_11] : memref<64x256xf32, #tpu.memory_space<vmem>>[vector<16xi32>, vector<16xi32>], vector<16xf32>,
      %parallel_loop3A_570 = arith.constant 6 : i32
      %parallel_loop3A_571 = vector.broadcast %parallel_loop3A_570 : i32 to vector<16xi32>
      %parallel_loop3A_572 = arith.addi %parallel_loop3A_545, %parallel_loop3A_571 : vector<16xi32>
      %parallel_loop3A_573 = tpu.vector_load_idx %arg8[%parallel_loop3A_572, %parallel_loop3A_11] : memref<64x256xf32, #tpu.memory_space<vmem>>[vector<16xi32>, vector<16xi32>], vector<16xf32>,
      %parallel_loop3A_574 = arith.constant 7 : i32
      %parallel_loop3A_575 = vector.broadcast %parallel_loop3A_574 : i32 to vector<16xi32>
      %parallel_loop3A_576 = arith.addi %parallel_loop3A_545, %parallel_loop3A_575 : vector<16xi32>
      %parallel_loop3A_577 = tpu.vector_load_idx %arg8[%parallel_loop3A_576, %parallel_loop3A_11] : memref<64x256xf32, #tpu.memory_space<vmem>>[vector<16xi32>, vector<16xi32>], vector<16xf32>,
      %parallel_loop3A_578 = arith.constant 0 : i32
      %parallel_loop3A_579 = vector.broadcast %parallel_loop3A_578 : i32 to vector<16xi32>
      %parallel_loop3A_580 = arith.addi %parallel_loop3A_545, %parallel_loop3A_579 : vector<16xi32>
      %parallel_loop3A_581 = arith.constant 1 : i32
      %parallel_loop3A_582 = vector.broadcast %parallel_loop3A_581 : i32 to vector<16xi32>
      %parallel_loop3A_583 = arith.addi %parallel_loop3A_545, %parallel_loop3A_582 : vector<16xi32>
      %parallel_loop3A_584 = arith.constant 2 : i32
      %parallel_loop3A_585 = vector.broadcast %parallel_loop3A_584 : i32 to vector<16xi32>
      %parallel_loop3A_586 = arith.addi %parallel_loop3A_545, %parallel_loop3A_585 : vector<16xi32>
      %parallel_loop3A_587 = arith.constant 3 : i32
      %parallel_loop3A_588 = vector.broadcast %parallel_loop3A_587 : i32 to vector<16xi32>
      %parallel_loop3A_589 = arith.addi %parallel_loop3A_545, %parallel_loop3A_588 : vector<16xi32>
      %parallel_loop3A_590 = arith.constant 4 : i32
      %parallel_loop3A_591 = vector.broadcast %parallel_loop3A_590 : i32 to vector<16xi32>
      %parallel_loop3A_592 = arith.addi %parallel_loop3A_545, %parallel_loop3A_591 : vector<16xi32>
      %parallel_loop3A_593 = arith.constant 5 : i32
      %parallel_loop3A_594 = vector.broadcast %parallel_loop3A_593 : i32 to vector<16xi32>
      %parallel_loop3A_595 = arith.addi %parallel_loop3A_545, %parallel_loop3A_594 : vector<16xi32>
      %parallel_loop3A_596 = arith.constant 6 : i32
      %parallel_loop3A_597 = vector.broadcast %parallel_loop3A_596 : i32 to vector<16xi32>
      %parallel_loop3A_598 = arith.addi %parallel_loop3A_545, %parallel_loop3A_597 : vector<16xi32>
      %parallel_loop3A_599 = arith.constant 7 : i32
      %parallel_loop3A_600 = vector.broadcast %parallel_loop3A_599 : i32 to vector<16xi32>
      %parallel_loop3A_601 = arith.addi %parallel_loop3A_545, %parallel_loop3A_600 : vector<16xi32>
      %parallel_loop3A_602 = arith.cmpf ogt, %parallel_loop3A_553, %parallel_loop3A_549 : vector<16xf32>
      %parallel_loop3A_603 = arith.maximumf %parallel_loop3A_549, %parallel_loop3A_553 : vector<16xf32>
      %parallel_loop3A_604 = arith.select %parallel_loop3A_602, %parallel_loop3A_583, %parallel_loop3A_580 : vector<16xi1>, vector<16xi32>
      %parallel_loop3A_605 = arith.cmpf ogt, %parallel_loop3A_561, %parallel_loop3A_557 : vector<16xf32>
      %parallel_loop3A_606 = arith.maximumf %parallel_loop3A_557, %parallel_loop3A_561 : vector<16xf32>
      %parallel_loop3A_607 = arith.select %parallel_loop3A_605, %parallel_loop3A_589, %parallel_loop3A_586 : vector<16xi1>, vector<16xi32>
      %parallel_loop3A_608 = arith.cmpf ogt, %parallel_loop3A_569, %parallel_loop3A_565 : vector<16xf32>
      %parallel_loop3A_609 = arith.maximumf %parallel_loop3A_565, %parallel_loop3A_569 : vector<16xf32>
      %parallel_loop3A_610 = arith.select %parallel_loop3A_608, %parallel_loop3A_595, %parallel_loop3A_592 : vector<16xi1>, vector<16xi32>
      %parallel_loop3A_611 = arith.cmpf ogt, %parallel_loop3A_577, %parallel_loop3A_573 : vector<16xf32>
      %parallel_loop3A_612 = arith.maximumf %parallel_loop3A_573, %parallel_loop3A_577 : vector<16xf32>
      %parallel_loop3A_613 = arith.select %parallel_loop3A_611, %parallel_loop3A_601, %parallel_loop3A_598 : vector<16xi1>, vector<16xi32>
      %parallel_loop3A_614 = arith.cmpf ogt, %parallel_loop3A_606, %parallel_loop3A_603 : vector<16xf32>
      %parallel_loop3A_615 = arith.maximumf %parallel_loop3A_603, %parallel_loop3A_606 : vector<16xf32>
      %parallel_loop3A_616 = arith.select %parallel_loop3A_614, %parallel_loop3A_607, %parallel_loop3A_604 : vector<16xi1>, vector<16xi32>
      %parallel_loop3A_617 = arith.cmpf ogt, %parallel_loop3A_612, %parallel_loop3A_609 : vector<16xf32>
      %parallel_loop3A_618 = arith.maximumf %parallel_loop3A_609, %parallel_loop3A_612 : vector<16xf32>
      %parallel_loop3A_619 = arith.select %parallel_loop3A_617, %parallel_loop3A_613, %parallel_loop3A_610 : vector<16xi1>, vector<16xi32>
      %parallel_loop3A_620 = arith.cmpf ogt, %parallel_loop3A_618, %parallel_loop3A_615 : vector<16xf32>
      %parallel_loop3A_621 = arith.maximumf %parallel_loop3A_615, %parallel_loop3A_618 : vector<16xf32>
      %parallel_loop3A_622 = arith.select %parallel_loop3A_620, %parallel_loop3A_619, %parallel_loop3A_616 : vector<16xi1>, vector<16xi32>
      %parallel_loop3A_623 = arith.constant 3 : i32
      %parallel_loop3A_624 = vector.broadcast %parallel_loop3A_623 : i32 to vector<16xi32>
      %parallel_loop3A_625 = arith.shrui %parallel_loop3A_539, %parallel_loop3A_624 : vector<16xi32>
      %parallel_loop3A_626 = arith.constant 0 : i32
      %parallel_loop3A_627 = vector.broadcast %parallel_loop3A_626 : i32 to vector<16xi32>
      %parallel_loop3A_628 = arith.cmpi eq, %parallel_loop3A_625, %parallel_loop3A_627 : vector<16xi32>
      %parallel_loop3A_629 = arith.select %parallel_loop3A_628, %parallel_loop3A_621, %parallel_loop3A_482 : vector<16xi1>, vector<16xf32>
      %parallel_loop3A_630 = arith.select %parallel_loop3A_628, %parallel_loop3A_622, %parallel_loop3A_483 : vector<16xi1>, vector<16xi32>
      %parallel_loop3A_631 = arith.constant 1 : i32
      %parallel_loop3A_632 = vector.broadcast %parallel_loop3A_631 : i32 to vector<16xi32>
      %parallel_loop3A_633 = arith.cmpi eq, %parallel_loop3A_625, %parallel_loop3A_632 : vector<16xi32>
      %parallel_loop3A_634 = arith.select %parallel_loop3A_633, %parallel_loop3A_621, %parallel_loop3A_487 : vector<16xi1>, vector<16xf32>
      %parallel_loop3A_635 = arith.select %parallel_loop3A_633, %parallel_loop3A_622, %parallel_loop3A_488 : vector<16xi1>, vector<16xi32>
      %parallel_loop3A_636 = arith.constant 2 : i32
      %parallel_loop3A_637 = vector.broadcast %parallel_loop3A_636 : i32 to vector<16xi32>
      %parallel_loop3A_638 = arith.cmpi eq, %parallel_loop3A_625, %parallel_loop3A_637 : vector<16xi32>
      %parallel_loop3A_639 = arith.select %parallel_loop3A_638, %parallel_loop3A_621, %parallel_loop3A_492 : vector<16xi1>, vector<16xf32>
      %parallel_loop3A_640 = arith.select %parallel_loop3A_638, %parallel_loop3A_622, %parallel_loop3A_493 : vector<16xi1>, vector<16xi32>
      %parallel_loop3A_641 = arith.constant 3 : i32
      %parallel_loop3A_642 = vector.broadcast %parallel_loop3A_641 : i32 to vector<16xi32>
      %parallel_loop3A_643 = arith.cmpi eq, %parallel_loop3A_625, %parallel_loop3A_642 : vector<16xi32>
      %parallel_loop3A_644 = arith.select %parallel_loop3A_643, %parallel_loop3A_621, %parallel_loop3A_497 : vector<16xi1>, vector<16xf32>
      %parallel_loop3A_645 = arith.select %parallel_loop3A_643, %parallel_loop3A_622, %parallel_loop3A_498 : vector<16xi1>, vector<16xi32>
      %parallel_loop3A_646 = arith.constant 4 : i32
      %parallel_loop3A_647 = vector.broadcast %parallel_loop3A_646 : i32 to vector<16xi32>
      %parallel_loop3A_648 = arith.cmpi eq, %parallel_loop3A_625, %parallel_loop3A_647 : vector<16xi32>
      %parallel_loop3A_649 = arith.select %parallel_loop3A_648, %parallel_loop3A_621, %parallel_loop3A_502 : vector<16xi1>, vector<16xf32>
      %parallel_loop3A_650 = arith.select %parallel_loop3A_648, %parallel_loop3A_622, %parallel_loop3A_503 : vector<16xi1>, vector<16xi32>
      %parallel_loop3A_651 = arith.constant 5 : i32
      %parallel_loop3A_652 = vector.broadcast %parallel_loop3A_651 : i32 to vector<16xi32>
      %parallel_loop3A_653 = arith.cmpi eq, %parallel_loop3A_625, %parallel_loop3A_652 : vector<16xi32>
      %parallel_loop3A_654 = arith.select %parallel_loop3A_653, %parallel_loop3A_621, %parallel_loop3A_507 : vector<16xi1>, vector<16xf32>
      %parallel_loop3A_655 = arith.select %parallel_loop3A_653, %parallel_loop3A_622, %parallel_loop3A_508 : vector<16xi1>, vector<16xi32>
      %parallel_loop3A_656 = arith.constant 6 : i32
      %parallel_loop3A_657 = vector.broadcast %parallel_loop3A_656 : i32 to vector<16xi32>
      %parallel_loop3A_658 = arith.cmpi eq, %parallel_loop3A_625, %parallel_loop3A_657 : vector<16xi32>
      %parallel_loop3A_659 = arith.select %parallel_loop3A_658, %parallel_loop3A_621, %parallel_loop3A_512 : vector<16xi1>, vector<16xf32>
      %parallel_loop3A_660 = arith.select %parallel_loop3A_658, %parallel_loop3A_622, %parallel_loop3A_513 : vector<16xi1>, vector<16xi32>
      %parallel_loop3A_661 = arith.constant 7 : i32
      %parallel_loop3A_662 = vector.broadcast %parallel_loop3A_661 : i32 to vector<16xi32>
      %parallel_loop3A_663 = arith.cmpi eq, %parallel_loop3A_625, %parallel_loop3A_662 : vector<16xi32>
      %parallel_loop3A_664 = arith.select %parallel_loop3A_663, %parallel_loop3A_621, %parallel_loop3A_517 : vector<16xi1>, vector<16xf32>
      %parallel_loop3A_665 = arith.select %parallel_loop3A_663, %parallel_loop3A_622, %parallel_loop3A_518 : vector<16xi1>, vector<16xi32>
      %parallel_loop3A_666 = arith.cmpf ogt, %parallel_loop3A_634, %parallel_loop3A_629 : vector<16xf32>
      %parallel_loop3A_667 = arith.maximumf %parallel_loop3A_629, %parallel_loop3A_634 : vector<16xf32>
      %parallel_loop3A_668 = arith.select %parallel_loop3A_666, %parallel_loop3A_635, %parallel_loop3A_630 : vector<16xi1>, vector<16xi32>
      %parallel_loop3A_669 = arith.cmpf ogt, %parallel_loop3A_644, %parallel_loop3A_639 : vector<16xf32>
      %parallel_loop3A_670 = arith.maximumf %parallel_loop3A_639, %parallel_loop3A_644 : vector<16xf32>
      %parallel_loop3A_671 = arith.select %parallel_loop3A_669, %parallel_loop3A_645, %parallel_loop3A_640 : vector<16xi1>, vector<16xi32>
      %parallel_loop3A_672 = arith.cmpf ogt, %parallel_loop3A_654, %parallel_loop3A_649 : vector<16xf32>
      %parallel_loop3A_673 = arith.maximumf %parallel_loop3A_649, %parallel_loop3A_654 : vector<16xf32>
      %parallel_loop3A_674 = arith.select %parallel_loop3A_672, %parallel_loop3A_655, %parallel_loop3A_650 : vector<16xi1>, vector<16xi32>
      %parallel_loop3A_675 = arith.cmpf ogt, %parallel_loop3A_664, %parallel_loop3A_659 : vector<16xf32>
      %parallel_loop3A_676 = arith.maximumf %parallel_loop3A_659, %parallel_loop3A_664 : vector<16xf32>
      %parallel_loop3A_677 = arith.select %parallel_loop3A_675, %parallel_loop3A_665, %parallel_loop3A_660 : vector<16xi1>, vector<16xi32>
      %parallel_loop3A_678 = arith.cmpf ogt, %parallel_loop3A_670, %parallel_loop3A_667 : vector<16xf32>
      %parallel_loop3A_679 = arith.maximumf %parallel_loop3A_667, %parallel_loop3A_670 : vector<16xf32>
      %parallel_loop3A_680 = arith.select %parallel_loop3A_678, %parallel_loop3A_671, %parallel_loop3A_668 : vector<16xi1>, vector<16xi32>
      %parallel_loop3A_681 = arith.cmpf ogt, %parallel_loop3A_676, %parallel_loop3A_673 : vector<16xf32>
      %parallel_loop3A_682 = arith.maximumf %parallel_loop3A_673, %parallel_loop3A_676 : vector<16xf32>
      %parallel_loop3A_683 = arith.select %parallel_loop3A_681, %parallel_loop3A_677, %parallel_loop3A_674 : vector<16xi1>, vector<16xi32>
      %parallel_loop3A_684 = arith.cmpf ogt, %parallel_loop3A_682, %parallel_loop3A_679 : vector<16xf32>
      %parallel_loop3A_685 = arith.maximumf %parallel_loop3A_679, %parallel_loop3A_682 : vector<16xf32>
      %parallel_loop3A_686 = arith.select %parallel_loop3A_684, %parallel_loop3A_683, %parallel_loop3A_680 : vector<16xi1>, vector<16xi32>
      %parallel_loop3A_687 = tpu.vector_load_idx %arg11[%parallel_loop3A_686] : memref<64xf32, #tpu.memory_space<vmem>>[vector<16xi32>], vector<16xf32>,
      %parallel_loop3A_688 = arith.subf %parallel_loop3A_685, %parallel_loop3A_687 : vector<16xf32>
      %parallel_loop3A_689 = arith.addf %parallel_loop3A_542, %parallel_loop3A_688 : vector<16xf32>
      tpu.vector_store_idx %arg8[%parallel_loop3A_686, %parallel_loop3A_11], %broadcast_in_dim3A_3 : memref<64x256xf32, #tpu.memory_space<vmem>>[vector<16xi32>, vector<16xi32>], vector<16xf32>,
      %parallel_loop3A_690 = arith.constant -8 : i32
      %parallel_loop3A_691 = vector.broadcast %parallel_loop3A_690 : i32 to vector<16xi32>
      %parallel_loop3A_692 = arith.andi %parallel_loop3A_686, %parallel_loop3A_691 : vector<16xi32>
      %parallel_loop3A_693 = arith.constant 0 : i32
      %parallel_loop3A_694 = vector.broadcast %parallel_loop3A_693 : i32 to vector<16xi32>
      %parallel_loop3A_695 = arith.addi %parallel_loop3A_692, %parallel_loop3A_694 : vector<16xi32>
      %parallel_loop3A_696 = tpu.vector_load_idx %arg8[%parallel_loop3A_695, %parallel_loop3A_11] : memref<64x256xf32, #tpu.memory_space<vmem>>[vector<16xi32>, vector<16xi32>], vector<16xf32>,
      %parallel_loop3A_697 = arith.constant 1 : i32
      %parallel_loop3A_698 = vector.broadcast %parallel_loop3A_697 : i32 to vector<16xi32>
      %parallel_loop3A_699 = arith.addi %parallel_loop3A_692, %parallel_loop3A_698 : vector<16xi32>
      %parallel_loop3A_700 = tpu.vector_load_idx %arg8[%parallel_loop3A_699, %parallel_loop3A_11] : memref<64x256xf32, #tpu.memory_space<vmem>>[vector<16xi32>, vector<16xi32>], vector<16xf32>,
      %parallel_loop3A_701 = arith.constant 2 : i32
      %parallel_loop3A_702 = vector.broadcast %parallel_loop3A_701 : i32 to vector<16xi32>
      %parallel_loop3A_703 = arith.addi %parallel_loop3A_692, %parallel_loop3A_702 : vector<16xi32>
      %parallel_loop3A_704 = tpu.vector_load_idx %arg8[%parallel_loop3A_703, %parallel_loop3A_11] : memref<64x256xf32, #tpu.memory_space<vmem>>[vector<16xi32>, vector<16xi32>], vector<16xf32>,
      %parallel_loop3A_705 = arith.constant 3 : i32
      %parallel_loop3A_706 = vector.broadcast %parallel_loop3A_705 : i32 to vector<16xi32>
      %parallel_loop3A_707 = arith.addi %parallel_loop3A_692, %parallel_loop3A_706 : vector<16xi32>
      %parallel_loop3A_708 = tpu.vector_load_idx %arg8[%parallel_loop3A_707, %parallel_loop3A_11] : memref<64x256xf32, #tpu.memory_space<vmem>>[vector<16xi32>, vector<16xi32>], vector<16xf32>,
      %parallel_loop3A_709 = arith.constant 4 : i32
      %parallel_loop3A_710 = vector.broadcast %parallel_loop3A_709 : i32 to vector<16xi32>
      %parallel_loop3A_711 = arith.addi %parallel_loop3A_692, %parallel_loop3A_710 : vector<16xi32>
      %parallel_loop3A_712 = tpu.vector_load_idx %arg8[%parallel_loop3A_711, %parallel_loop3A_11] : memref<64x256xf32, #tpu.memory_space<vmem>>[vector<16xi32>, vector<16xi32>], vector<16xf32>,
      %parallel_loop3A_713 = arith.constant 5 : i32
      %parallel_loop3A_714 = vector.broadcast %parallel_loop3A_713 : i32 to vector<16xi32>
      %parallel_loop3A_715 = arith.addi %parallel_loop3A_692, %parallel_loop3A_714 : vector<16xi32>
      %parallel_loop3A_716 = tpu.vector_load_idx %arg8[%parallel_loop3A_715, %parallel_loop3A_11] : memref<64x256xf32, #tpu.memory_space<vmem>>[vector<16xi32>, vector<16xi32>], vector<16xf32>,
      %parallel_loop3A_717 = arith.constant 6 : i32
      %parallel_loop3A_718 = vector.broadcast %parallel_loop3A_717 : i32 to vector<16xi32>
      %parallel_loop3A_719 = arith.addi %parallel_loop3A_692, %parallel_loop3A_718 : vector<16xi32>
      %parallel_loop3A_720 = tpu.vector_load_idx %arg8[%parallel_loop3A_719, %parallel_loop3A_11] : memref<64x256xf32, #tpu.memory_space<vmem>>[vector<16xi32>, vector<16xi32>], vector<16xf32>,
      %parallel_loop3A_721 = arith.constant 7 : i32
      %parallel_loop3A_722 = vector.broadcast %parallel_loop3A_721 : i32 to vector<16xi32>
      %parallel_loop3A_723 = arith.addi %parallel_loop3A_692, %parallel_loop3A_722 : vector<16xi32>
      %parallel_loop3A_724 = tpu.vector_load_idx %arg8[%parallel_loop3A_723, %parallel_loop3A_11] : memref<64x256xf32, #tpu.memory_space<vmem>>[vector<16xi32>, vector<16xi32>], vector<16xf32>,
      %parallel_loop3A_725 = arith.constant 0 : i32
      %parallel_loop3A_726 = vector.broadcast %parallel_loop3A_725 : i32 to vector<16xi32>
      %parallel_loop3A_727 = arith.addi %parallel_loop3A_692, %parallel_loop3A_726 : vector<16xi32>
      %parallel_loop3A_728 = arith.constant 1 : i32
      %parallel_loop3A_729 = vector.broadcast %parallel_loop3A_728 : i32 to vector<16xi32>
      %parallel_loop3A_730 = arith.addi %parallel_loop3A_692, %parallel_loop3A_729 : vector<16xi32>
      %parallel_loop3A_731 = arith.constant 2 : i32
      %parallel_loop3A_732 = vector.broadcast %parallel_loop3A_731 : i32 to vector<16xi32>
      %parallel_loop3A_733 = arith.addi %parallel_loop3A_692, %parallel_loop3A_732 : vector<16xi32>
      %parallel_loop3A_734 = arith.constant 3 : i32
      %parallel_loop3A_735 = vector.broadcast %parallel_loop3A_734 : i32 to vector<16xi32>
      %parallel_loop3A_736 = arith.addi %parallel_loop3A_692, %parallel_loop3A_735 : vector<16xi32>
      %parallel_loop3A_737 = arith.constant 4 : i32
      %parallel_loop3A_738 = vector.broadcast %parallel_loop3A_737 : i32 to vector<16xi32>
      %parallel_loop3A_739 = arith.addi %parallel_loop3A_692, %parallel_loop3A_738 : vector<16xi32>
      %parallel_loop3A_740 = arith.constant 5 : i32
      %parallel_loop3A_741 = vector.broadcast %parallel_loop3A_740 : i32 to vector<16xi32>
      %parallel_loop3A_742 = arith.addi %parallel_loop3A_692, %parallel_loop3A_741 : vector<16xi32>
      %parallel_loop3A_743 = arith.constant 6 : i32
      %parallel_loop3A_744 = vector.broadcast %parallel_loop3A_743 : i32 to vector<16xi32>
      %parallel_loop3A_745 = arith.addi %parallel_loop3A_692, %parallel_loop3A_744 : vector<16xi32>
      %parallel_loop3A_746 = arith.constant 7 : i32
      %parallel_loop3A_747 = vector.broadcast %parallel_loop3A_746 : i32 to vector<16xi32>
      %parallel_loop3A_748 = arith.addi %parallel_loop3A_692, %parallel_loop3A_747 : vector<16xi32>
      %parallel_loop3A_749 = arith.cmpf ogt, %parallel_loop3A_700, %parallel_loop3A_696 : vector<16xf32>
      %parallel_loop3A_750 = arith.maximumf %parallel_loop3A_696, %parallel_loop3A_700 : vector<16xf32>
      %parallel_loop3A_751 = arith.select %parallel_loop3A_749, %parallel_loop3A_730, %parallel_loop3A_727 : vector<16xi1>, vector<16xi32>
      %parallel_loop3A_752 = arith.cmpf ogt, %parallel_loop3A_708, %parallel_loop3A_704 : vector<16xf32>
      %parallel_loop3A_753 = arith.maximumf %parallel_loop3A_704, %parallel_loop3A_708 : vector<16xf32>
      %parallel_loop3A_754 = arith.select %parallel_loop3A_752, %parallel_loop3A_736, %parallel_loop3A_733 : vector<16xi1>, vector<16xi32>
      %parallel_loop3A_755 = arith.cmpf ogt, %parallel_loop3A_716, %parallel_loop3A_712 : vector<16xf32>
      %parallel_loop3A_756 = arith.maximumf %parallel_loop3A_712, %parallel_loop3A_716 : vector<16xf32>
      %parallel_loop3A_757 = arith.select %parallel_loop3A_755, %parallel_loop3A_742, %parallel_loop3A_739 : vector<16xi1>, vector<16xi32>
      %parallel_loop3A_758 = arith.cmpf ogt, %parallel_loop3A_724, %parallel_loop3A_720 : vector<16xf32>
      %parallel_loop3A_759 = arith.maximumf %parallel_loop3A_720, %parallel_loop3A_724 : vector<16xf32>
      %parallel_loop3A_760 = arith.select %parallel_loop3A_758, %parallel_loop3A_748, %parallel_loop3A_745 : vector<16xi1>, vector<16xi32>
      %parallel_loop3A_761 = arith.cmpf ogt, %parallel_loop3A_753, %parallel_loop3A_750 : vector<16xf32>
      %parallel_loop3A_762 = arith.maximumf %parallel_loop3A_750, %parallel_loop3A_753 : vector<16xf32>
      %parallel_loop3A_763 = arith.select %parallel_loop3A_761, %parallel_loop3A_754, %parallel_loop3A_751 : vector<16xi1>, vector<16xi32>
      %parallel_loop3A_764 = arith.cmpf ogt, %parallel_loop3A_759, %parallel_loop3A_756 : vector<16xf32>
      %parallel_loop3A_765 = arith.maximumf %parallel_loop3A_756, %parallel_loop3A_759 : vector<16xf32>
      %parallel_loop3A_766 = arith.select %parallel_loop3A_764, %parallel_loop3A_760, %parallel_loop3A_757 : vector<16xi1>, vector<16xi32>
      %parallel_loop3A_767 = arith.cmpf ogt, %parallel_loop3A_765, %parallel_loop3A_762 : vector<16xf32>
      %parallel_loop3A_768 = arith.maximumf %parallel_loop3A_762, %parallel_loop3A_765 : vector<16xf32>
      %parallel_loop3A_769 = arith.select %parallel_loop3A_767, %parallel_loop3A_766, %parallel_loop3A_763 : vector<16xi1>, vector<16xi32>
      %parallel_loop3A_770 = arith.constant 3 : i32
      %parallel_loop3A_771 = vector.broadcast %parallel_loop3A_770 : i32 to vector<16xi32>
      %parallel_loop3A_772 = arith.shrui %parallel_loop3A_686, %parallel_loop3A_771 : vector<16xi32>
      %parallel_loop3A_773 = arith.constant 0 : i32
      %parallel_loop3A_774 = vector.broadcast %parallel_loop3A_773 : i32 to vector<16xi32>
      %parallel_loop3A_775 = arith.cmpi eq, %parallel_loop3A_772, %parallel_loop3A_774 : vector<16xi32>
      %parallel_loop3A_776 = arith.select %parallel_loop3A_775, %parallel_loop3A_768, %parallel_loop3A_629 : vector<16xi1>, vector<16xf32>
      %parallel_loop3A_777 = arith.select %parallel_loop3A_775, %parallel_loop3A_769, %parallel_loop3A_630 : vector<16xi1>, vector<16xi32>
      %parallel_loop3A_778 = arith.constant 1 : i32
      %parallel_loop3A_779 = vector.broadcast %parallel_loop3A_778 : i32 to vector<16xi32>
      %parallel_loop3A_780 = arith.cmpi eq, %parallel_loop3A_772, %parallel_loop3A_779 : vector<16xi32>
      %parallel_loop3A_781 = arith.select %parallel_loop3A_780, %parallel_loop3A_768, %parallel_loop3A_634 : vector<16xi1>, vector<16xf32>
      %parallel_loop3A_782 = arith.select %parallel_loop3A_780, %parallel_loop3A_769, %parallel_loop3A_635 : vector<16xi1>, vector<16xi32>
      %parallel_loop3A_783 = arith.constant 2 : i32
      %parallel_loop3A_784 = vector.broadcast %parallel_loop3A_783 : i32 to vector<16xi32>
      %parallel_loop3A_785 = arith.cmpi eq, %parallel_loop3A_772, %parallel_loop3A_784 : vector<16xi32>
      %parallel_loop3A_786 = arith.select %parallel_loop3A_785, %parallel_loop3A_768, %parallel_loop3A_639 : vector<16xi1>, vector<16xf32>
      %parallel_loop3A_787 = arith.select %parallel_loop3A_785, %parallel_loop3A_769, %parallel_loop3A_640 : vector<16xi1>, vector<16xi32>
      %parallel_loop3A_788 = arith.constant 3 : i32
      %parallel_loop3A_789 = vector.broadcast %parallel_loop3A_788 : i32 to vector<16xi32>
      %parallel_loop3A_790 = arith.cmpi eq, %parallel_loop3A_772, %parallel_loop3A_789 : vector<16xi32>
      %parallel_loop3A_791 = arith.select %parallel_loop3A_790, %parallel_loop3A_768, %parallel_loop3A_644 : vector<16xi1>, vector<16xf32>
      %parallel_loop3A_792 = arith.select %parallel_loop3A_790, %parallel_loop3A_769, %parallel_loop3A_645 : vector<16xi1>, vector<16xi32>
      %parallel_loop3A_793 = arith.constant 4 : i32
      %parallel_loop3A_794 = vector.broadcast %parallel_loop3A_793 : i32 to vector<16xi32>
      %parallel_loop3A_795 = arith.cmpi eq, %parallel_loop3A_772, %parallel_loop3A_794 : vector<16xi32>
      %parallel_loop3A_796 = arith.select %parallel_loop3A_795, %parallel_loop3A_768, %parallel_loop3A_649 : vector<16xi1>, vector<16xf32>
      %parallel_loop3A_797 = arith.select %parallel_loop3A_795, %parallel_loop3A_769, %parallel_loop3A_650 : vector<16xi1>, vector<16xi32>
      %parallel_loop3A_798 = arith.constant 5 : i32
      %parallel_loop3A_799 = vector.broadcast %parallel_loop3A_798 : i32 to vector<16xi32>
      %parallel_loop3A_800 = arith.cmpi eq, %parallel_loop3A_772, %parallel_loop3A_799 : vector<16xi32>
      %parallel_loop3A_801 = arith.select %parallel_loop3A_800, %parallel_loop3A_768, %parallel_loop3A_654 : vector<16xi1>, vector<16xf32>
      %parallel_loop3A_802 = arith.select %parallel_loop3A_800, %parallel_loop3A_769, %parallel_loop3A_655 : vector<16xi1>, vector<16xi32>
      %parallel_loop3A_803 = arith.constant 6 : i32
      %parallel_loop3A_804 = vector.broadcast %parallel_loop3A_803 : i32 to vector<16xi32>
      %parallel_loop3A_805 = arith.cmpi eq, %parallel_loop3A_772, %parallel_loop3A_804 : vector<16xi32>
      %parallel_loop3A_806 = arith.select %parallel_loop3A_805, %parallel_loop3A_768, %parallel_loop3A_659 : vector<16xi1>, vector<16xf32>
      %parallel_loop3A_807 = arith.select %parallel_loop3A_805, %parallel_loop3A_769, %parallel_loop3A_660 : vector<16xi1>, vector<16xi32>
      %parallel_loop3A_808 = arith.constant 7 : i32
      %parallel_loop3A_809 = vector.broadcast %parallel_loop3A_808 : i32 to vector<16xi32>
      %parallel_loop3A_810 = arith.cmpi eq, %parallel_loop3A_772, %parallel_loop3A_809 : vector<16xi32>
      %parallel_loop3A_811 = arith.select %parallel_loop3A_810, %parallel_loop3A_768, %parallel_loop3A_664 : vector<16xi1>, vector<16xf32>
      %parallel_loop3A_812 = arith.select %parallel_loop3A_810, %parallel_loop3A_769, %parallel_loop3A_665 : vector<16xi1>, vector<16xi32>
      %parallel_loop3A_813 = arith.cmpf ogt, %parallel_loop3A_781, %parallel_loop3A_776 : vector<16xf32>
      %parallel_loop3A_814 = arith.maximumf %parallel_loop3A_776, %parallel_loop3A_781 : vector<16xf32>
      %parallel_loop3A_815 = arith.select %parallel_loop3A_813, %parallel_loop3A_782, %parallel_loop3A_777 : vector<16xi1>, vector<16xi32>
      %parallel_loop3A_816 = arith.cmpf ogt, %parallel_loop3A_791, %parallel_loop3A_786 : vector<16xf32>
      %parallel_loop3A_817 = arith.maximumf %parallel_loop3A_786, %parallel_loop3A_791 : vector<16xf32>
      %parallel_loop3A_818 = arith.select %parallel_loop3A_816, %parallel_loop3A_792, %parallel_loop3A_787 : vector<16xi1>, vector<16xi32>
      %parallel_loop3A_819 = arith.cmpf ogt, %parallel_loop3A_801, %parallel_loop3A_796 : vector<16xf32>
      %parallel_loop3A_820 = arith.maximumf %parallel_loop3A_796, %parallel_loop3A_801 : vector<16xf32>
      %parallel_loop3A_821 = arith.select %parallel_loop3A_819, %parallel_loop3A_802, %parallel_loop3A_797 : vector<16xi1>, vector<16xi32>
      %parallel_loop3A_822 = arith.cmpf ogt, %parallel_loop3A_811, %parallel_loop3A_806 : vector<16xf32>
      %parallel_loop3A_823 = arith.maximumf %parallel_loop3A_806, %parallel_loop3A_811 : vector<16xf32>
      %parallel_loop3A_824 = arith.select %parallel_loop3A_822, %parallel_loop3A_812, %parallel_loop3A_807 : vector<16xi1>, vector<16xi32>
      %parallel_loop3A_825 = arith.cmpf ogt, %parallel_loop3A_817, %parallel_loop3A_814 : vector<16xf32>
      %parallel_loop3A_826 = arith.maximumf %parallel_loop3A_814, %parallel_loop3A_817 : vector<16xf32>
      %parallel_loop3A_827 = arith.select %parallel_loop3A_825, %parallel_loop3A_818, %parallel_loop3A_815 : vector<16xi1>, vector<16xi32>
      %parallel_loop3A_828 = arith.cmpf ogt, %parallel_loop3A_823, %parallel_loop3A_820 : vector<16xf32>
      %parallel_loop3A_829 = arith.maximumf %parallel_loop3A_820, %parallel_loop3A_823 : vector<16xf32>
      %parallel_loop3A_830 = arith.select %parallel_loop3A_828, %parallel_loop3A_824, %parallel_loop3A_821 : vector<16xi1>, vector<16xi32>
      %parallel_loop3A_831 = arith.cmpf ogt, %parallel_loop3A_829, %parallel_loop3A_826 : vector<16xf32>
      %parallel_loop3A_832 = arith.maximumf %parallel_loop3A_826, %parallel_loop3A_829 : vector<16xf32>
      %parallel_loop3A_833 = arith.select %parallel_loop3A_831, %parallel_loop3A_830, %parallel_loop3A_827 : vector<16xi1>, vector<16xi32>
      %parallel_loop3A_834 = tpu.vector_load_idx %arg11[%parallel_loop3A_833] : memref<64xf32, #tpu.memory_space<vmem>>[vector<16xi32>], vector<16xf32>,
      %parallel_loop3A_835 = arith.subf %parallel_loop3A_832, %parallel_loop3A_834 : vector<16xf32>
      %parallel_loop3A_836 = arith.addf %parallel_loop3A_689, %parallel_loop3A_835 : vector<16xf32>
      tpu.vector_store_idx %arg8[%parallel_loop3A_833, %parallel_loop3A_11], %broadcast_in_dim3A_3 : memref<64x256xf32, #tpu.memory_space<vmem>>[vector<16xi32>, vector<16xi32>], vector<16xf32>,
      %parallel_loop3A_837 = arith.constant -8 : i32
      %parallel_loop3A_838 = vector.broadcast %parallel_loop3A_837 : i32 to vector<16xi32>
      %parallel_loop3A_839 = arith.andi %parallel_loop3A_833, %parallel_loop3A_838 : vector<16xi32>
      %parallel_loop3A_840 = arith.constant 0 : i32
      %parallel_loop3A_841 = vector.broadcast %parallel_loop3A_840 : i32 to vector<16xi32>
      %parallel_loop3A_842 = arith.addi %parallel_loop3A_839, %parallel_loop3A_841 : vector<16xi32>
      %parallel_loop3A_843 = tpu.vector_load_idx %arg8[%parallel_loop3A_842, %parallel_loop3A_11] : memref<64x256xf32, #tpu.memory_space<vmem>>[vector<16xi32>, vector<16xi32>], vector<16xf32>,
      %parallel_loop3A_844 = arith.constant 1 : i32
      %parallel_loop3A_845 = vector.broadcast %parallel_loop3A_844 : i32 to vector<16xi32>
      %parallel_loop3A_846 = arith.addi %parallel_loop3A_839, %parallel_loop3A_845 : vector<16xi32>
      %parallel_loop3A_847 = tpu.vector_load_idx %arg8[%parallel_loop3A_846, %parallel_loop3A_11] : memref<64x256xf32, #tpu.memory_space<vmem>>[vector<16xi32>, vector<16xi32>], vector<16xf32>,
      %parallel_loop3A_848 = arith.constant 2 : i32
      %parallel_loop3A_849 = vector.broadcast %parallel_loop3A_848 : i32 to vector<16xi32>
      %parallel_loop3A_850 = arith.addi %parallel_loop3A_839, %parallel_loop3A_849 : vector<16xi32>
      %parallel_loop3A_851 = tpu.vector_load_idx %arg8[%parallel_loop3A_850, %parallel_loop3A_11] : memref<64x256xf32, #tpu.memory_space<vmem>>[vector<16xi32>, vector<16xi32>], vector<16xf32>,
      %parallel_loop3A_852 = arith.constant 3 : i32
      %parallel_loop3A_853 = vector.broadcast %parallel_loop3A_852 : i32 to vector<16xi32>
      %parallel_loop3A_854 = arith.addi %parallel_loop3A_839, %parallel_loop3A_853 : vector<16xi32>
      %parallel_loop3A_855 = tpu.vector_load_idx %arg8[%parallel_loop3A_854, %parallel_loop3A_11] : memref<64x256xf32, #tpu.memory_space<vmem>>[vector<16xi32>, vector<16xi32>], vector<16xf32>,
      %parallel_loop3A_856 = arith.constant 4 : i32
      %parallel_loop3A_857 = vector.broadcast %parallel_loop3A_856 : i32 to vector<16xi32>
      %parallel_loop3A_858 = arith.addi %parallel_loop3A_839, %parallel_loop3A_857 : vector<16xi32>
      %parallel_loop3A_859 = tpu.vector_load_idx %arg8[%parallel_loop3A_858, %parallel_loop3A_11] : memref<64x256xf32, #tpu.memory_space<vmem>>[vector<16xi32>, vector<16xi32>], vector<16xf32>,
      %parallel_loop3A_860 = arith.constant 5 : i32
      %parallel_loop3A_861 = vector.broadcast %parallel_loop3A_860 : i32 to vector<16xi32>
      %parallel_loop3A_862 = arith.addi %parallel_loop3A_839, %parallel_loop3A_861 : vector<16xi32>
      %parallel_loop3A_863 = tpu.vector_load_idx %arg8[%parallel_loop3A_862, %parallel_loop3A_11] : memref<64x256xf32, #tpu.memory_space<vmem>>[vector<16xi32>, vector<16xi32>], vector<16xf32>,
      %parallel_loop3A_864 = arith.constant 6 : i32
      %parallel_loop3A_865 = vector.broadcast %parallel_loop3A_864 : i32 to vector<16xi32>
      %parallel_loop3A_866 = arith.addi %parallel_loop3A_839, %parallel_loop3A_865 : vector<16xi32>
      %parallel_loop3A_867 = tpu.vector_load_idx %arg8[%parallel_loop3A_866, %parallel_loop3A_11] : memref<64x256xf32, #tpu.memory_space<vmem>>[vector<16xi32>, vector<16xi32>], vector<16xf32>,
      %parallel_loop3A_868 = arith.constant 7 : i32
      %parallel_loop3A_869 = vector.broadcast %parallel_loop3A_868 : i32 to vector<16xi32>
      %parallel_loop3A_870 = arith.addi %parallel_loop3A_839, %parallel_loop3A_869 : vector<16xi32>
      %parallel_loop3A_871 = tpu.vector_load_idx %arg8[%parallel_loop3A_870, %parallel_loop3A_11] : memref<64x256xf32, #tpu.memory_space<vmem>>[vector<16xi32>, vector<16xi32>], vector<16xf32>,
      %parallel_loop3A_872 = arith.constant 0 : i32
      %parallel_loop3A_873 = vector.broadcast %parallel_loop3A_872 : i32 to vector<16xi32>
      %parallel_loop3A_874 = arith.addi %parallel_loop3A_839, %parallel_loop3A_873 : vector<16xi32>
      %parallel_loop3A_875 = arith.constant 1 : i32
      %parallel_loop3A_876 = vector.broadcast %parallel_loop3A_875 : i32 to vector<16xi32>
      %parallel_loop3A_877 = arith.addi %parallel_loop3A_839, %parallel_loop3A_876 : vector<16xi32>
      %parallel_loop3A_878 = arith.constant 2 : i32
      %parallel_loop3A_879 = vector.broadcast %parallel_loop3A_878 : i32 to vector<16xi32>
      %parallel_loop3A_880 = arith.addi %parallel_loop3A_839, %parallel_loop3A_879 : vector<16xi32>
      %parallel_loop3A_881 = arith.constant 3 : i32
      %parallel_loop3A_882 = vector.broadcast %parallel_loop3A_881 : i32 to vector<16xi32>
      %parallel_loop3A_883 = arith.addi %parallel_loop3A_839, %parallel_loop3A_882 : vector<16xi32>
      %parallel_loop3A_884 = arith.constant 4 : i32
      %parallel_loop3A_885 = vector.broadcast %parallel_loop3A_884 : i32 to vector<16xi32>
      %parallel_loop3A_886 = arith.addi %parallel_loop3A_839, %parallel_loop3A_885 : vector<16xi32>
      %parallel_loop3A_887 = arith.constant 5 : i32
      %parallel_loop3A_888 = vector.broadcast %parallel_loop3A_887 : i32 to vector<16xi32>
      %parallel_loop3A_889 = arith.addi %parallel_loop3A_839, %parallel_loop3A_888 : vector<16xi32>
      %parallel_loop3A_890 = arith.constant 6 : i32
      %parallel_loop3A_891 = vector.broadcast %parallel_loop3A_890 : i32 to vector<16xi32>
      %parallel_loop3A_892 = arith.addi %parallel_loop3A_839, %parallel_loop3A_891 : vector<16xi32>
      %parallel_loop3A_893 = arith.constant 7 : i32
      %parallel_loop3A_894 = vector.broadcast %parallel_loop3A_893 : i32 to vector<16xi32>
      %parallel_loop3A_895 = arith.addi %parallel_loop3A_839, %parallel_loop3A_894 : vector<16xi32>
      %parallel_loop3A_896 = arith.cmpf ogt, %parallel_loop3A_847, %parallel_loop3A_843 : vector<16xf32>
      %parallel_loop3A_897 = arith.maximumf %parallel_loop3A_843, %parallel_loop3A_847 : vector<16xf32>
      %parallel_loop3A_898 = arith.select %parallel_loop3A_896, %parallel_loop3A_877, %parallel_loop3A_874 : vector<16xi1>, vector<16xi32>
      %parallel_loop3A_899 = arith.cmpf ogt, %parallel_loop3A_855, %parallel_loop3A_851 : vector<16xf32>
      %parallel_loop3A_900 = arith.maximumf %parallel_loop3A_851, %parallel_loop3A_855 : vector<16xf32>
      %parallel_loop3A_901 = arith.select %parallel_loop3A_899, %parallel_loop3A_883, %parallel_loop3A_880 : vector<16xi1>, vector<16xi32>
      %parallel_loop3A_902 = arith.cmpf ogt, %parallel_loop3A_863, %parallel_loop3A_859 : vector<16xf32>
      %parallel_loop3A_903 = arith.maximumf %parallel_loop3A_859, %parallel_loop3A_863 : vector<16xf32>
      %parallel_loop3A_904 = arith.select %parallel_loop3A_902, %parallel_loop3A_889, %parallel_loop3A_886 : vector<16xi1>, vector<16xi32>
      %parallel_loop3A_905 = arith.cmpf ogt, %parallel_loop3A_871, %parallel_loop3A_867 : vector<16xf32>
      %parallel_loop3A_906 = arith.maximumf %parallel_loop3A_867, %parallel_loop3A_871 : vector<16xf32>
      %parallel_loop3A_907 = arith.select %parallel_loop3A_905, %parallel_loop3A_895, %parallel_loop3A_892 : vector<16xi1>, vector<16xi32>
      %parallel_loop3A_908 = arith.cmpf ogt, %parallel_loop3A_900, %parallel_loop3A_897 : vector<16xf32>
      %parallel_loop3A_909 = arith.maximumf %parallel_loop3A_897, %parallel_loop3A_900 : vector<16xf32>
      %parallel_loop3A_910 = arith.select %parallel_loop3A_908, %parallel_loop3A_901, %parallel_loop3A_898 : vector<16xi1>, vector<16xi32>
      %parallel_loop3A_911 = arith.cmpf ogt, %parallel_loop3A_906, %parallel_loop3A_903 : vector<16xf32>
      %parallel_loop3A_912 = arith.maximumf %parallel_loop3A_903, %parallel_loop3A_906 : vector<16xf32>
      %parallel_loop3A_913 = arith.select %parallel_loop3A_911, %parallel_loop3A_907, %parallel_loop3A_904 : vector<16xi1>, vector<16xi32>
      %parallel_loop3A_914 = arith.cmpf ogt, %parallel_loop3A_912, %parallel_loop3A_909 : vector<16xf32>
      %parallel_loop3A_915 = arith.maximumf %parallel_loop3A_909, %parallel_loop3A_912 : vector<16xf32>
      %parallel_loop3A_916 = arith.select %parallel_loop3A_914, %parallel_loop3A_913, %parallel_loop3A_910 : vector<16xi1>, vector<16xi32>
      %parallel_loop3A_917 = arith.constant 3 : i32
      %parallel_loop3A_918 = vector.broadcast %parallel_loop3A_917 : i32 to vector<16xi32>
      %parallel_loop3A_919 = arith.shrui %parallel_loop3A_833, %parallel_loop3A_918 : vector<16xi32>
      %parallel_loop3A_920 = arith.constant 0 : i32
      %parallel_loop3A_921 = vector.broadcast %parallel_loop3A_920 : i32 to vector<16xi32>
      %parallel_loop3A_922 = arith.cmpi eq, %parallel_loop3A_919, %parallel_loop3A_921 : vector<16xi32>
      %parallel_loop3A_923 = arith.select %parallel_loop3A_922, %parallel_loop3A_915, %parallel_loop3A_776 : vector<16xi1>, vector<16xf32>
      %parallel_loop3A_924 = arith.select %parallel_loop3A_922, %parallel_loop3A_916, %parallel_loop3A_777 : vector<16xi1>, vector<16xi32>
      %parallel_loop3A_925 = arith.constant 1 : i32
      %parallel_loop3A_926 = vector.broadcast %parallel_loop3A_925 : i32 to vector<16xi32>
      %parallel_loop3A_927 = arith.cmpi eq, %parallel_loop3A_919, %parallel_loop3A_926 : vector<16xi32>
      %parallel_loop3A_928 = arith.select %parallel_loop3A_927, %parallel_loop3A_915, %parallel_loop3A_781 : vector<16xi1>, vector<16xf32>
      %parallel_loop3A_929 = arith.select %parallel_loop3A_927, %parallel_loop3A_916, %parallel_loop3A_782 : vector<16xi1>, vector<16xi32>
      %parallel_loop3A_930 = arith.constant 2 : i32
      %parallel_loop3A_931 = vector.broadcast %parallel_loop3A_930 : i32 to vector<16xi32>
      %parallel_loop3A_932 = arith.cmpi eq, %parallel_loop3A_919, %parallel_loop3A_931 : vector<16xi32>
      %parallel_loop3A_933 = arith.select %parallel_loop3A_932, %parallel_loop3A_915, %parallel_loop3A_786 : vector<16xi1>, vector<16xf32>
      %parallel_loop3A_934 = arith.select %parallel_loop3A_932, %parallel_loop3A_916, %parallel_loop3A_787 : vector<16xi1>, vector<16xi32>
      %parallel_loop3A_935 = arith.constant 3 : i32
      %parallel_loop3A_936 = vector.broadcast %parallel_loop3A_935 : i32 to vector<16xi32>
      %parallel_loop3A_937 = arith.cmpi eq, %parallel_loop3A_919, %parallel_loop3A_936 : vector<16xi32>
      %parallel_loop3A_938 = arith.select %parallel_loop3A_937, %parallel_loop3A_915, %parallel_loop3A_791 : vector<16xi1>, vector<16xf32>
      %parallel_loop3A_939 = arith.select %parallel_loop3A_937, %parallel_loop3A_916, %parallel_loop3A_792 : vector<16xi1>, vector<16xi32>
      %parallel_loop3A_940 = arith.constant 4 : i32
      %parallel_loop3A_941 = vector.broadcast %parallel_loop3A_940 : i32 to vector<16xi32>
      %parallel_loop3A_942 = arith.cmpi eq, %parallel_loop3A_919, %parallel_loop3A_941 : vector<16xi32>
      %parallel_loop3A_943 = arith.select %parallel_loop3A_942, %parallel_loop3A_915, %parallel_loop3A_796 : vector<16xi1>, vector<16xf32>
      %parallel_loop3A_944 = arith.select %parallel_loop3A_942, %parallel_loop3A_916, %parallel_loop3A_797 : vector<16xi1>, vector<16xi32>
      %parallel_loop3A_945 = arith.constant 5 : i32
      %parallel_loop3A_946 = vector.broadcast %parallel_loop3A_945 : i32 to vector<16xi32>
      %parallel_loop3A_947 = arith.cmpi eq, %parallel_loop3A_919, %parallel_loop3A_946 : vector<16xi32>
      %parallel_loop3A_948 = arith.select %parallel_loop3A_947, %parallel_loop3A_915, %parallel_loop3A_801 : vector<16xi1>, vector<16xf32>
      %parallel_loop3A_949 = arith.select %parallel_loop3A_947, %parallel_loop3A_916, %parallel_loop3A_802 : vector<16xi1>, vector<16xi32>
      %parallel_loop3A_950 = arith.constant 6 : i32
      %parallel_loop3A_951 = vector.broadcast %parallel_loop3A_950 : i32 to vector<16xi32>
      %parallel_loop3A_952 = arith.cmpi eq, %parallel_loop3A_919, %parallel_loop3A_951 : vector<16xi32>
      %parallel_loop3A_953 = arith.select %parallel_loop3A_952, %parallel_loop3A_915, %parallel_loop3A_806 : vector<16xi1>, vector<16xf32>
      %parallel_loop3A_954 = arith.select %parallel_loop3A_952, %parallel_loop3A_916, %parallel_loop3A_807 : vector<16xi1>, vector<16xi32>
      %parallel_loop3A_955 = arith.constant 7 : i32
      %parallel_loop3A_956 = vector.broadcast %parallel_loop3A_955 : i32 to vector<16xi32>
      %parallel_loop3A_957 = arith.cmpi eq, %parallel_loop3A_919, %parallel_loop3A_956 : vector<16xi32>
      %parallel_loop3A_958 = arith.select %parallel_loop3A_957, %parallel_loop3A_915, %parallel_loop3A_811 : vector<16xi1>, vector<16xf32>
      %parallel_loop3A_959 = arith.select %parallel_loop3A_957, %parallel_loop3A_916, %parallel_loop3A_812 : vector<16xi1>, vector<16xi32>
      %parallel_loop3A_960 = arith.cmpf ogt, %parallel_loop3A_928, %parallel_loop3A_923 : vector<16xf32>
      %parallel_loop3A_961 = arith.maximumf %parallel_loop3A_923, %parallel_loop3A_928 : vector<16xf32>
      %parallel_loop3A_962 = arith.select %parallel_loop3A_960, %parallel_loop3A_929, %parallel_loop3A_924 : vector<16xi1>, vector<16xi32>
      %parallel_loop3A_963 = arith.cmpf ogt, %parallel_loop3A_938, %parallel_loop3A_933 : vector<16xf32>
      %parallel_loop3A_964 = arith.maximumf %parallel_loop3A_933, %parallel_loop3A_938 : vector<16xf32>
      %parallel_loop3A_965 = arith.select %parallel_loop3A_963, %parallel_loop3A_939, %parallel_loop3A_934 : vector<16xi1>, vector<16xi32>
      %parallel_loop3A_966 = arith.cmpf ogt, %parallel_loop3A_948, %parallel_loop3A_943 : vector<16xf32>
      %parallel_loop3A_967 = arith.maximumf %parallel_loop3A_943, %parallel_loop3A_948 : vector<16xf32>
      %parallel_loop3A_968 = arith.select %parallel_loop3A_966, %parallel_loop3A_949, %parallel_loop3A_944 : vector<16xi1>, vector<16xi32>
      %parallel_loop3A_969 = arith.cmpf ogt, %parallel_loop3A_958, %parallel_loop3A_953 : vector<16xf32>
      %parallel_loop3A_970 = arith.maximumf %parallel_loop3A_953, %parallel_loop3A_958 : vector<16xf32>
      %parallel_loop3A_971 = arith.select %parallel_loop3A_969, %parallel_loop3A_959, %parallel_loop3A_954 : vector<16xi1>, vector<16xi32>
      %parallel_loop3A_972 = arith.cmpf ogt, %parallel_loop3A_964, %parallel_loop3A_961 : vector<16xf32>
      %parallel_loop3A_973 = arith.maximumf %parallel_loop3A_961, %parallel_loop3A_964 : vector<16xf32>
      %parallel_loop3A_974 = arith.select %parallel_loop3A_972, %parallel_loop3A_965, %parallel_loop3A_962 : vector<16xi1>, vector<16xi32>
      %parallel_loop3A_975 = arith.cmpf ogt, %parallel_loop3A_970, %parallel_loop3A_967 : vector<16xf32>
      %parallel_loop3A_976 = arith.maximumf %parallel_loop3A_967, %parallel_loop3A_970 : vector<16xf32>
      %parallel_loop3A_977 = arith.select %parallel_loop3A_975, %parallel_loop3A_971, %parallel_loop3A_968 : vector<16xi1>, vector<16xi32>
      %parallel_loop3A_978 = arith.cmpf ogt, %parallel_loop3A_976, %parallel_loop3A_973 : vector<16xf32>
      %parallel_loop3A_979 = arith.maximumf %parallel_loop3A_973, %parallel_loop3A_976 : vector<16xf32>
      %parallel_loop3A_980 = arith.select %parallel_loop3A_978, %parallel_loop3A_977, %parallel_loop3A_974 : vector<16xi1>, vector<16xi32>
      %parallel_loop3A_981 = tpu.vector_load_idx %arg11[%parallel_loop3A_980] : memref<64xf32, #tpu.memory_space<vmem>>[vector<16xi32>], vector<16xf32>,
      %parallel_loop3A_982 = arith.subf %parallel_loop3A_979, %parallel_loop3A_981 : vector<16xf32>
      %parallel_loop3A_983 = arith.addf %parallel_loop3A_836, %parallel_loop3A_982 : vector<16xf32>
      tpu.vector_store_idx %arg8[%parallel_loop3A_980, %parallel_loop3A_11], %broadcast_in_dim3A_3 : memref<64x256xf32, #tpu.memory_space<vmem>>[vector<16xi32>, vector<16xi32>], vector<16xf32>,
      %parallel_loop3A_984 = arith.constant -8 : i32
      %parallel_loop3A_985 = vector.broadcast %parallel_loop3A_984 : i32 to vector<16xi32>
      %parallel_loop3A_986 = arith.andi %parallel_loop3A_980, %parallel_loop3A_985 : vector<16xi32>
      %parallel_loop3A_987 = arith.constant 0 : i32
      %parallel_loop3A_988 = vector.broadcast %parallel_loop3A_987 : i32 to vector<16xi32>
      %parallel_loop3A_989 = arith.addi %parallel_loop3A_986, %parallel_loop3A_988 : vector<16xi32>
      %parallel_loop3A_990 = tpu.vector_load_idx %arg8[%parallel_loop3A_989, %parallel_loop3A_11] : memref<64x256xf32, #tpu.memory_space<vmem>>[vector<16xi32>, vector<16xi32>], vector<16xf32>,
      %parallel_loop3A_991 = arith.constant 1 : i32
      %parallel_loop3A_992 = vector.broadcast %parallel_loop3A_991 : i32 to vector<16xi32>
      %parallel_loop3A_993 = arith.addi %parallel_loop3A_986, %parallel_loop3A_992 : vector<16xi32>
      %parallel_loop3A_994 = tpu.vector_load_idx %arg8[%parallel_loop3A_993, %parallel_loop3A_11] : memref<64x256xf32, #tpu.memory_space<vmem>>[vector<16xi32>, vector<16xi32>], vector<16xf32>,
      %parallel_loop3A_995 = arith.constant 2 : i32
      %parallel_loop3A_996 = vector.broadcast %parallel_loop3A_995 : i32 to vector<16xi32>
      %parallel_loop3A_997 = arith.addi %parallel_loop3A_986, %parallel_loop3A_996 : vector<16xi32>
      %parallel_loop3A_998 = tpu.vector_load_idx %arg8[%parallel_loop3A_997, %parallel_loop3A_11] : memref<64x256xf32, #tpu.memory_space<vmem>>[vector<16xi32>, vector<16xi32>], vector<16xf32>,
      %parallel_loop3A_999 = arith.constant 3 : i32
      %parallel_loop3A_1000 = vector.broadcast %parallel_loop3A_999 : i32 to vector<16xi32>
      %parallel_loop3A_1001 = arith.addi %parallel_loop3A_986, %parallel_loop3A_1000 : vector<16xi32>
      %parallel_loop3A_1002 = tpu.vector_load_idx %arg8[%parallel_loop3A_1001, %parallel_loop3A_11] : memref<64x256xf32, #tpu.memory_space<vmem>>[vector<16xi32>, vector<16xi32>], vector<16xf32>,
      %parallel_loop3A_1003 = arith.constant 4 : i32
      %parallel_loop3A_1004 = vector.broadcast %parallel_loop3A_1003 : i32 to vector<16xi32>
      %parallel_loop3A_1005 = arith.addi %parallel_loop3A_986, %parallel_loop3A_1004 : vector<16xi32>
      %parallel_loop3A_1006 = tpu.vector_load_idx %arg8[%parallel_loop3A_1005, %parallel_loop3A_11] : memref<64x256xf32, #tpu.memory_space<vmem>>[vector<16xi32>, vector<16xi32>], vector<16xf32>,
      %parallel_loop3A_1007 = arith.constant 5 : i32
      %parallel_loop3A_1008 = vector.broadcast %parallel_loop3A_1007 : i32 to vector<16xi32>
      %parallel_loop3A_1009 = arith.addi %parallel_loop3A_986, %parallel_loop3A_1008 : vector<16xi32>
      %parallel_loop3A_1010 = tpu.vector_load_idx %arg8[%parallel_loop3A_1009, %parallel_loop3A_11] : memref<64x256xf32, #tpu.memory_space<vmem>>[vector<16xi32>, vector<16xi32>], vector<16xf32>,
      %parallel_loop3A_1011 = arith.constant 6 : i32
      %parallel_loop3A_1012 = vector.broadcast %parallel_loop3A_1011 : i32 to vector<16xi32>
      %parallel_loop3A_1013 = arith.addi %parallel_loop3A_986, %parallel_loop3A_1012 : vector<16xi32>
      %parallel_loop3A_1014 = tpu.vector_load_idx %arg8[%parallel_loop3A_1013, %parallel_loop3A_11] : memref<64x256xf32, #tpu.memory_space<vmem>>[vector<16xi32>, vector<16xi32>], vector<16xf32>,
      %parallel_loop3A_1015 = arith.constant 7 : i32
      %parallel_loop3A_1016 = vector.broadcast %parallel_loop3A_1015 : i32 to vector<16xi32>
      %parallel_loop3A_1017 = arith.addi %parallel_loop3A_986, %parallel_loop3A_1016 : vector<16xi32>
      %parallel_loop3A_1018 = tpu.vector_load_idx %arg8[%parallel_loop3A_1017, %parallel_loop3A_11] : memref<64x256xf32, #tpu.memory_space<vmem>>[vector<16xi32>, vector<16xi32>], vector<16xf32>,
      %parallel_loop3A_1019 = arith.constant 0 : i32
      %parallel_loop3A_1020 = vector.broadcast %parallel_loop3A_1019 : i32 to vector<16xi32>
      %parallel_loop3A_1021 = arith.addi %parallel_loop3A_986, %parallel_loop3A_1020 : vector<16xi32>
      %parallel_loop3A_1022 = arith.constant 1 : i32
      %parallel_loop3A_1023 = vector.broadcast %parallel_loop3A_1022 : i32 to vector<16xi32>
      %parallel_loop3A_1024 = arith.addi %parallel_loop3A_986, %parallel_loop3A_1023 : vector<16xi32>
      %parallel_loop3A_1025 = arith.constant 2 : i32
      %parallel_loop3A_1026 = vector.broadcast %parallel_loop3A_1025 : i32 to vector<16xi32>
      %parallel_loop3A_1027 = arith.addi %parallel_loop3A_986, %parallel_loop3A_1026 : vector<16xi32>
      %parallel_loop3A_1028 = arith.constant 3 : i32
      %parallel_loop3A_1029 = vector.broadcast %parallel_loop3A_1028 : i32 to vector<16xi32>
      %parallel_loop3A_1030 = arith.addi %parallel_loop3A_986, %parallel_loop3A_1029 : vector<16xi32>
      %parallel_loop3A_1031 = arith.constant 4 : i32
      %parallel_loop3A_1032 = vector.broadcast %parallel_loop3A_1031 : i32 to vector<16xi32>
      %parallel_loop3A_1033 = arith.addi %parallel_loop3A_986, %parallel_loop3A_1032 : vector<16xi32>
      %parallel_loop3A_1034 = arith.constant 5 : i32
      %parallel_loop3A_1035 = vector.broadcast %parallel_loop3A_1034 : i32 to vector<16xi32>
      %parallel_loop3A_1036 = arith.addi %parallel_loop3A_986, %parallel_loop3A_1035 : vector<16xi32>
      %parallel_loop3A_1037 = arith.constant 6 : i32
      %parallel_loop3A_1038 = vector.broadcast %parallel_loop3A_1037 : i32 to vector<16xi32>
      %parallel_loop3A_1039 = arith.addi %parallel_loop3A_986, %parallel_loop3A_1038 : vector<16xi32>
      %parallel_loop3A_1040 = arith.constant 7 : i32
      %parallel_loop3A_1041 = vector.broadcast %parallel_loop3A_1040 : i32 to vector<16xi32>
      %parallel_loop3A_1042 = arith.addi %parallel_loop3A_986, %parallel_loop3A_1041 : vector<16xi32>
      %parallel_loop3A_1043 = arith.cmpf ogt, %parallel_loop3A_994, %parallel_loop3A_990 : vector<16xf32>
      %parallel_loop3A_1044 = arith.maximumf %parallel_loop3A_990, %parallel_loop3A_994 : vector<16xf32>
      %parallel_loop3A_1045 = arith.select %parallel_loop3A_1043, %parallel_loop3A_1024, %parallel_loop3A_1021 : vector<16xi1>, vector<16xi32>
      %parallel_loop3A_1046 = arith.cmpf ogt, %parallel_loop3A_1002, %parallel_loop3A_998 : vector<16xf32>
      %parallel_loop3A_1047 = arith.maximumf %parallel_loop3A_998, %parallel_loop3A_1002 : vector<16xf32>
      %parallel_loop3A_1048 = arith.select %parallel_loop3A_1046, %parallel_loop3A_1030, %parallel_loop3A_1027 : vector<16xi1>, vector<16xi32>
      %parallel_loop3A_1049 = arith.cmpf ogt, %parallel_loop3A_1010, %parallel_loop3A_1006 : vector<16xf32>
      %parallel_loop3A_1050 = arith.maximumf %parallel_loop3A_1006, %parallel_loop3A_1010 : vector<16xf32>
      %parallel_loop3A_1051 = arith.select %parallel_loop3A_1049, %parallel_loop3A_1036, %parallel_loop3A_1033 : vector<16xi1>, vector<16xi32>
      %parallel_loop3A_1052 = arith.cmpf ogt, %parallel_loop3A_1018, %parallel_loop3A_1014 : vector<16xf32>
      %parallel_loop3A_1053 = arith.maximumf %parallel_loop3A_1014, %parallel_loop3A_1018 : vector<16xf32>
      %parallel_loop3A_1054 = arith.select %parallel_loop3A_1052, %parallel_loop3A_1042, %parallel_loop3A_1039 : vector<16xi1>, vector<16xi32>
      %parallel_loop3A_1055 = arith.cmpf ogt, %parallel_loop3A_1047, %parallel_loop3A_1044 : vector<16xf32>
      %parallel_loop3A_1056 = arith.maximumf %parallel_loop3A_1044, %parallel_loop3A_1047 : vector<16xf32>
      %parallel_loop3A_1057 = arith.select %parallel_loop3A_1055, %parallel_loop3A_1048, %parallel_loop3A_1045 : vector<16xi1>, vector<16xi32>
      %parallel_loop3A_1058 = arith.cmpf ogt, %parallel_loop3A_1053, %parallel_loop3A_1050 : vector<16xf32>
      %parallel_loop3A_1059 = arith.maximumf %parallel_loop3A_1050, %parallel_loop3A_1053 : vector<16xf32>
      %parallel_loop3A_1060 = arith.select %parallel_loop3A_1058, %parallel_loop3A_1054, %parallel_loop3A_1051 : vector<16xi1>, vector<16xi32>
      %parallel_loop3A_1061 = arith.cmpf ogt, %parallel_loop3A_1059, %parallel_loop3A_1056 : vector<16xf32>
      %parallel_loop3A_1062 = arith.maximumf %parallel_loop3A_1056, %parallel_loop3A_1059 : vector<16xf32>
      %parallel_loop3A_1063 = arith.select %parallel_loop3A_1061, %parallel_loop3A_1060, %parallel_loop3A_1057 : vector<16xi1>, vector<16xi32>
      %parallel_loop3A_1064 = arith.constant 3 : i32
      %parallel_loop3A_1065 = vector.broadcast %parallel_loop3A_1064 : i32 to vector<16xi32>
      %parallel_loop3A_1066 = arith.shrui %parallel_loop3A_980, %parallel_loop3A_1065 : vector<16xi32>
      %parallel_loop3A_1067 = arith.constant 0 : i32
      %parallel_loop3A_1068 = vector.broadcast %parallel_loop3A_1067 : i32 to vector<16xi32>
      %parallel_loop3A_1069 = arith.cmpi eq, %parallel_loop3A_1066, %parallel_loop3A_1068 : vector<16xi32>
      %parallel_loop3A_1070 = arith.select %parallel_loop3A_1069, %parallel_loop3A_1062, %parallel_loop3A_923 : vector<16xi1>, vector<16xf32>
      %parallel_loop3A_1071 = arith.select %parallel_loop3A_1069, %parallel_loop3A_1063, %parallel_loop3A_924 : vector<16xi1>, vector<16xi32>
      %parallel_loop3A_1072 = arith.constant 1 : i32
      %parallel_loop3A_1073 = vector.broadcast %parallel_loop3A_1072 : i32 to vector<16xi32>
      %parallel_loop3A_1074 = arith.cmpi eq, %parallel_loop3A_1066, %parallel_loop3A_1073 : vector<16xi32>
      %parallel_loop3A_1075 = arith.select %parallel_loop3A_1074, %parallel_loop3A_1062, %parallel_loop3A_928 : vector<16xi1>, vector<16xf32>
      %parallel_loop3A_1076 = arith.select %parallel_loop3A_1074, %parallel_loop3A_1063, %parallel_loop3A_929 : vector<16xi1>, vector<16xi32>
      %parallel_loop3A_1077 = arith.constant 2 : i32
      %parallel_loop3A_1078 = vector.broadcast %parallel_loop3A_1077 : i32 to vector<16xi32>
      %parallel_loop3A_1079 = arith.cmpi eq, %parallel_loop3A_1066, %parallel_loop3A_1078 : vector<16xi32>
      %parallel_loop3A_1080 = arith.select %parallel_loop3A_1079, %parallel_loop3A_1062, %parallel_loop3A_933 : vector<16xi1>, vector<16xf32>
      %parallel_loop3A_1081 = arith.select %parallel_loop3A_1079, %parallel_loop3A_1063, %parallel_loop3A_934 : vector<16xi1>, vector<16xi32>
      %parallel_loop3A_1082 = arith.constant 3 : i32
      %parallel_loop3A_1083 = vector.broadcast %parallel_loop3A_1082 : i32 to vector<16xi32>
      %parallel_loop3A_1084 = arith.cmpi eq, %parallel_loop3A_1066, %parallel_loop3A_1083 : vector<16xi32>
      %parallel_loop3A_1085 = arith.select %parallel_loop3A_1084, %parallel_loop3A_1062, %parallel_loop3A_938 : vector<16xi1>, vector<16xf32>
      %parallel_loop3A_1086 = arith.select %parallel_loop3A_1084, %parallel_loop3A_1063, %parallel_loop3A_939 : vector<16xi1>, vector<16xi32>
      %parallel_loop3A_1087 = arith.constant 4 : i32
      %parallel_loop3A_1088 = vector.broadcast %parallel_loop3A_1087 : i32 to vector<16xi32>
      %parallel_loop3A_1089 = arith.cmpi eq, %parallel_loop3A_1066, %parallel_loop3A_1088 : vector<16xi32>
      %parallel_loop3A_1090 = arith.select %parallel_loop3A_1089, %parallel_loop3A_1062, %parallel_loop3A_943 : vector<16xi1>, vector<16xf32>
      %parallel_loop3A_1091 = arith.select %parallel_loop3A_1089, %parallel_loop3A_1063, %parallel_loop3A_944 : vector<16xi1>, vector<16xi32>
      %parallel_loop3A_1092 = arith.constant 5 : i32
      %parallel_loop3A_1093 = vector.broadcast %parallel_loop3A_1092 : i32 to vector<16xi32>
      %parallel_loop3A_1094 = arith.cmpi eq, %parallel_loop3A_1066, %parallel_loop3A_1093 : vector<16xi32>
      %parallel_loop3A_1095 = arith.select %parallel_loop3A_1094, %parallel_loop3A_1062, %parallel_loop3A_948 : vector<16xi1>, vector<16xf32>
      %parallel_loop3A_1096 = arith.select %parallel_loop3A_1094, %parallel_loop3A_1063, %parallel_loop3A_949 : vector<16xi1>, vector<16xi32>
      %parallel_loop3A_1097 = arith.constant 6 : i32
      %parallel_loop3A_1098 = vector.broadcast %parallel_loop3A_1097 : i32 to vector<16xi32>
      %parallel_loop3A_1099 = arith.cmpi eq, %parallel_loop3A_1066, %parallel_loop3A_1098 : vector<16xi32>
      %parallel_loop3A_1100 = arith.select %parallel_loop3A_1099, %parallel_loop3A_1062, %parallel_loop3A_953 : vector<16xi1>, vector<16xf32>
      %parallel_loop3A_1101 = arith.select %parallel_loop3A_1099, %parallel_loop3A_1063, %parallel_loop3A_954 : vector<16xi1>, vector<16xi32>
      %parallel_loop3A_1102 = arith.constant 7 : i32
      %parallel_loop3A_1103 = vector.broadcast %parallel_loop3A_1102 : i32 to vector<16xi32>
      %parallel_loop3A_1104 = arith.cmpi eq, %parallel_loop3A_1066, %parallel_loop3A_1103 : vector<16xi32>
      %parallel_loop3A_1105 = arith.select %parallel_loop3A_1104, %parallel_loop3A_1062, %parallel_loop3A_958 : vector<16xi1>, vector<16xf32>
      %parallel_loop3A_1106 = arith.select %parallel_loop3A_1104, %parallel_loop3A_1063, %parallel_loop3A_959 : vector<16xi1>, vector<16xi32>
      %parallel_loop3A_1107 = arith.cmpf ogt, %parallel_loop3A_1075, %parallel_loop3A_1070 : vector<16xf32>
      %parallel_loop3A_1108 = arith.maximumf %parallel_loop3A_1070, %parallel_loop3A_1075 : vector<16xf32>
      %parallel_loop3A_1109 = arith.select %parallel_loop3A_1107, %parallel_loop3A_1076, %parallel_loop3A_1071 : vector<16xi1>, vector<16xi32>
      %parallel_loop3A_1110 = arith.cmpf ogt, %parallel_loop3A_1085, %parallel_loop3A_1080 : vector<16xf32>
      %parallel_loop3A_1111 = arith.maximumf %parallel_loop3A_1080, %parallel_loop3A_1085 : vector<16xf32>
      %parallel_loop3A_1112 = arith.select %parallel_loop3A_1110, %parallel_loop3A_1086, %parallel_loop3A_1081 : vector<16xi1>, vector<16xi32>
      %parallel_loop3A_1113 = arith.cmpf ogt, %parallel_loop3A_1095, %parallel_loop3A_1090 : vector<16xf32>
      %parallel_loop3A_1114 = arith.maximumf %parallel_loop3A_1090, %parallel_loop3A_1095 : vector<16xf32>
      %parallel_loop3A_1115 = arith.select %parallel_loop3A_1113, %parallel_loop3A_1096, %parallel_loop3A_1091 : vector<16xi1>, vector<16xi32>
      %parallel_loop3A_1116 = arith.cmpf ogt, %parallel_loop3A_1105, %parallel_loop3A_1100 : vector<16xf32>
      %parallel_loop3A_1117 = arith.maximumf %parallel_loop3A_1100, %parallel_loop3A_1105 : vector<16xf32>
      %parallel_loop3A_1118 = arith.select %parallel_loop3A_1116, %parallel_loop3A_1106, %parallel_loop3A_1101 : vector<16xi1>, vector<16xi32>
      %parallel_loop3A_1119 = arith.cmpf ogt, %parallel_loop3A_1111, %parallel_loop3A_1108 : vector<16xf32>
      %parallel_loop3A_1120 = arith.maximumf %parallel_loop3A_1108, %parallel_loop3A_1111 : vector<16xf32>
      %parallel_loop3A_1121 = arith.select %parallel_loop3A_1119, %parallel_loop3A_1112, %parallel_loop3A_1109 : vector<16xi1>, vector<16xi32>
      %parallel_loop3A_1122 = arith.cmpf ogt, %parallel_loop3A_1117, %parallel_loop3A_1114 : vector<16xf32>
      %parallel_loop3A_1123 = arith.maximumf %parallel_loop3A_1114, %parallel_loop3A_1117 : vector<16xf32>
      %parallel_loop3A_1124 = arith.select %parallel_loop3A_1122, %parallel_loop3A_1118, %parallel_loop3A_1115 : vector<16xi1>, vector<16xi32>
      %parallel_loop3A_1125 = arith.cmpf ogt, %parallel_loop3A_1123, %parallel_loop3A_1120 : vector<16xf32>
      %parallel_loop3A_1126 = arith.maximumf %parallel_loop3A_1120, %parallel_loop3A_1123 : vector<16xf32>
      %parallel_loop3A_1127 = arith.select %parallel_loop3A_1125, %parallel_loop3A_1124, %parallel_loop3A_1121 : vector<16xi1>, vector<16xi32>
      %parallel_loop3A_1128 = tpu.vector_load_idx %arg11[%parallel_loop3A_1127] : memref<64xf32, #tpu.memory_space<vmem>>[vector<16xi32>], vector<16xf32>,
      %parallel_loop3A_1129 = arith.subf %parallel_loop3A_1126, %parallel_loop3A_1128 : vector<16xf32>
      %parallel_loop3A_1130 = arith.addf %parallel_loop3A_983, %parallel_loop3A_1129 : vector<16xf32>
      %parallel_loop3A_1131 = arith.constant 9.99999968E-21 : f32
      %parallel_loop3A_1132 = vector.broadcast %parallel_loop3A_1131 : f32 to vector<16xf32>
      %parallel_loop3A_1133 = arith.addf %parallel_loop3A_1130, %parallel_loop3A_1132 : vector<16xf32>
      %parallel_loop3A_1134 = arith.constant 2.500000e+00 : f32
      %parallel_loop3A_1135 = vector.broadcast %parallel_loop3A_1134 : f32 to vector<16xf32>
      %parallel_loop3A_1136 = arith.divf %parallel_loop3A_1135, %parallel_loop3A_1133 : vector<16xf32>
      %parallel_loop3A_1137 = arith.constant 0 : i32
      %parallel_loop3A_1138 = arith.index_cast %parallel_loop3A_1137 : i32 to index
      %parallel_loop3A_1139 = arith.index_cast %parallel_loop3A_9 : i32 to index
      %parallel_loop3A_1140 = tpu.vector_load %arg12[%parallel_loop3A_1138, %parallel_loop3A_1139] {strides = array<i32>} : memref<8x256xi32, #tpu.memory_space<vmem>>, vector<16xi32>,
      tpu.vector_store %arg12[%parallel_loop3A_1138, %parallel_loop3A_1139], %parallel_loop3A_98 {strides = array<i32>} : memref<8x256xi32, #tpu.memory_space<vmem>>, vector<16xi32>,
      %parallel_loop3A_1141 = arith.mulf %parallel_loop3A_100, %parallel_loop3A_1136 : vector<16xf32>
      %parallel_loop3A_1142 = arith.constant 0 : i32
      %parallel_loop3A_1143 = arith.index_cast %parallel_loop3A_1142 : i32 to index
      %parallel_loop3A_1144 = arith.index_cast %parallel_loop3A_9 : i32 to index
      %parallel_loop3A_1145 = tpu.vector_load %arg13[%parallel_loop3A_1143, %parallel_loop3A_1144] {strides = array<i32>} : memref<8x256xf32, #tpu.memory_space<vmem>>, vector<16xf32>,
      tpu.vector_store %arg13[%parallel_loop3A_1143, %parallel_loop3A_1144], %parallel_loop3A_1141 {strides = array<i32>} : memref<8x256xf32, #tpu.memory_space<vmem>>, vector<16xf32>,
      %parallel_loop3A_1146 = arith.constant 1 : i32
      %parallel_loop3A_1147 = arith.index_cast %parallel_loop3A_1146 : i32 to index
      %parallel_loop3A_1148 = arith.index_cast %parallel_loop3A_9 : i32 to index
      %parallel_loop3A_1149 = tpu.vector_load %arg12[%parallel_loop3A_1147, %parallel_loop3A_1148] {strides = array<i32>} : memref<8x256xi32, #tpu.memory_space<vmem>>, vector<16xi32>,
      tpu.vector_store %arg12[%parallel_loop3A_1147, %parallel_loop3A_1148], %parallel_loop3A_245 {strides = array<i32>} : memref<8x256xi32, #tpu.memory_space<vmem>>, vector<16xi32>,
      %parallel_loop3A_1150 = arith.mulf %parallel_loop3A_247, %parallel_loop3A_1136 : vector<16xf32>
      %parallel_loop3A_1151 = arith.constant 1 : i32
      %parallel_loop3A_1152 = arith.index_cast %parallel_loop3A_1151 : i32 to index
      %parallel_loop3A_1153 = arith.index_cast %parallel_loop3A_9 : i32 to index
      %parallel_loop3A_1154 = tpu.vector_load %arg13[%parallel_loop3A_1152, %parallel_loop3A_1153] {strides = array<i32>} : memref<8x256xf32, #tpu.memory_space<vmem>>, vector<16xf32>,
      tpu.vector_store %arg13[%parallel_loop3A_1152, %parallel_loop3A_1153], %parallel_loop3A_1150 {strides = array<i32>} : memref<8x256xf32, #tpu.memory_space<vmem>>, vector<16xf32>,
      %parallel_loop3A_1155 = arith.constant 2 : i32
      %parallel_loop3A_1156 = arith.index_cast %parallel_loop3A_1155 : i32 to index
      %parallel_loop3A_1157 = arith.index_cast %parallel_loop3A_9 : i32 to index
      %parallel_loop3A_1158 = tpu.vector_load %arg12[%parallel_loop3A_1156, %parallel_loop3A_1157] {strides = array<i32>} : memref<8x256xi32, #tpu.memory_space<vmem>>, vector<16xi32>,
      tpu.vector_store %arg12[%parallel_loop3A_1156, %parallel_loop3A_1157], %parallel_loop3A_392 {strides = array<i32>} : memref<8x256xi32, #tpu.memory_space<vmem>>, vector<16xi32>,
      %parallel_loop3A_1159 = arith.mulf %parallel_loop3A_394, %parallel_loop3A_1136 : vector<16xf32>
      %parallel_loop3A_1160 = arith.constant 2 : i32
      %parallel_loop3A_1161 = arith.index_cast %parallel_loop3A_1160 : i32 to index
      %parallel_loop3A_1162 = arith.index_cast %parallel_loop3A_9 : i32 to index
      %parallel_loop3A_1163 = tpu.vector_load %arg13[%parallel_loop3A_1161, %parallel_loop3A_1162] {strides = array<i32>} : memref<8x256xf32, #tpu.memory_space<vmem>>, vector<16xf32>,
      tpu.vector_store %arg13[%parallel_loop3A_1161, %parallel_loop3A_1162], %parallel_loop3A_1159 {strides = array<i32>} : memref<8x256xf32, #tpu.memory_space<vmem>>, vector<16xf32>,
      %parallel_loop3A_1164 = arith.constant 3 : i32
      %parallel_loop3A_1165 = arith.index_cast %parallel_loop3A_1164 : i32 to index
      %parallel_loop3A_1166 = arith.index_cast %parallel_loop3A_9 : i32 to index
      %parallel_loop3A_1167 = tpu.vector_load %arg12[%parallel_loop3A_1165, %parallel_loop3A_1166] {strides = array<i32>} : memref<8x256xi32, #tpu.memory_space<vmem>>, vector<16xi32>,
      tpu.vector_store %arg12[%parallel_loop3A_1165, %parallel_loop3A_1166], %parallel_loop3A_539 {strides = array<i32>} : memref<8x256xi32, #tpu.memory_space<vmem>>, vector<16xi32>,
      %parallel_loop3A_1168 = arith.mulf %parallel_loop3A_541, %parallel_loop3A_1136 : vector<16xf32>
      %parallel_loop3A_1169 = arith.constant 3 : i32
      %parallel_loop3A_1170 = arith.index_cast %parallel_loop3A_1169 : i32 to index
      %parallel_loop3A_1171 = arith.index_cast %parallel_loop3A_9 : i32 to index
      %parallel_loop3A_1172 = tpu.vector_load %arg13[%parallel_loop3A_1170, %parallel_loop3A_1171] {strides = array<i32>} : memref<8x256xf32, #tpu.memory_space<vmem>>, vector<16xf32>,
      tpu.vector_store %arg13[%parallel_loop3A_1170, %parallel_loop3A_1171], %parallel_loop3A_1168 {strides = array<i32>} : memref<8x256xf32, #tpu.memory_space<vmem>>, vector<16xf32>,
      %parallel_loop3A_1173 = arith.constant 4 : i32
      %parallel_loop3A_1174 = arith.index_cast %parallel_loop3A_1173 : i32 to index
      %parallel_loop3A_1175 = arith.index_cast %parallel_loop3A_9 : i32 to index
      %parallel_loop3A_1176 = tpu.vector_load %arg12[%parallel_loop3A_1174, %parallel_loop3A_1175] {strides = array<i32>} : memref<8x256xi32, #tpu.memory_space<vmem>>, vector<16xi32>,
      tpu.vector_store %arg12[%parallel_loop3A_1174, %parallel_loop3A_1175], %parallel_loop3A_686 {strides = array<i32>} : memref<8x256xi32, #tpu.memory_space<vmem>>, vector<16xi32>,
      %parallel_loop3A_1177 = arith.mulf %parallel_loop3A_688, %parallel_loop3A_1136 : vector<16xf32>
      %parallel_loop3A_1178 = arith.constant 4 : i32
      %parallel_loop3A_1179 = arith.index_cast %parallel_loop3A_1178 : i32 to index
      %parallel_loop3A_1180 = arith.index_cast %parallel_loop3A_9 : i32 to index
      %parallel_loop3A_1181 = tpu.vector_load %arg13[%parallel_loop3A_1179, %parallel_loop3A_1180] {strides = array<i32>} : memref<8x256xf32, #tpu.memory_space<vmem>>, vector<16xf32>,
      tpu.vector_store %arg13[%parallel_loop3A_1179, %parallel_loop3A_1180], %parallel_loop3A_1177 {strides = array<i32>} : memref<8x256xf32, #tpu.memory_space<vmem>>, vector<16xf32>,
      %parallel_loop3A_1182 = arith.constant 5 : i32
      %parallel_loop3A_1183 = arith.index_cast %parallel_loop3A_1182 : i32 to index
      %parallel_loop3A_1184 = arith.index_cast %parallel_loop3A_9 : i32 to index
      %parallel_loop3A_1185 = tpu.vector_load %arg12[%parallel_loop3A_1183, %parallel_loop3A_1184] {strides = array<i32>} : memref<8x256xi32, #tpu.memory_space<vmem>>, vector<16xi32>,
      tpu.vector_store %arg12[%parallel_loop3A_1183, %parallel_loop3A_1184], %parallel_loop3A_833 {strides = array<i32>} : memref<8x256xi32, #tpu.memory_space<vmem>>, vector<16xi32>,
      %parallel_loop3A_1186 = arith.mulf %parallel_loop3A_835, %parallel_loop3A_1136 : vector<16xf32>
      %parallel_loop3A_1187 = arith.constant 5 : i32
      %parallel_loop3A_1188 = arith.index_cast %parallel_loop3A_1187 : i32 to index
      %parallel_loop3A_1189 = arith.index_cast %parallel_loop3A_9 : i32 to index
      %parallel_loop3A_1190 = tpu.vector_load %arg13[%parallel_loop3A_1188, %parallel_loop3A_1189] {strides = array<i32>} : memref<8x256xf32, #tpu.memory_space<vmem>>, vector<16xf32>,
      tpu.vector_store %arg13[%parallel_loop3A_1188, %parallel_loop3A_1189], %parallel_loop3A_1186 {strides = array<i32>} : memref<8x256xf32, #tpu.memory_space<vmem>>, vector<16xf32>,
      %parallel_loop3A_1191 = arith.constant 6 : i32
      %parallel_loop3A_1192 = arith.index_cast %parallel_loop3A_1191 : i32 to index
      %parallel_loop3A_1193 = arith.index_cast %parallel_loop3A_9 : i32 to index
      %parallel_loop3A_1194 = tpu.vector_load %arg12[%parallel_loop3A_1192, %parallel_loop3A_1193] {strides = array<i32>} : memref<8x256xi32, #tpu.memory_space<vmem>>, vector<16xi32>,
      tpu.vector_store %arg12[%parallel_loop3A_1192, %parallel_loop3A_1193], %parallel_loop3A_980 {strides = array<i32>} : memref<8x256xi32, #tpu.memory_space<vmem>>, vector<16xi32>,
      %parallel_loop3A_1195 = arith.mulf %parallel_loop3A_982, %parallel_loop3A_1136 : vector<16xf32>
      %parallel_loop3A_1196 = arith.constant 6 : i32
      %parallel_loop3A_1197 = arith.index_cast %parallel_loop3A_1196 : i32 to index
      %parallel_loop3A_1198 = arith.index_cast %parallel_loop3A_9 : i32 to index
      %parallel_loop3A_1199 = tpu.vector_load %arg13[%parallel_loop3A_1197, %parallel_loop3A_1198] {strides = array<i32>} : memref<8x256xf32, #tpu.memory_space<vmem>>, vector<16xf32>,
      tpu.vector_store %arg13[%parallel_loop3A_1197, %parallel_loop3A_1198], %parallel_loop3A_1195 {strides = array<i32>} : memref<8x256xf32, #tpu.memory_space<vmem>>, vector<16xf32>,
      %parallel_loop3A_1200 = arith.constant 7 : i32
      %parallel_loop3A_1201 = arith.index_cast %parallel_loop3A_1200 : i32 to index
      %parallel_loop3A_1202 = arith.index_cast %parallel_loop3A_9 : i32 to index
      %parallel_loop3A_1203 = tpu.vector_load %arg12[%parallel_loop3A_1201, %parallel_loop3A_1202] {strides = array<i32>} : memref<8x256xi32, #tpu.memory_space<vmem>>, vector<16xi32>,
      tpu.vector_store %arg12[%parallel_loop3A_1201, %parallel_loop3A_1202], %parallel_loop3A_1127 {strides = array<i32>} : memref<8x256xi32, #tpu.memory_space<vmem>>, vector<16xi32>,
      %parallel_loop3A_1204 = arith.mulf %parallel_loop3A_1129, %parallel_loop3A_1136 : vector<16xf32>
      %parallel_loop3A_1205 = arith.constant 7 : i32
      %parallel_loop3A_1206 = arith.index_cast %parallel_loop3A_1205 : i32 to index
      %parallel_loop3A_1207 = arith.index_cast %parallel_loop3A_9 : i32 to index
      %parallel_loop3A_1208 = tpu.vector_load %arg13[%parallel_loop3A_1206, %parallel_loop3A_1207] {strides = array<i32>} : memref<8x256xf32, #tpu.memory_space<vmem>>, vector<16xf32>,
      tpu.vector_store %arg13[%parallel_loop3A_1206, %parallel_loop3A_1207], %parallel_loop3A_1204 {strides = array<i32>} : memref<8x256xf32, #tpu.memory_space<vmem>>, vector<16xf32>,
    } {sc.loop_unroll_factor = 2 : i64, sc.parallel_access}
    "tpu.region"() ({
      %run_scoped3A = tpu.sem_alloc : memref<!tpu.dma_semaphore, #tpu.memory_space<semaphore_mem>>
      %dma_start3A = arith.constant 0 : i32
      %dma_start3A_6 = tpu.memref_slice %arg6[%dma_start3A, %mul3A_2] : memref<8x8192xi32, #tpu.memory_space<hbm>> -> memref<8x256xi32, #tpu.memory_space<hbm>>
      %dma_start3A_7 = arith.constant 0 : i32
      %dma_start3A_8 = tpu.memref_slice %arg6[%dma_start3A_7, %mul3A_2] : memref<8x8192xi32, #tpu.memory_space<hbm>> -> memref<8x256xi32, #tpu.memory_space<hbm>>
      tpu.enqueue_dma source(%arg12 : memref<8x256xi32, #tpu.memory_space<vmem>>) target(%dma_start3A_8 : memref<8x256xi32, #tpu.memory_space<hbm>>) target_semaphore(%run_scoped3A : memref<!tpu.dma_semaphore, #tpu.memory_space<semaphore_mem>>)
      %dma_wait3A = arith.constant 0 : i32
      %dma_wait3A_9 = tpu.memref_slice %arg6[%dma_wait3A, %mul3A_2] : memref<8x8192xi32, #tpu.memory_space<hbm>> -> memref<8x256xi32, #tpu.memory_space<hbm>>
      %dma_wait3A_10 = arith.constant 0 : i32
      %dma_wait3A_11 = tpu.memref_slice %arg6[%dma_wait3A_10, %mul3A_2] : memref<8x8192xi32, #tpu.memory_space<hbm>> -> memref<8x256xi32, #tpu.memory_space<hbm>>
      tpu.wait_dma2 semaphore(%run_scoped3A : memref<!tpu.dma_semaphore, #tpu.memory_space<semaphore_mem>>) src(%arg12 : memref<8x256xi32, #tpu.memory_space<vmem>>) dst(%dma_wait3A_11 : memref<8x256xi32, #tpu.memory_space<hbm>>)
      tpu.yield
    }) : () -> ()
    "tpu.region"() ({
      %run_scoped3A = tpu.sem_alloc : memref<!tpu.dma_semaphore, #tpu.memory_space<semaphore_mem>>
      %dma_start3A = arith.constant 0 : i32
      %dma_start3A_6 = tpu.memref_slice %arg7[%dma_start3A, %mul3A_2] : memref<8x8192xf32, #tpu.memory_space<hbm>> -> memref<8x256xf32, #tpu.memory_space<hbm>>
      %dma_start3A_7 = arith.constant 0 : i32
      %dma_start3A_8 = tpu.memref_slice %arg7[%dma_start3A_7, %mul3A_2] : memref<8x8192xf32, #tpu.memory_space<hbm>> -> memref<8x256xf32, #tpu.memory_space<hbm>>
      tpu.enqueue_dma source(%arg13 : memref<8x256xf32, #tpu.memory_space<vmem>>) target(%dma_start3A_8 : memref<8x256xf32, #tpu.memory_space<hbm>>) target_semaphore(%run_scoped3A : memref<!tpu.dma_semaphore, #tpu.memory_space<semaphore_mem>>)
      %dma_wait3A = arith.constant 0 : i32
      %dma_wait3A_9 = tpu.memref_slice %arg7[%dma_wait3A, %mul3A_2] : memref<8x8192xf32, #tpu.memory_space<hbm>> -> memref<8x256xf32, #tpu.memory_space<hbm>>
      %dma_wait3A_10 = arith.constant 0 : i32
      %dma_wait3A_11 = tpu.memref_slice %arg7[%dma_wait3A_10, %mul3A_2] : memref<8x8192xf32, #tpu.memory_space<hbm>> -> memref<8x256xf32, #tpu.memory_space<hbm>>
      tpu.wait_dma2 semaphore(%run_scoped3A : memref<!tpu.dma_semaphore, #tpu.memory_space<semaphore_mem>>) src(%arg13 : memref<8x256xf32, #tpu.memory_space<vmem>>) dst(%dma_wait3A_11 : memref<8x256xf32, #tpu.memory_space<hbm>>)
      tpu.yield
    }) : () -> ()
    return
  }
}

module attributes {stable_mosaic.version = 14 : i64} {
  func.func @_gate_tc_body(%arg0: i32, %arg1: memref<64x2048xf32, #tpu.memory_space<vmem>>, %arg2: memref<1024x2048xf32, #tpu.memory_space<vmem>>, %arg3: memref<64x1xf32, #tpu.memory_space<vmem>>, %arg4: memref<64x1024xf32, #tpu.memory_space<vmem>>, %arg5: memref<8x1024xf32, #tpu.memory_space<vmem>>, %arg6: memref<8x1024xi32, #tpu.memory_space<vmem>>) attributes {dimension_semantics = [#tpu.dimension_semantics<arbitrary>], iteration_bounds = array<i64: 8>, scalar_prefetch = 0 : i64, scratch_operands = 0 : i64, tpu.core_type = #tpu.core_type<tc>, window_params = [{pipeline_mode = #tpu.pipeline_mode<synchronous>, transform_indices = @transform_0, window_bounds = array<i64: 64, 2048>}, {transform_indices = @transform_1, window_bounds = array<i64: 1024, 2048>}, {pipeline_mode = #tpu.pipeline_mode<synchronous>, transform_indices = @transform_2, window_bounds = array<i64: 64, 1>}, {transform_indices = @transform_3, window_bounds = array<i64: 64, 1024>}, {transform_indices = @transform_4, window_bounds = array<i64: 8, 1024>}, {transform_indices = @transform_5, window_bounds = array<i64: 8, 1024>}]} {
    %get3A = arith.constant 0 : index
    %get3A_0 = arith.constant 0 : index
    %get3A_1 = vector.load %arg1[%get3A, %get3A_0] : memref<64x2048xf32, #tpu.memory_space<vmem>>, vector<64x2048xf32>
    %get3A_2 = arith.constant 0 : index
    %get3A_3 = arith.constant 0 : index
    %get3A_4 = vector.load %arg2[%get3A_2, %get3A_3] : memref<1024x2048xf32, #tpu.memory_space<vmem>>, vector<1024x2048xf32>
    %dot_general3A = arith.constant dense<0.000000e+00> : vector<64x1024xf32>
    %dot_general3A_5 = tpu.matmul %get3A_1, %get3A_4, %dot_general3A {dimension_numbers = #tpu.dot_dimension_numbers<[1], [1], [0], [0], [0, 0, 1, 0], [], []>, transpose_lhs_hint = false} : vector<64x2048xf32>, vector<1024x2048xf32>, vector<64x1024xf32> -> vector<64x1024xf32>
    %logistic3A = arith.negf %dot_general3A_5 : vector<64x1024xf32>
    %logistic3A_6 = math.exp %logistic3A : vector<64x1024xf32>
    %logistic3A_7 = arith.constant 1.000000e+00 : f32
    %logistic3A_8 = vector.broadcast %logistic3A_7 : f32 to vector<64x1024xf32>
    %logistic3A_9 = arith.addf %logistic3A_8, %logistic3A_6 : vector<64x1024xf32>
    %logistic3A_10 = arith.divf %logistic3A_8, %logistic3A_9 : vector<64x1024xf32>
    %get3A_11 = arith.constant 0 : index
    %get3A_12 = arith.constant 0 : index
    %get3A_13 = vector.load %arg3[%get3A_11, %get3A_12] : memref<64x1xf32, #tpu.memory_space<vmem>>, vector<64x1xf32>
    %add3A = vector.broadcast %get3A_13 : vector<64x1xf32> to vector<64x1024xf32>
    %add3A_14 = arith.addf %logistic3A_10, %add3A : vector<64x1024xf32>
    %swap3A = arith.constant 0 : index
    %swap3A_15 = arith.constant 0 : index
    %swap3A_16 = vector.load %arg4[%swap3A, %swap3A_15] : memref<64x1024xf32, #tpu.memory_space<vmem>>, vector<64x1024xf32>
    tpu.vector_store %arg4[%swap3A, %swap3A_15], %add3A_14 {strides = array<i32>} : memref<64x1024xf32, #tpu.memory_space<vmem>>, vector<64x1024xf32>,
    %reshape3A = vector.shape_cast %add3A_14 : vector<64x1024xf32> to vector<8x8x1024xf32>
    %iota3A = tpu.iota {dimensions = array<i32: 1>} : vector<8x8x1024xi32>
    %reduce_max3A = arith.constant dense<0xFF800000> : vector<8x1024xf32>
    %reduce_max3A_17 = vector.multi_reduction <maximumf>, %reshape3A, %reduce_max3A [1] : vector<8x8x1024xf32> to vector<8x1024xf32>
    %broadcast_in_dim3A = vector.shape_cast %reduce_max3A_17 : vector<8x1024xf32> to vector<8x1x1024xf32>
    %eq3A = vector.broadcast %broadcast_in_dim3A : vector<8x1x1024xf32> to vector<8x8x1024xf32>
    %eq3A_18 = arith.cmpf oeq, %reshape3A, %eq3A : vector<8x8x1024xf32>
    %jit3A = arith.constant 8 : i32
    %broadcast_in_dim3A_19 = vector.broadcast %jit3A : i32 to vector<8x8x1024xi32>
    %select_n3A = arith.select %eq3A_18, %iota3A, %broadcast_in_dim3A_19 : vector<8x8x1024xi1>, vector<8x8x1024xi32>
    %reduce_min3A = arith.constant dense<2147483647> : vector<8x1024xi32>
    %reduce_min3A_20 = vector.multi_reduction <minsi>, %select_n3A, %reduce_min3A [1] : vector<8x8x1024xi32> to vector<8x1024xi32>
    %broadcast_in_dim3A_21 = vector.shape_cast %reduce_min3A_20 : vector<8x1024xi32> to vector<8x1x1024xi32>
    %eq3A_22 = vector.broadcast %broadcast_in_dim3A_21 : vector<8x1x1024xi32> to vector<8x8x1024xi32>
    %eq3A_23 = arith.cmpi eq, %iota3A, %eq3A_22 : vector<8x8x1024xi32>
    %and3A = arith.andi %eq3A_18, %eq3A_23 : vector<8x8x1024xi1>
    %jit3A_24 = arith.constant -1.000000e+00 : f32
    %broadcast_in_dim3A_25 = vector.broadcast %jit3A_24 : f32 to vector<8x8x1024xf32>
    %select_n3A_26 = arith.select %and3A, %broadcast_in_dim3A_25, %reshape3A : vector<8x8x1024xi1>, vector<8x8x1024xf32>
    %reduce_max3A_27 = arith.constant dense<0xFF800000> : vector<8x1024xf32>
    %reduce_max3A_28 = vector.multi_reduction <maximumf>, %select_n3A_26, %reduce_max3A_27 [1] : vector<8x8x1024xf32> to vector<8x1024xf32>
    %add3A_29 = arith.addf %reduce_max3A_17, %reduce_max3A_28 : vector<8x1024xf32>
    %iota3A_30 = tpu.iota {dimensions = array<i32: 0>} : vector<8x1024xi32>
    %reduce_max3A_31 = arith.constant dense<0xFF800000> : vector<1024xf32>
    %reduce_max3A_32 = vector.multi_reduction <maximumf>, %add3A_29, %reduce_max3A_31 [0] : vector<8x1024xf32> to vector<1024xf32>
    %broadcast_in_dim3A_33 = vector.shape_cast %reduce_max3A_32 : vector<1024xf32> to vector<1x1024xf32>
    %eq3A_34 = vector.broadcast %broadcast_in_dim3A_33 : vector<1x1024xf32> to vector<8x1024xf32>
    %eq3A_35 = arith.cmpf oeq, %add3A_29, %eq3A_34 : vector<8x1024xf32>
    %jit3A_36 = arith.constant 8 : i32
    %broadcast_in_dim3A_37 = vector.broadcast %jit3A_36 : i32 to vector<8x1024xi32>
    %select_n3A_38 = arith.select %eq3A_35, %iota3A_30, %broadcast_in_dim3A_37 : vector<8x1024xi1>, vector<8x1024xi32>
    %reduce_min3A_39 = arith.constant dense<2147483647> : vector<1024xi32>
    %reduce_min3A_40 = vector.multi_reduction <minsi>, %select_n3A_38, %reduce_min3A_39 [0] : vector<8x1024xi32> to vector<1024xi32>
    %broadcast_in_dim3A_41 = vector.shape_cast %reduce_min3A_40 : vector<1024xi32> to vector<1x1024xi32>
    %eq3A_42 = vector.broadcast %broadcast_in_dim3A_41 : vector<1x1024xi32> to vector<8x1024xi32>
    %eq3A_43 = arith.cmpi eq, %iota3A_30, %eq3A_42 : vector<8x1024xi32>
    %jit3A_44 = arith.constant -1.000000e+00 : f32
    %broadcast_in_dim3A_45 = vector.broadcast %jit3A_44 : f32 to vector<8x1024xf32>
    %select_n3A_46 = arith.select %eq3A_43, %broadcast_in_dim3A_45, %add3A_29 : vector<8x1024xi1>, vector<8x1024xf32>
    %reduce_max3A_47 = arith.constant dense<0xFF800000> : vector<1024xf32>
    %reduce_max3A_48 = vector.multi_reduction <maximumf>, %select_n3A_46, %reduce_max3A_47 [0] : vector<8x1024xf32> to vector<1024xf32>
    %broadcast_in_dim3A_49 = vector.shape_cast %reduce_max3A_48 : vector<1024xf32> to vector<1x1024xf32>
    %eq3A_50 = vector.broadcast %broadcast_in_dim3A_49 : vector<1x1024xf32> to vector<8x1024xf32>
    %eq3A_51 = arith.cmpf oeq, %select_n3A_46, %eq3A_50 : vector<8x1024xf32>
    %jit3A_52 = arith.constant 8 : i32
    %broadcast_in_dim3A_53 = vector.broadcast %jit3A_52 : i32 to vector<8x1024xi32>
    %select_n3A_54 = arith.select %eq3A_51, %iota3A_30, %broadcast_in_dim3A_53 : vector<8x1024xi1>, vector<8x1024xi32>
    %reduce_min3A_55 = arith.constant dense<2147483647> : vector<1024xi32>
    %reduce_min3A_56 = vector.multi_reduction <minsi>, %select_n3A_54, %reduce_min3A_55 [0] : vector<8x1024xi32> to vector<1024xi32>
    %broadcast_in_dim3A_57 = vector.shape_cast %reduce_min3A_56 : vector<1024xi32> to vector<1x1024xi32>
    %eq3A_58 = vector.broadcast %broadcast_in_dim3A_57 : vector<1x1024xi32> to vector<8x1024xi32>
    %eq3A_59 = arith.cmpi eq, %iota3A_30, %eq3A_58 : vector<8x1024xi32>
    %or3A = arith.ori %eq3A_43, %eq3A_59 : vector<8x1024xi1>
    %jit3A_60 = arith.constant -1.000000e+00 : f32
    %broadcast_in_dim3A_61 = vector.broadcast %jit3A_60 : f32 to vector<8x1024xf32>
    %select_n3A_62 = arith.select %eq3A_59, %broadcast_in_dim3A_61, %select_n3A_46 : vector<8x1024xi1>, vector<8x1024xf32>
    %reduce_max3A_63 = arith.constant dense<0xFF800000> : vector<1024xf32>
    %reduce_max3A_64 = vector.multi_reduction <maximumf>, %select_n3A_62, %reduce_max3A_63 [0] : vector<8x1024xf32> to vector<1024xf32>
    %broadcast_in_dim3A_65 = vector.shape_cast %reduce_max3A_64 : vector<1024xf32> to vector<1x1024xf32>
    %eq3A_66 = vector.broadcast %broadcast_in_dim3A_65 : vector<1x1024xf32> to vector<8x1024xf32>
    %eq3A_67 = arith.cmpf oeq, %select_n3A_62, %eq3A_66 : vector<8x1024xf32>
    %jit3A_68 = arith.constant 8 : i32
    %broadcast_in_dim3A_69 = vector.broadcast %jit3A_68 : i32 to vector<8x1024xi32>
    %select_n3A_70 = arith.select %eq3A_67, %iota3A_30, %broadcast_in_dim3A_69 : vector<8x1024xi1>, vector<8x1024xi32>
    %reduce_min3A_71 = arith.constant dense<2147483647> : vector<1024xi32>
    %reduce_min3A_72 = vector.multi_reduction <minsi>, %select_n3A_70, %reduce_min3A_71 [0] : vector<8x1024xi32> to vector<1024xi32>
    %broadcast_in_dim3A_73 = vector.shape_cast %reduce_min3A_72 : vector<1024xi32> to vector<1x1024xi32>
    %eq3A_74 = vector.broadcast %broadcast_in_dim3A_73 : vector<1x1024xi32> to vector<8x1024xi32>
    %eq3A_75 = arith.cmpi eq, %iota3A_30, %eq3A_74 : vector<8x1024xi32>
    %or3A_76 = arith.ori %or3A, %eq3A_75 : vector<8x1024xi1>
    %jit3A_77 = arith.constant -1.000000e+00 : f32
    %broadcast_in_dim3A_78 = vector.broadcast %jit3A_77 : f32 to vector<8x1024xf32>
    %select_n3A_79 = arith.select %eq3A_75, %broadcast_in_dim3A_78, %select_n3A_62 : vector<8x1024xi1>, vector<8x1024xf32>
    %reduce_max3A_80 = arith.constant dense<0xFF800000> : vector<1024xf32>
    %reduce_max3A_81 = vector.multi_reduction <maximumf>, %select_n3A_79, %reduce_max3A_80 [0] : vector<8x1024xf32> to vector<1024xf32>
    %broadcast_in_dim3A_82 = vector.shape_cast %reduce_max3A_81 : vector<1024xf32> to vector<1x1024xf32>
    %eq3A_83 = vector.broadcast %broadcast_in_dim3A_82 : vector<1x1024xf32> to vector<8x1024xf32>
    %eq3A_84 = arith.cmpf oeq, %select_n3A_79, %eq3A_83 : vector<8x1024xf32>
    %jit3A_85 = arith.constant 8 : i32
    %broadcast_in_dim3A_86 = vector.broadcast %jit3A_85 : i32 to vector<8x1024xi32>
    %select_n3A_87 = arith.select %eq3A_84, %iota3A_30, %broadcast_in_dim3A_86 : vector<8x1024xi1>, vector<8x1024xi32>
    %reduce_min3A_88 = arith.constant dense<2147483647> : vector<1024xi32>
    %reduce_min3A_89 = vector.multi_reduction <minsi>, %select_n3A_87, %reduce_min3A_88 [0] : vector<8x1024xi32> to vector<1024xi32>
    %broadcast_in_dim3A_90 = vector.shape_cast %reduce_min3A_89 : vector<1024xi32> to vector<1x1024xi32>
    %eq3A_91 = vector.broadcast %broadcast_in_dim3A_90 : vector<1x1024xi32> to vector<8x1024xi32>
    %eq3A_92 = arith.cmpi eq, %iota3A_30, %eq3A_91 : vector<8x1024xi32>
    %or3A_93 = arith.ori %or3A_76, %eq3A_92 : vector<8x1024xi1>
    %jit3A_94 = arith.constant -1.000000e+00 : f32
    %broadcast_in_dim3A_95 = vector.broadcast %jit3A_94 : f32 to vector<8x1024xf32>
    %select_n3A_96 = arith.select %or3A_93, %reduce_max3A_17, %broadcast_in_dim3A_95 : vector<8x1024xi1>, vector<8x1024xf32>
    %swap3A_97 = arith.constant 0 : index
    %swap3A_98 = arith.constant 0 : index
    %swap3A_99 = vector.load %arg5[%swap3A_97, %swap3A_98] : memref<8x1024xf32, #tpu.memory_space<vmem>>, vector<8x1024xf32>
    tpu.vector_store %arg5[%swap3A_97, %swap3A_98], %select_n3A_96 {strides = array<i32>} : memref<8x1024xf32, #tpu.memory_space<vmem>>, vector<8x1024xf32>,
    %mul3A = arith.constant 8 : i32
    %mul3A_100 = vector.broadcast %mul3A : i32 to vector<8x1024xi32>
    %mul3A_101 = arith.muli %iota3A_30, %mul3A_100 : vector<8x1024xi32>
    %add3A_102 = arith.addi %mul3A_101, %reduce_min3A_20 : vector<8x1024xi32>
    %swap3A_103 = arith.constant 0 : index
    %swap3A_104 = arith.constant 0 : index
    %swap3A_105 = vector.load %arg6[%swap3A_103, %swap3A_104] : memref<8x1024xi32, #tpu.memory_space<vmem>>, vector<8x1024xi32>
    tpu.vector_store %arg6[%swap3A_103, %swap3A_104], %add3A_102 {strides = array<i32>} : memref<8x1024xi32, #tpu.memory_space<vmem>>, vector<8x1024xi32>,
    return
  }
  func.func @transform_0(%arg0: i32) -> (i32, i32) {
    %c0_i32 = arith.constant 0 : i32
    %c0_i32_0 = arith.constant 0 : i32
    %c0_i32_1 = arith.constant 0 : i32
    return %c0_i32, %c0_i32_0 : i32, i32
  }
  func.func @transform_1(%arg0: i32) -> (i32, i32) {
    %c0_i32 = arith.constant 0 : i32
    %c0_i32_0 = arith.constant 0 : i32
    return %arg0, %c0_i32 : i32, i32
  }
  func.func @transform_2(%arg0: i32) -> (i32, i32) {
    %c0_i32 = arith.constant 0 : i32
    %c0_i32_0 = arith.constant 0 : i32
    %c0_i32_1 = arith.constant 0 : i32
    return %c0_i32, %c0_i32_0 : i32, i32
  }
  func.func @transform_3(%arg0: i32) -> (i32, i32) {
    %c0_i32 = arith.constant 0 : i32
    %c0_i32_0 = arith.constant 0 : i32
    return %c0_i32, %arg0 : i32, i32
  }
  func.func @transform_4(%arg0: i32) -> (i32, i32) {
    %c0_i32 = arith.constant 0 : i32
    %c0_i32_0 = arith.constant 0 : i32
    return %c0_i32, %arg0 : i32, i32
  }
  func.func @transform_5(%arg0: i32) -> (i32, i32) {
    %c0_i32 = arith.constant 0 : i32
    %c0_i32_0 = arith.constant 0 : i32
    return %c0_i32, %arg0 : i32, i32
  }
}

</mosaic_0001>

<sc_bundles>
// kernel: kernel.4.cloned.1.call-start
scs
__scs_entry_jumppad:
0x0: {  	(pc) =	sbr.rel $0x88, $3  }
0x1: {  	(tag) =	ssettag $0x0;
	lr =	simm.s32 $0x1  }
0x2: {  	[smem:$0x3F9E] =	sst lr;
	_ =	strace $0xD0000000  }
0x3: {  	_ = 	snop  }
0x4: {  	_ = 	snop  }
0x5: {  	_ = 	snop  }
0x6: {  	_ = 	snop  }
0x7: {  	_ = 	snop  }
__scs_overlays_trampoline_lowered:
0x8: {  	[smem:$0x3FAD] =	sst s0  }
0x9: {  	[smem:$0x3FAE] =	sst s1  }
0xa: {  	[smem:$0x3FAF] =	sst s2  }
0xb: {  	[smem:$0x3FB0] =	sst s3  }
0xc: {  	[smem:$0x3FB1] =	sst s4  }
0xd: {  	[smem:$0x3FB2] =	sst s5  }
0xe: {  	[smem:$0x3FB3] =	sst s6  }
0xf: {  	[smem:$0x3FB4] =	sst s7  }
0x10: {  	[smem:$0x3FB5] =	sst s8  }
0x11: {  	[smem:$0x3FB6] =	sst s9;
	s0 =	simm.s32 @!p0 $0x0  }
0x12: {  	s1 =	sld [smem:$0x3F9C];
	s0 =	simm.s32 @p0 $0x1  }
0x13: {  	[smem:$0x3FB7] =	sst s0;
	s0 =	simm.s32 @!p1 $0x0  }
0x14: {  	s2 =	sld [smem:$0x3F9B];
	s0 =	simm.s32 @p1 $0x1  }
0x15: {  	[smem:$0x3FB8] =	sst s0;
	s0 =	simm.s32 @!p2 $0x0  }
0x16: {  	s3 =	sld [smem:$0x3FDB];
	s0 =	simm.s32 @p2 $0x1  }
0x17: {  	s4 =	simm.s32 $0x1BF5;
	[smem:$0x3FBA] =	sst s0  }
0x18: {  	s0 =	sld [smem:$0x3F9D];
	_ =	swait.ge [sflag:s4], $0x0  }
0x19: {  	s7 =	sld [smem:$0x3F9E]  }
0x1a: {  	s8 =	sadd.s32 $0xFFFFE003, lr  }
0x1b: {  	s9 =	sadd.s32 $0xFFFFFEF7, lr;
	s5 =	simm.s32 $0xFFFFFFFF;
	p2 =	slt.u32 s8, $0xFFFFF086  }
0x1c: {  	p1 =	slt.u32 s9, $0xF7A;
	s5 =	simm.s32 @!p2 $0x0  }
0x1d: {  	s5 =	simm.s32 @p1 $0x1;
	p0 =	seq.s32 s7, s2  }
0x1e: {  	s7 =	smul.u32 @!p0 $0xF7A, s2;
	p2 =	seq.s32 @!p0 s5, $0x0  }
0x1f: {  	s9 =	smul.u32 $0xF7A, s1;
	s8 =	simm.s32 @!p0 $0x1BF5;
	p2 =	por !p2, p0  }
0x20: {  	[sflag:s8] =	ssyncset.s32 @!p0 $0xFFFFF086;
	s6 =	sadd.s32 @!p0 s3, s7;
	s7 =	simm.s32 @!p0 $0x108  }
0x21: {  	s3 =	sadd.s32 s3, s9;
	s6 =	sadd.s32 @!p0 $0x88, s6;
	s7 =	simm.s32 @p2 $0x1082  }
0x22: {  	[simem:s7], [sflag:s8] =	dma.local @!p0 [hbm:s6], $0xF7A  }
0x23: {  	s9 =	sor.u32 $0xD0000000, s2;
	s6 =	simm.s32 $0x108;
	_ =	swait.ge @!p0 [sflag:s8], $0x0  }
0x24: {  	s3 =	sadd.s32 $0x88, s3;
	s6 =	simm.s32 @!p1 $0x1082;
	[sflag:s4] =	ssyncset.s32 $0xFFFFF086  }
0x25: {  	[simem:s6], [sflag:s4] =	dma.local [hbm:s3], $0xF7A  }
0x26: {  	[smem:$0x3F9E] =	sst s1;
	(tag) =	ssettag s2;
	_ =	strace s9  }
0x27: {  	s1 =	sld [smem:$0x3FAE]  }
0x28: {  	s2 =	sld [smem:$0x3FAF]  }
0x29: {  	s4 =	sld [smem:$0x3FB1]  }
0x2a: {  	p0 =	seq.s32 s5, $0x0;
	s5 =	sld [smem:$0x3FB2]  }
0x2b: {  	s6 =	sld [smem:$0x3FB3]  }
0x2c: {  	s7 =	sld [smem:$0x3FB4]  }
0x2d: {  	s3 =	simm.s32 $0x108;
	s8 =	sld [smem:$0x3FB5]  }
0x2e: {  	s3 =	simm.s32 @!p0 $0x1082;
	s9 =	sld [smem:$0x3FB6]  }
0x2f: {  	lr =	sadd.s32 s0, s3;
	s0 =	sld [smem:$0x3FAD]  }
0x30: {  	s3 =	sld [smem:$0x3FB0]  }
0x31: {  	[smem:$0x3FB9] =	sst s10  }
0x32: {  	s10 =	sld [smem:$0x3FB7];
	_ =	sdelay $0x3  }
0x33: {  	p0 =	seq.s32 s10, $0x1;
	s10 =	sld [smem:$0x3FB9];
	_ =	sdelay $0x3  }
0x34: {  	[smem:$0x3FB9] =	sst s10  }
0x35: {  	s10 =	sld [smem:$0x3FB8];
	_ =	sdelay $0x3  }
0x36: {  	p1 =	seq.s32 s10, $0x1;
	s10 =	sld [smem:$0x3FB9];
	_ =	sdelay $0x3  }
0x37: {  	[smem:$0x3FB9] =	sst s10  }
0x38: {  	s10 =	sld [smem:$0x3FBA]  }
0x39: {  	_ = 	snop;
	(pc) =	sbr.ind lr, $3  }
0x3a: {  	_ = 	snop  }
0x3b: {  	_ = 	snop  }
0x3c: {  	p2 =	seq.s32 s10, $0x1;
	s10 =	sld [smem:$0x3FB9]  }
0x3d: {  	_ =	shalt  }
0x3e: {  	_ =	shalt  }
0x3f: {  	_ =	shalt  }
0x40: {  	_ =	shalt  }
0x41: {  	_ =	shalt  }
0x42: {  	_ =	shalt  }
0x43: {  	_ =	shalt  }
0x44: {  	_ =	shalt  }
0x45: {  	_ =	shalt  }
0x46: {  	_ =	shalt  }
0x47: {  	_ =	shalt  }
0x48: {  	_ =	shalt  }
0x49: {  	_ =	shalt  }
0x4a: {  	_ =	shalt  }
0x4b: {  	_ =	shalt  }
0x4c: {  	_ =	shalt  }
0x4d: {  	_ =	shalt  }
0x4e: {  	_ =	shalt  }
0x4f: {  	_ =	shalt  }
0x50: {  	_ =	shalt  }
0x51: {  	_ =	shalt  }
0x52: {  	_ =	shalt  }
0x53: {  	_ =	shalt  }
0x54: {  	_ =	shalt  }
0x55: {  	_ =	shalt  }
0x56: {  	_ =	shalt  }
0x57: {  	_ =	shalt  }
0x58: {  	_ =	shalt  }
0x59: {  	_ =	shalt  }
0x5a: {  	_ =	shalt  }
0x5b: {  	_ =	shalt  }
0x5c: {  	_ =	shalt  }
0x5d: {  	_ =	shalt  }
0x5e: {  	_ =	shalt  }
0x5f: {  	_ =	shalt  }
0x60: {  	_ =	shalt  }
0x61: {  	_ =	shalt  }
0x62: {  	_ =	shalt  }
0x63: {  	_ =	shalt  }
0x64: {  	_ =	shalt  }
0x65: {  	_ =	shalt  }
0x66: {  	_ =	shalt  }
0x67: {  	_ =	shalt  }
0x68: {  	_ =	shalt  }
0x69: {  	_ =	shalt  }
0x6a: {  	_ =	shalt  }
0x6b: {  	_ =	shalt  }
0x6c: {  	_ =	shalt  }
0x6d: {  	_ =	shalt  }
0x6e: {  	_ =	shalt  }
0x6f: {  	_ =	shalt  }
0x70: {  	_ =	shalt  }
0x71: {  	_ =	shalt  }
0x72: {  	_ =	shalt  }
0x73: {  	_ =	shalt  }
0x74: {  	_ =	shalt  }
0x75: {  	_ =	shalt  }
0x76: {  	_ =	shalt  }
0x77: {  	_ =	shalt  }
0x78: {  	_ =	shalt  }
0x79: {  	_ =	shalt  }
0x7a: {  	_ =	shalt  }
0x7b: {  	_ =	shalt  }
0x7c: {  	_ =	shalt  }
0x7d: {  	_ =	shalt  }
0x7e: {  	_ =	shalt  }
0x7f: {  	_ =	shalt  }
0x80: {  	_ =	shalt  }
0x81: {  	_ =	shalt  }
0x82: {  	_ =	shalt  }
0x83: {  	_ =	shalt  }
0x84: {  	_ =	shalt  }
0x85: {  	_ =	shalt  }
0x86: {  	_ =	shalt  }
0x87: {  	_ =	shalt  }
.Lfunc_end0:
.L_simem_size_0:
called_computation_lowered:
.L_overlay_start_0:
0x88: {  	s2 =	sld [smem:$0x3FD9]  }
0x89: {  	s3 =	sld [smem:$0x3FFE];
	_ =	sdelay $0x1  }
0x8a: {  	s1 =	srdreg.scid  }
0x8b: {  	s0 =	sand.u32 $0x1, s1  }
0x8c: {  	s14 =	sshll.u32 s0, $0xA;
	s2 =	sadd.s32 s3, s2  }
0x8d: {  	s2 =	sadd.s32 s2, s14  }
0x8e: {  	[smem:$0x3FC5] =	sst s2  }
0x8f: {  	_ = 	snop  }
0x90: {  	s2 =	sld [smem:$0x3FD0];
	_ =	sdelay $0x2  }
0x91: {  	s4 =	simm.s32 $0xA;
	s5 =	simm.s32 $0x10;
	s15 =	sld [smem:$0x3FC7]  }
0x92: {  	[smem:s5], [sflag:s4] =	dma.local [hbm:s2], $0x1  }
0x93: {  	_ =	swait.eq [sflag:s4], $0x1  }
0x94: {  	[sflag:s4] =	ssyncset.done $0x0  }
0x95: {  	s16 =	sld [smem:$0x10];
	[sflag:s4] =	ssyncadd.s32 $0xFFFFFFFF  }
0x96: {  	s17 =	sld [smem:$0x11];
	(tm) =	ssettm $0x1  }
0x97: {  	s18 =	sld [smem:$0x3FFB];
	_ =	sdelay $0x3  }
0x98: {  	_ =	strace s18  }
0x99: {  	s5 =	sld [smem:$0x3FFC];
	_ =	sdelay $0x3  }
0x9a: {  	_ =	strace s5  }
0x9b: {  	s5 =	sld [smem:$0x3FFD];
	_ =	sdelay $0x3  }
0x9c: {  	_ =	strace s5  }
0x9d: {  	_ =	strace $0x8FFFFFFF  }
0x9e: {  	s19 =	sld [smem:$0x3FDB];
	_ =	sdelay $0x1  }
0x9f: {  	s6 =	simm.s32 $_scs_section_size  }
0xa0: {  	s7 =	simm.s32 $_size__tile_overlayer_lowered;
	s8 =	simm.s32 $_tile_overlayer_lowered  }
0xa1: {  	s22 =	simm.s32 $0x1BFF;
	s21 =	sshll.u32 s8, $0x1;
	s5 =	sadd.s32 s6, s19  }
0xa2: {  	s9 =	simm.s32 $0x0;
	s20 =	sshll.u32 s7, $0x1;
	s7 =	sadd.s32 s21, s5  }
0xa3: {  	[timem:s9], [sflag:s22] =	dma.local [hbm:s7], s20  }
0xa4: {  	_ =	swait.ge [sflag:s22], s20  }
0xa5: {  	s6 =	ssub.s32 $0x0, s20;
	[sflag:s22] =	ssyncset.done $0x0  }
0xa6: {  	[sflag:s22] =	ssyncadd.s32 s6;
	_ =	sdelay $0x1  }
0xa7: {  	s23 =	simm.s32 $0x1B8B  }
0xa8: {  	_ =	swait.ge [sflag:s23], $0x1  }
0xa9: {  	[sflag:s23] =	ssyncset.done $0x0  }
0xaa: {  	s25 =	simm.s32 $0x1B8E;
	s24 =	sld [smem:$0x3FFE];
	[sflag:s23] =	ssyncadd.s32 $0xFFFFFFFF  }
0xab: {  	s26 =	simm.s32 $execute0_lowered;
	[smem:$0x3FD2] =	sst s25  }
0xac: {  	s7 =	sshll.u32 s26, $0x1;
	_ =	strace $0x80000046;
	[dreg:$0x1] =	wrdreg $0xFFFFFFFF  }
0xad: {  	s28 =	simm.s32 $_size_execute0_lowered;
	s5 =	sadd.s32 s5, s7;
	[dreg:$0x0] =	wrdreg $0x0  }
0xae: {  	s7 =	sshll.u32 s28, $0x1;
	[dreg:$0x2] =	wrdreg s5  }
0xaf: {  	[dreg:$0x3] =	wrdreg s7  }
0xb0: {  	[dreg:$0x4] =	wrdreg $0xC0  }
0xb1: {  	_ =	task [dreg:s9], $0x5FFFF  }
0xb2: {  	[dreg:$0x1] =	wrdreg $0xFFFFFFFF  }
0xb3: {  	[dreg:$0x0] =	wrdreg $0x60  }
0xb4: {  	[dreg:$0x2] =	wrdreg s24  }
0xb5: {  	[dreg:$0x3] =	wrdreg s15  }
0xb6: {  	[dreg:$0x4] =	wrdreg s16  }
0xb7: {  	[dreg:$0x5] =	wrdreg s17  }
0xb8: {  	[dreg:$0x6] =	wrdreg $0x9  }
0xb9: {  	_ =	task.clear_ibuf [dreg:s9], $0x7FFFF;
	_ =	strace $0x90000046  }
0xba: {  	s29 =	simm.s32 $0x9;
	_ =	strace $0x80000048  }
0xbb: {  	_ =	swait.ge [sflag:s29], $0x1  }
0xbc: {  	[sflag:s29] =	ssyncadd.s32 $0xFFFFFFFF  }
0xbd: {  	_ =	strace $0x90000048  }
0xbe: {  	_ =	sfence  }
0xbf: {  	s30 =	sld [smem:$0x0];
	_ =	sdelay $0x2  }
0xc0: {  	s31 =	sshll.u32 s1, $0xD;
	s1 =	sshrl.u32 s1, $0x2  }
0xc1: {  	s3 =	sand.u32 $0x4000, s31;
	s1 =	sadd.s32 s1, s30  }
0xc2: {  	s0 =	sor.u32 s3, s0;
	s1 =	sshll.u32 s1, $0x11  }
0xc3: {  	s0 =	sor.u32 s1, s0  }
0xc4: {  	s0 =	sadd.s32 $0x8F2B, s0  }
0xc5: {  	[sflag:s0] =	ssyncadd.remote.s32 $0x1  }
0xc6: {  	_ =	sfence.sel $0xFFFF  }
0xc7: {  	[dreg:$0x0] =	wrdreg $0xFFFFFFFF;
	(pc) =	sbr.abs _section_cstart, $3  }
0xc8: {  	[dreg:$0x1] =	wrdreg $0xFFFFFFFF  }
0xc9: {  	_ =	task.clear_ibuf [dreg:s9], $0x2FFFF;
	_ =	strace $0x9FFFFFFF  }
0xca: {  	(tm) =	ssettm $0x7FFFFFFF  }
0xcb: {  	_ =	shalt  }
tec
execute0_lowered:
.L_overlay_start_1:
0x0: {  	(tag) =	ssettag $0x1  }
0x1: {  	s0 =	rddreg [dreg:$0x0]  }
0x2: {  	s1 =	rddreg [dreg:$0x2]  }
0x3: {  	s2 =	rddreg [dreg:$0x3];
	s4 =	srdreg.scid  }
0x4: {  	s3 =	simm.s32 $0x0;
	s5 =	stileid.u32;
	s12 =	simm.s32 $0x1  }
0x5: {  	s14 =	simm.s32 $0x4800;
	s15 =	simm.s32 $0x5000;
	s16 =	simm.s32 $0x5080  }
0x6: {  	s17 =	simm.s32 $0x5880;
	s18 =	simm.s32 $0x0;
	s4 =	sand.u32 $0x1, s4  }
0x7: {  	s5 =	sshll.u32 s5, $0x9;
	s6 =	sshll.u32 s4, $0x8;
	s4 =	ssub.s32 $0x2, s4  }
0x8: {  	[smem:$0x7FF] =	sst s3;
	s8 =	sor.u32 s6, s5;
	s31 =	sshrl.u32 s4, $0x1  }
0x9: {  	_ =	strace $0x80000047;
	s0 =	sadd.s32 s8, s0;
	s9 =	ssub.s32 s4, s31  }
0xa: {  	v32 =	vlaneseq.u32;
	v52 =	vimm.f32 $-1.000000000e+00;
	s7 =	sadd.s32 s1, s8;
	s8 =	sadd.s32 s2, s8;
	s4 =	sadd.s32 $0x1200, s0  }
0xb: {  	v47 =	vimm.s32 $0x0;
	v50 =	vimm.s32 $0x2;
	v54 =	vimm.s32 $0x4;
	s5 =	sadd.s32 $0x11200, s0;
	s6 =	sadd.s32 $0x13200, s0;
	s9 =	smax.u32 s9, $0x1  }
.LBB2_1:
0xc: {  	s0 =	simm.s32 $0x800;
	s1 =	simm.s32 $0x10000  }
0xd: {  	[tilespmem:s3], [sflag:$0x1] =	stream.strided.gather [hbm4b:s4+s0], $0x4000, s1, s0, $0x38;
	[tilespmem:$0x6080] =	vst v63  }
0xe: {  	_ =	swait.ge [sflag:s12], $0x4000  }
0xf: {  	[sflag:s12] =	ssyncset.done $0x0  }
0x10: {  	s30 =	simm.s32 $0x4000;
	[sflag:s12] =	ssyncadd.s32 $0xFFFFC000  }
0x11: {  	[tilespmem:s30], [sflag:$0x1] =	stream.linear.gather [hbm4b:s5+s3], $0x800, $0x38;
	[tilespmem:$0x6080] =	vst v63  }
0x12: {  	_ =	swait.ge [sflag:s12], $0x800  }
0x13: {  	[sflag:s12] =	ssyncset.done $0x0  }
0x14: {  	[sflag:s12] =	ssyncadd.s32 $0xFFFFF800  }
0x15: {  	[tilespmem:s14], [sflag:$0x1] =	stream.linear.gather [hbm4b:s6+s3], $0x800, $0x38;
	[tilespmem:$0x6080] =	vst v63  }
0x16: {  	_ =	swait.ge [sflag:s12], $0x800  }
0x17: {  	[sflag:s12] =	ssyncset.done $0x0  }
0x18: {  	[sflag:s12] =	ssyncadd.s32 $0xFFFFF800  }
0x19: {  	s31 =	rddreg [dreg:$0x1]  }
0x1a: {  	[tilespmem:s15], [sflag:$0x1] =	stream.linear.gather [hbm4b:s31+s3], $0x80, $0x38;
	[tilespmem:$0x6080] =	vst v63  }
0x1b: {  	s19 =	simm.s32 $0xFFFFFFFE;
	_ =	swait.ge [sflag:s12], $0x80  }
0x1c: {  	s20 =	simm.s32 $0x0;
	s21 =	simm.s32 $0x0;
	[sflag:s12] =	ssyncset.done $0x0  }
0x1d: {  	s22 =	simm.s32 $0x0;
	s23 =	simm.s32 $0x0;
	[sflag:s12] =	ssyncadd.s32 $0xFFFFFF80  }
.LBB2_2:
0x1e: {  	s2 =	sand.u32 $0x60, s20;
	s0 =	sand.u32 $0x400, s23  }
0x1f: {  	s24 =	sor.u32 s2, s0  }
0x20: {  	v0 =	vld [tilespmem:s24+$0x4000]  }
0x21: {  	s31 =	sor.u32 s20, s23;
	v2 =	vld [tilespmem:s24+$0x4100]  }
0x22: {  	s25 =	sor.u32 $0x380, s31;
	v4 =	vld [tilespmem:s24+$0x4200]  }
0x23: {  	v7 =	vld [tilespmem:s25+$0x4000]  }
0x24: {  	s1 =	sand.u32 $0xFFFFFC00, s23;
	v8 =	vld [tilespmem:s24+$0x4800]  }
0x25: {  	s1 =	sadd.s32 s1, s20;
	v10 =	vld [tilespmem:s24+$0x4900]  }
0x26: {  	s30 =	sor.u32 $0x80, s1;
	v12 =	vld [tilespmem:s24+$0x4A00]  }
0x27: {  	s28 =	sand.u32 $0x3, s21;
	s29 =	sor.u32 $0x180, s1;
	v1 =	vld [tilespmem:s30+$0x4000]  }
0x28: {  	s2 =	sshll.u32 s28, $0x5;
	s28 =	sor.u32 $0x280, s1;
	v3 =	vld [tilespmem:s29+$0x4000]  }
0x29: {  	v5 =	vld [tilespmem:s28+$0x4000]  }
0x2a: {  	v9 =	vld [tilespmem:s30+$0x4800]  }
0x2b: {  	s2 =	sadd.s32 s2, s23;
	v11 =	vld [tilespmem:s29+$0x4800]  }
0x2c: {  	s26 =	sor.u32 $0x300, s2;
	v13 =	vld [tilespmem:s28+$0x4800]  }
0x2d: {  	v6 =	vld [tilespmem:s26+$0x4000]  }
0x2e: {  	v15 =	vld [tilespmem:s25+$0x4800]  }
0x2f: {  	v14 =	vld [tilespmem:s26+$0x4800];
	vm0 =	vgt.f32 v1, v0  }
0x30: {  	v16 =	vmax.f32 v0, v1;
	vm6 =	vgt.f32 v3, v2;
	v18 =	vmax.f32 v2, v3  }
0x31: {  	vm7 =	vgt.f32 v5, v4;
	v20 =	vmax.f32 v4, v5;
	v17 =	vsel vm0, v9, v8  }
0x32: {  	v19 =	vsel vm6, v11, v10;
	v21 =	vsel vm7, v13, v12;
	vm8 =	vgt.f32 v7, v6  }
0x33: {  	v22 =	vmax.f32 v6, v7;
	vm9 =	vgt.f32 v18, v16;
	v18 =	vmax.f32 v16, v18  }
0x34: {  	v23 =	vsel vm8, v15, v14;
	vm1 =	vgt.f32 v22, v20;
	v20 =	vmax.f32 v20, v22  }
0x35: {  	v39 =	vsel vm9, v19, v17;
	v40 =	vsel vm1, v23, v21;
	vm10 =	vgt.f32 v20, v18  }
0x36: {  	v41 =	vmov s20;
	v30 =	vsel vm10, v40, v39  }
0x37: {  	v42 =	vshll.u32 v41, $0x3;
	v17 =	vshll.u32 v30, $0x7  }
0x38: {  	v43 =	vor.u32 s20, v32;
	v22 =	vand.u32 $0x400, v42;
	v44 =	vand.u32 $0x380, v17  }
0x39: {  	v21 =	vand.u32 $0x6F, v43;
	v45 =	vshll.u32 v30, $0x8;
	v16 =	vor.u32 v44, v22  }
0x3a: {  	v17 =	vand.u32 $0xFFFFF800, v45;
	v16 =	vor.u32 v21, v16  }
0x3b: {  	v16 =	vor.u32 v17, v16;
	v17 =	vor.u32 v22, v17  }
0x3c: {  	v17 =	vor.u32 v21, v17  }
0x3d: {  	v46 =	vor.u32 $0x80, v17  }
0x3e: {  	v48 =	vor.u32 $0x100, v17  }
0x3f: {  	v51 =	vor.u32 $0x200, v17  }
0x40: {  	v49 =	vld.idx.msk [tilespmem:v30+s15+$0x0], $0xffff;
	v53 =	vor.u32 $0x280, v17;
	[tilespmem:v16+s3+$0x0] =	vst.idx.msk $0xffff, v52  }
0x41: {  	v24 =	vor.u32 $0x180, v17;
	v55 =	vld.idx.msk [tilespmem:v17+s3+$0x0], $0xffff  }
0x42: {  	[tilespmem:$0x1FDA0] =	vst v18;
	v18 =	vld.idx.msk [tilespmem:v46+s3+$0x0], $0xffff  }
0x43: {  	v19 =	vld.idx.msk [tilespmem:v48+s3+$0x0], $0xffff  }
0x44: {  	[tilespmem:$0x1FD90] =	vst v20;
	v20 =	vld.idx.msk [tilespmem:v51+s3+$0x0], $0xffff  }
0x45: {  	v25 =	vor.u32 $0x300, v17;
	v16 =	vld.idx.msk [tilespmem:v53+s3+$0x0], $0xffff  }
0x46: {  	v17 =	vor.u32 $0x380, v17;
	v24 =	vld.idx.msk [tilespmem:v24+s3+$0x0], $0xffff  }
0x47: {  	v26 =	vand.u32 $0xFFFFFFF8, v30  }
0x48: {  	v28 =	vor.u32 $0x7, v30;
	v62 =	vshrl.u32 v30, $0x3;
	v27 =	vor.u32 $0x6, v26  }
0x49: {  	vm6 =	veq.s32 v62, $0x0;
	vm7 =	veq.s32 v62, $0x1;
	vm8 =	veq.s32 v62, $0x2  }
0x4a: {  	vm9 =	veq.s32 v62, $0x3;
	vm10 =	veq.s32 v62, $0x4;
	v25 =	vld.idx.msk [tilespmem:v25+s3+$0x0], $0xffff;
	vm11 =	vgt.f32 v18, v55  }
0x4b: {  	v17 =	vld.idx.msk [tilespmem:v17+s3+$0x0], $0xffff;
	v18 =	vmax.f32 v55, v18;
	vm12 =	vgt.f32 v16, v20;
	vm13 =	vgt.f32 v24, v19  }
0x4c: {  	v19 =	vmax.f32 v19, v24;
	v16 =	vmax.f32 v20, v16;
	v56 =	vsel vm11, $0x1, v47  }
0x4d: {  	v57 =	vsel vm12, $0x5, v54;
	v29 =	vsel vm13, $0x3, v50;
	vm15 =	vgt.f32 v19, v18  }
0x4e: {  	v18 =	vmax.f32 v18, v19;
	vm11 =	veq.s32 v62, $0x5;
	vm12 =	veq.s32 v62, $0x6  }
0x4f: {  	vm13 =	veq.s32 v62, $0x7;
	v58 =	vor.u32 v26, v57;
	v60 =	vsel vm15, v29, v56  }
0x50: {  	v19 =	vor.u32 v26, v60;
	vm14 =	vgt.f32 v17, v25;
	v17 =	vmax.f32 v25, v17  }
0x51: {  	v59 =	vsel vm14, v28, v27;
	vm4 =	vgt.f32 v17, v16;
	v16 =	vmax.f32 v16, v17  }
0x52: {  	v61 =	vsel vm4, v59, v58;
	vm5 =	vgt.f32 v16, v18;
	v16 =	vmax.f32 v18, v16  }
0x53: {  	v17 =	vsel vm5, v61, v19;
	v0 =	vsel vm6, v16, v0;
	v1 =	vsel vm7, v16, v1  }
0x54: {  	v2 =	vsel vm8, v16, v2;
	v3 =	vsel vm9, v16, v3;
	v4 =	vsel vm10, v16, v4  }
0x55: {  	v5 =	vsel vm11, v16, v5;
	v6 =	vsel vm12, v16, v6;
	v7 =	vsel vm13, v16, v7  }
0x56: {  	v8 =	vsel vm6, v17, v8;
	v9 =	vsel vm7, v17, v9;
	v10 =	vsel vm8, v17, v10  }
0x57: {  	v11 =	vsel vm9, v17, v11;
	v12 =	vsel vm10, v17, v12;
	v13 =	vsel vm11, v17, v13  }
0x58: {  	v14 =	vsel vm12, v17, v14;
	v15 =	vsel vm13, v17, v15;
	vm14 =	vgt.f32 v1, v0  }
0x59: {  	v63 =	vmax.f32 v0, v1;
	vm15 =	vgt.f32 v3, v2;
	v29 =	vmax.f32 v2, v3  }
0x5a: {  	vm4 =	vgt.f32 v5, v4;
	v31 =	vmax.f32 v4, v5;
	vm5 =	vgt.f32 v7, v6  }
0x5b: {  	[tilespmem:$0x1FF80] =	vst v30;
	v34 =	vmax.f32 v6, v7;
	v28 =	vsel vm14, v9, v8;
	v30 =	vsel vm15, v11, v10  }
0x5c: {  	v33 =	vsel vm4, v13, v12;
	v35 =	vsel vm5, v15, v14;
	vm6 =	vgt.f32 v29, v63  }
0x5d: {  	v18 =	vmax.f32 v63, v29;
	vm7 =	vgt.f32 v34, v31;
	v20 =	vmax.f32 v31, v34  }
0x5e: {  	v36 =	vsel vm6, v30, v28;
	v37 =	vsel vm7, v35, v33;
	vm8 =	vgt.f32 v20, v18  }
0x5f: {  	v38 =	vsel vm8, v37, v36  }
0x60: {  	v16 =	vshll.u32 v38, $0x7  }
0x61: {  	v16 =	vand.u32 $0x380, v16  }
0x62: {  	v17 =	vshll.u32 v38, $0x8;
	v16 =	vor.u32 v16, v22  }
0x63: {  	v17 =	vand.u32 $0xFFFFF800, v17;
	v16 =	vor.u32 v21, v16  }
0x64: {  	v16 =	vor.u32 v17, v16;
	v17 =	vor.u32 v22, v17  }
0x65: {  	v17 =	vor.u32 v21, v17  }
0x66: {  	v39 =	vor.u32 $0x80, v17  }
0x67: {  	v40 =	vor.u32 $0x100, v17  }
0x68: {  	v42 =	vor.u32 $0x200, v17  }
0x69: {  	v41 =	vld.idx.msk [tilespmem:v38+s15+$0x0], $0xffff;
	v43 =	vor.u32 $0x280, v17;
	[tilespmem:v16+s3+$0x0] =	vst.idx.msk $0xffff, v52  }
0x6a: {  	v45 =	vor.u32 $0x180, v17;
	v44 =	vld.idx.msk [tilespmem:v17+s3+$0x0], $0xffff  }
0x6b: {  	[tilespmem:$0x1FDD0] =	vst v18;
	v18 =	vld.idx.msk [tilespmem:v39+s3+$0x0], $0xffff  }
0x6c: {  	v19 =	vld.idx.msk [tilespmem:v40+s3+$0x0], $0xffff  }
0x6d: {  	[tilespmem:$0x1FDC0] =	vst v20;
	v20 =	vld.idx.msk [tilespmem:v42+s3+$0x0], $0xffff  }
0x6e: {  	v46 =	vor.u32 $0x300, v17;
	v16 =	vld.idx.msk [tilespmem:v43+s3+$0x0], $0xffff  }
0x6f: {  	v17 =	vor.u32 $0x380, v17;
	v24 =	vld.idx.msk [tilespmem:v45+s3+$0x0], $0xffff  }
0x70: {  	v48 =	vand.u32 $0xFFFFFFF8, v38;
	v53 =	vmov v38  }
0x71: {  	[tilespmem:$0x1FDB0] =	vst v49;
	v51 =	vor.u32 $0x7, v38;
	v49 =	vor.u32 $0x6, v48;
	v62 =	vshrl.u32 v53, $0x3  }
0x72: {  	vm4 =	veq.s32 v62, $0x0;
	vm5 =	veq.s32 v62, $0x1;
	vm6 =	veq.s32 v62, $0x2  }
0x73: {  	vm7 =	veq.s32 v62, $0x3;
	vm8 =	veq.s32 v62, $0x4;
	v25 =	vld.idx.msk [tilespmem:v46+s3+$0x0], $0xffff;
	vm9 =	vgt.f32 v18, v44  }
0x74: {  	v17 =	vld.idx.msk [tilespmem:v17+s3+$0x0], $0xffff;
	v18 =	vmax.f32 v44, v18;
	vm10 =	vgt.f32 v16, v20;
	vm11 =	vgt.f32 v24, v19  }
0x75: {  	v19 =	vmax.f32 v19, v24;
	v16 =	vmax.f32 v20, v16;
	v55 =	vsel vm9, $0x1, v47  }
0x76: {  	v56 =	vsel vm10, $0x5, v54;
	v57 =	vsel vm11, $0x3, v50;
	vm13 =	vgt.f32 v19, v18  }
0x77: {  	v18 =	vmax.f32 v18, v19;
	vm9 =	veq.s32 v62, $0x5;
	vm10 =	veq.s32 v62, $0x6  }
0x78: {  	vm11 =	veq.s32 v62, $0x7;
	v58 =	vor.u32 v48, v56;
	v60 =	vsel vm13, v57, v55  }
0x79: {  	v19 =	vor.u32 v60, v48;
	vm12 =	vgt.f32 v17, v25;
	v17 =	vmax.f32 v25, v17  }
0x7a: {  	v59 =	vsel vm12, v51, v49;
	vm14 =	vgt.f32 v17, v16;
	v16 =	vmax.f32 v16, v17  }
0x7b: {  	v61 =	vsel vm14, v59, v58;
	vm15 =	vgt.f32 v16, v18;
	v16 =	vmax.f32 v18, v16  }
0x7c: {  	v17 =	vsel vm15, v61, v19;
	v0 =	vsel vm4, v16, v0;
	v1 =	vsel vm5, v16, v1  }
0x7d: {  	v2 =	vsel vm6, v16, v2;
	v3 =	vsel vm7, v16, v3;
	v4 =	vsel vm8, v16, v4  }
0x7e: {  	v5 =	vsel vm9, v16, v5;
	v6 =	vsel vm10, v16, v6;
	v7 =	vsel vm11, v16, v7  }
0x7f: {  	v8 =	vsel vm4, v17, v8;
	v9 =	vsel vm5, v17, v9;
	v10 =	vsel vm6, v17, v10  }
0x80: {  	v11 =	vsel vm7, v17, v11;
	v12 =	vsel vm8, v17, v12;
	v19 =	vsel vm9, v17, v13  }
0x81: {  	v14 =	vsel vm10, v17, v14;
	v15 =	vsel vm11, v17, v15;
	vm12 =	vgt.f32 v1, v0  }
0x82: {  	v63 =	vmax.f32 v0, v1;
	vm13 =	vgt.f32 v3, v2;
	v29 =	vmax.f32 v2, v3  }
0x83: {  	vm14 =	vgt.f32 v5, v4;
	v31 =	vmax.f32 v4, v5;
	vm15 =	vgt.f32 v7, v6  }
0x84: {  	v34 =	vmax.f32 v6, v7;
	v28 =	vsel vm12, v9, v8;
	v30 =	vsel vm13, v11, v10  }
0x85: {  	v33 =	vsel vm14, v19, v12;
	v35 =	vsel vm15, v15, v14;
	vm4 =	vgt.f32 v29, v63  }
0x86: {  	v13 =	vmax.f32 v63, v29;
	vm5 =	vgt.f32 v34, v31;
	v36 =	vmax.f32 v31, v34  }
0x87: {  	v16 =	vsel vm4, v30, v28;
	v37 =	vsel vm5, v35, v33;
	vm6 =	vgt.f32 v36, v13  }
0x88: {  	[tilespmem:$0x1FE00] =	vst v13;
	v13 =	vsel vm6, v37, v16  }
0x89: {  	v16 =	vshll.u32 v13, $0x7  }
0x8a: {  	v16 =	vand.u32 $0x380, v16  }
0x8b: {  	v17 =	vshll.u32 v13, $0x8;
	v16 =	vor.u32 v16, v22  }
0x8c: {  	v17 =	vand.u32 $0xFFFFF800, v17;
	v16 =	vor.u32 v21, v16  }
0x8d: {  	v16 =	vor.u32 v17, v16;
	v17 =	vor.u32 v22, v17  }
0x8e: {  	v17 =	vor.u32 v21, v17  }
0x8f: {  	[tilespmem:$0x1FF90] =	vst v38;
	v38 =	vor.u32 $0x80, v17  }
0x90: {  	v39 =	vor.u32 $0x100, v17  }
0x91: {  	[tilespmem:$0x1FDE0] =	vst v41;
	v41 =	vor.u32 $0x200, v17  }
0x92: {  	v40 =	vld.idx.msk [tilespmem:v13+s15+$0x0], $0xffff;
	v42 =	vor.u32 $0x280, v17;
	[tilespmem:v16+s3+$0x0] =	vst.idx.msk $0xffff, v52  }
0x93: {  	v44 =	vor.u32 $0x180, v17;
	v43 =	vld.idx.msk [tilespmem:v17+s3+$0x0], $0xffff  }
0x94: {  	v20 =	vld.idx.msk [tilespmem:v38+s3+$0x0], $0xffff  }
0x95: {  	v23 =	vld.idx.msk [tilespmem:v39+s3+$0x0], $0xffff  }
0x96: {  	v24 =	vld.idx.msk [tilespmem:v41+s3+$0x0], $0xffff  }
0x97: {  	v45 =	vor.u32 $0x300, v17;
	v16 =	vld.idx.msk [tilespmem:v42+s3+$0x0], $0xffff  }
0x98: {  	v17 =	vor.u32 $0x380, v17;
	v26 =	vld.idx.msk [tilespmem:v44+s3+$0x0], $0xffff  }
0x99: {  	v46 =	vand.u32 $0xFFFFFFF8, v13  }
0x9a: {  	v49 =	vor.u32 $0x7, v13;
	v59 =	vshrl.u32 v13, $0x3;
	v48 =	vor.u32 $0x6, v46  }
0x9b: {  	vm14 =	veq.s32 v59, $0x0;
	vm15 =	veq.s32 v59, $0x1;
	vm4 =	veq.s32 v59, $0x2  }
0x9c: {  	vm5 =	veq.s32 v59, $0x3;
	vm6 =	veq.s32 v59, $0x4;
	v27 =	vld.idx.msk [tilespmem:v45+s3+$0x0], $0xffff;
	vm7 =	vgt.f32 v20, v43  }
0x9d: {  	v17 =	vld.idx.msk [tilespmem:v17+s3+$0x0], $0xffff;
	v20 =	vmax.f32 v43, v20;
	vm8 =	vgt.f32 v16, v24;
	vm9 =	vgt.f32 v26, v23  }
0x9e: {  	v23 =	vmax.f32 v23, v26;
	v16 =	vmax.f32 v24, v16;
	v51 =	vsel vm7, $0x1, v47  }
0x9f: {  	v53 =	vsel vm8, $0x5, v54;
	v31 =	vsel vm9, $0x3, v50;
	vm11 =	vgt.f32 v23, v20  }
0xa0: {  	v20 =	vmax.f32 v20, v23;
	vm7 =	veq.s32 v59, $0x5;
	vm8 =	veq.s32 v59, $0x6  }
0xa1: {  	vm9 =	veq.s32 v59, $0x7;
	v55 =	vor.u32 v46, v53;
	v57 =	vsel vm11, v31, v51  }
0xa2: {  	v23 =	vor.u32 v57, v46;
	vm10 =	vgt.f32 v17, v27;
	v17 =	vmax.f32 v27, v17  }
0xa3: {  	v56 =	vsel vm10, v49, v48;
	vm12 =	vgt.f32 v17, v16;
	v16 =	vmax.f32 v16, v17  }
0xa4: {  	v58 =	vsel vm12, v56, v55;
	vm13 =	vgt.f32 v16, v20;
	v16 =	vmax.f32 v20, v16  }
0xa5: {  	v17 =	vsel vm13, v58, v23;
	v0 =	vsel vm14, v16, v0;
	v1 =	vsel vm15, v16, v1  }
0xa6: {  	v2 =	vsel vm4, v16, v2;
	v3 =	vsel vm5, v16, v3;
	v4 =	vsel vm6, v16, v4  }
0xa7: {  	v5 =	vsel vm7, v16, v5;
	v6 =	vsel vm8, v16, v6;
	v7 =	vsel vm9, v16, v7  }
0xa8: {  	v8 =	vsel vm14, v17, v8;
	v9 =	vsel vm15, v17, v9;
	v10 =	vsel vm4, v17, v10  }
0xa9: {  	v11 =	vsel vm5, v17, v11;
	v12 =	vsel vm6, v17, v12;
	v19 =	vsel vm7, v17, v19  }
0xaa: {  	v14 =	vsel vm8, v17, v14;
	v15 =	vsel vm9, v17, v15;
	vm10 =	vgt.f32 v1, v0  }
0xab: {  	v60 =	vmax.f32 v0, v1;
	vm11 =	vgt.f32 v3, v2;
	v62 =	vmax.f32 v2, v3  }
0xac: {  	vm12 =	vgt.f32 v5, v4;
	v30 =	vmax.f32 v4, v5;
	vm13 =	vgt.f32 v7, v6  }
0xad: {  	v33 =	vmax.f32 v6, v7;
	v61 =	vsel vm10, v9, v8;
	v63 =	vsel vm11, v11, v10  }
0xae: {  	v31 =	vsel vm12, v19, v12;
	v34 =	vsel vm13, v15, v14;
	vm14 =	vgt.f32 v62, v60  }
0xaf: {  	[tilespmem:$0x1FDF0] =	vst v36;
	v35 =	vmax.f32 v60, v62;
	vm15 =	vgt.f32 v33, v30;
	v36 =	vmax.f32 v30, v33  }
0xb0: {  	v37 =	vsel vm14, v63, v61;
	v38 =	vsel vm15, v34, v31;
	vm4 =	vgt.f32 v36, v35  }
0xb1: {  	[tilespmem:$0x1FFA0] =	vst v13;
	v13 =	vsel vm4, v38, v37  }
0xb2: {  	v16 =	vshll.u32 v13, $0x7  }
0xb3: {  	v16 =	vand.u32 $0x380, v16  }
0xb4: {  	v17 =	vshll.u32 v13, $0x8;
	v16 =	vor.u32 v16, v22  }
0xb5: {  	v17 =	vand.u32 $0xFFFFF800, v17;
	v16 =	vor.u32 v21, v16  }
0xb6: {  	v16 =	vor.u32 v17, v16;
	v17 =	vor.u32 v22, v17  }
0xb7: {  	v17 =	vor.u32 v21, v17  }
0xb8: {  	v39 =	vor.u32 $0x80, v17  }
0xb9: {  	[tilespmem:$0x1FE10] =	vst v40;
	v40 =	vor.u32 $0x100, v17  }
0xba: {  	v42 =	vor.u32 $0x200, v17  }
0xbb: {  	v41 =	vld.idx.msk [tilespmem:v13+s15+$0x0], $0xffff;
	v43 =	vor.u32 $0x280, v17;
	[tilespmem:v16+s3+$0x0] =	vst.idx.msk $0xffff, v52  }
0xbc: {  	v45 =	vor.u32 $0x180, v17;
	v44 =	vld.idx.msk [tilespmem:v17+s3+$0x0], $0xffff  }
0xbd: {  	v20 =	vld.idx.msk [tilespmem:v39+s3+$0x0], $0xffff  }
0xbe: {  	v23 =	vld.idx.msk [tilespmem:v40+s3+$0x0], $0xffff  }
0xbf: {  	v46 =	vor.u32 $0x300, v17;
	v24 =	vld.idx.msk [tilespmem:v42+s3+$0x0], $0xffff  }
0xc0: {  	v17 =	vor.u32 $0x380, v17;
	v16 =	vld.idx.msk [tilespmem:v43+s3+$0x0], $0xffff  }
0xc1: {  	v48 =	vand.u32 $0xFFFFFFF8, v13;
	v60 =	vshrl.u32 v13, $0x3;
	v26 =	vld.idx.msk [tilespmem:v45+s3+$0x0], $0xffff  }
0xc2: {  	v51 =	vor.u32 $0x7, v13;
	v49 =	vor.u32 $0x6, v48;
	vm12 =	veq.s32 v60, $0x0  }
0xc3: {  	s13 =	sadd.s32 $0x10, s20;
	vm13 =	veq.s32 v60, $0x1;
	vm14 =	veq.s32 v60, $0x2;
	vm15 =	veq.s32 v60, $0x3  }
0xc4: {  	vm4 =	veq.s32 v60, $0x4;
	[tilespmem:$0x1FE40] =	vst v41;
	v41 =	vmov s13;
	v27 =	vld.idx.msk [tilespmem:v46+s3+$0x0], $0xffff;
	v45 =	vor.u32 s13, v32  }
0xc5: {  	s10 =	sand.u32 $0x70, s13;
	v45 =	vand.u32 $0x7F, v45;
	v17 =	vld.idx.msk [tilespmem:v17+s3+$0x0], $0xffff;
	vm5 =	vgt.f32 v20, v44;
	v20 =	vmax.f32 v44, v20  }
0xc6: {  	s31 =	sor.u32 s0, s10;
	s1 =	sadd.s32 $0x10, s1;
	vm6 =	vgt.f32 v16, v24;
	vm7 =	vgt.f32 v26, v23;
	v23 =	vmax.f32 v23, v26  }
0xc7: {  	s2 =	sor.u32 $0x180, s1;
	v37 =	vld [tilespmem:s31+$0x4100];
	v16 =	vmax.f32 v24, v16;
	v53 =	vsel vm5, $0x1, v47;
	v54 =	vsel vm6, $0x5, v54  }
0xc8: {  	v46 =	vld [tilespmem:s2+$0x4000];
	v55 =	vsel vm7, $0x3, v50;
	vm9 =	vgt.f32 v23, v20;
	v20 =	vmax.f32 v20, v23  }
0xc9: {  	vm5 =	veq.s32 v60, $0x5;
	vm6 =	veq.s32 v60, $0x6;
	vm7 =	veq.s32 v60, $0x7  }
0xca: {  	v56 =	vor.u32 v48, v54;
	vm8 =	vgt.f32 v17, v27;
	v17 =	vmax.f32 v27, v17  }
0xcb: {  	v58 =	vsel vm9, v55, v53;
	v57 =	vsel vm8, v51, v49;
	vm10 =	vgt.f32 v17, v16  }
0xcc: {  	v23 =	vor.u32 v58, v48;
	v16 =	vmax.f32 v16, v17;
	v59 =	vsel vm10, v57, v56  }
0xcd: {  	vm11 =	vgt.f32 v16, v20;
	v16 =	vmax.f32 v20, v16;
	v56 =	vmax.f32 v37, v46  }
0xce: {  	v23 =	vsel vm11, v59, v23;
	v0 =	vsel vm12, v16, v0;
	v1 =	vsel vm13, v16, v1  }
0xcf: {  	s11 =	sand.u32 $0x7, s22;
	s0 =	sor.u32 $0x80, s1;
	v17 =	vsel vm15, v16, v3;
	v42 =	vsel vm4, v16, v4;
	v43 =	vsel vm5, v16, v5  }
0xd0: {  	s10 =	sshll.u32 s11, $0x4;
	s11 =	sor.u32 s13, s23;
	[tilespmem:$0x1FE20] =	vst v36;
	v36 =	vld [tilespmem:s0+$0x4000];
	v44 =	vsel vm6, v16, v6;
	v18 =	vsel vm7, v16, v7;
	v28 =	vsel vm12, v23, v8  }
0xd1: {  	s11 =	sor.u32 $0x380, s11;
	v47 =	vld [tilespmem:s31+$0x4200];
	v20 =	vsel vm13, v23, v9;
	v9 =	vsel vm14, v16, v2;
	v31 =	vsel vm14, v23, v10  }
0xd2: {  	s10 =	sadd.s32 s23, s10;
	s1 =	sor.u32 $0x280, s1;
	v50 =	vld [tilespmem:s11+$0x4000];
	v34 =	vsel vm15, v23, v11;
	v38 =	vsel vm4, v23, v12;
	v39 =	vsel vm5, v23, v19  }
0xd3: {  	s10 =	sadd.s32 $0x10, s10;
	[tilespmem:$0x1FFB0] =	vst v13;
	v48 =	vld [tilespmem:s1+$0x4000];
	v40 =	vsel vm6, v23, v14;
	v13 =	vsel vm7, v23, v15;
	vm8 =	vgt.f32 v1, v0  }
0xd4: {  	s10 =	sor.u32 $0x300, s10;
	v27 =	vld [tilespmem:s31+$0x4000];
	v61 =	vmax.f32 v0, v1;
	vm10 =	vgt.f32 v43, v42;
	v14 =	vmax.f32 v42, v43  }
0xd5: {  	v49 =	vld [tilespmem:s10+$0x4000];
	vm11 =	vgt.f32 v18, v44;
	v16 =	vmax.f32 v44, v18;
	v62 =	vsel vm8, v20, v28  }
0xd6: {  	v4 =	vld [tilespmem:s31+$0x4900];
	vm9 =	vgt.f32 v17, v9;
	v63 =	vmax.f32 v9, v17;
	v15 =	vsel vm10, v39, v38  }
0xd7: {  	v5 =	vld [tilespmem:s2+$0x4800];
	v19 =	vsel vm11, v13, v40;
	vm13 =	vgt.f32 v16, v14;
	v6 =	vmax.f32 v14, v16  }
0xd8: {  	v7 =	vld [tilespmem:s1+$0x4800];
	v12 =	vsel vm9, v34, v31;
	vm12 =	vgt.f32 v63, v61;
	v2 =	vmax.f32 v61, v63  }
0xd9: {  	v8 =	vld [tilespmem:s10+$0x4800];
	v23 =	vsel vm13, v19, v15;
	v3 =	vsel vm12, v12, v62;
	vm14 =	vgt.f32 v6, v2  }
0xda: {  	v10 =	vld [tilespmem:s11+$0x4800];
	vm4 =	vgt.f32 v46, v37;
	vm5 =	vgt.f32 v48, v47;
	v33 =	vsel vm14, v23, v3  }
0xdb: {  	v58 =	vmax.f32 v47, v48;
	v54 =	vmax.f32 v27, v36;
	[tilespmem:$0x1FE60] =	vst v2;
	v2 =	vld [tilespmem:s31+$0x4800];
	v25 =	vshll.u32 v33, $0x7  }
0xdc: {  	vm15 =	vgt.f32 v36, v27;
	[tilespmem:$0x1FE50] =	vst v6;
	vm6 =	vgt.f32 v56, v54;
	v3 =	vld [tilespmem:s0+$0x4800];
	v6 =	vand.u32 $0x380, v25  }
0xdd: {  	v59 =	vmax.f32 v54, v56;
	v24 =	vshll.u32 v33, $0x8;
	v29 =	vor.u32 v6, v22;
	v6 =	vld [tilespmem:s31+$0x4A00]  }
0xde: {  	vm7 =	vgt.f32 v50, v49;
	v61 =	vmax.f32 v49, v50;
	v26 =	vand.u32 $0xFFFFF800, v24  }
0xdf: {  	[tilespmem:$0x1FE30] =	vst v35;
	vm8 =	vgt.f32 v61, v58;
	v30 =	vor.u32 v22, v26;
	v35 =	vor.u32 v21, v29  }
0xe0: {  	v62 =	vmax.f32 v58, v61;
	v12 =	vor.u32 v21, v30;
	v11 =	vor.u32 v26, v35  }
0xe1: {  	v57 =	vsel vm4, v5, v4;
	v63 =	vsel vm7, v10, v8;
	v16 =	vor.u32 $0x80, v12  }
0xe2: {  	v19 =	vor.u32 $0x100, v12;
	v55 =	vsel vm15, v3, v2;
	v60 =	vsel vm5, v7, v6  }
0xe3: {  	vm9 =	vgt.f32 v62, v59;
	v24 =	vsel vm6, v57, v55;
	v23 =	vsel vm8, v63, v60  }
0xe4: {  	v14 =	vshll.u32 v41, $0x3;
	v29 =	vor.u32 $0x180, v12;
	v32 =	vsel vm9, v23, v24  }
0xe5: {  	v41 =	vand.u32 $0x400, v14;
	v51 =	vld.idx.msk [tilespmem:v33+s15+$0x0], $0xffff;
	v53 =	vor.u32 $0x200, v12;
	[tilespmem:v11+s3+$0x0] =	vst.idx.msk $0xffff, v52;
	v54 =	vshll.u32 v32, $0x7  }
0xe6: {  	v55 =	vor.u32 $0x280, v12;
	v14 =	vld.idx.msk [tilespmem:v16+s3+$0x0], $0xffff;
	v56 =	vshll.u32 v32, $0x8;
	v11 =	vand.u32 $0x380, v54  }
0xe7: {  	v57 =	vor.u32 $0x300, v12;
	v19 =	vld.idx.msk [tilespmem:v19+s3+$0x0], $0xffff;
	v16 =	vand.u32 $0xFFFFF800, v56;
	v11 =	vor.u32 v11, v41  }
0xe8: {  	[tilespmem:$0x1FED0] =	vst v59;
	v59 =	vld.idx.msk [tilespmem:v12+s3+$0x0], $0xffff;
	v12 =	vor.u32 $0x380, v12;
	v58 =	vor.u32 v41, v16;
	v11 =	vor.u32 v45, v11  }
0xe9: {  	v25 =	vld.idx.msk [tilespmem:v29+s3+$0x0], $0xffff;
	v26 =	vor.u32 v45, v58;
	v11 =	vor.u32 v16, v11  }
0xea: {  	v23 =	vld.idx.msk [tilespmem:v53+s3+$0x0], $0xffff;
	v60 =	vor.u32 $0x80, v26  }
0xeb: {  	v15 =	vld.idx.msk [tilespmem:v55+s3+$0x0], $0xffff;
	v54 =	vshrl.u32 v32, $0x3;
	v35 =	vor.u32 $0x100, v26  }
0xec: {  	[tilespmem:$0x1FEC0] =	vst v62;
	v24 =	vld.idx.msk [tilespmem:v57+s3+$0x0], $0xffff;
	v55 =	vimm.s32 $0x4;
	vm4 =	veq.s32 v54, $0x4  }
0xed: {  	[tilespmem:$0x1FE70] =	vst v51;
	vm5 =	veq.s32 v54, $0x5;
	v58 =	vor.u32 $0x7, v33;
	v51 =	vor.u32 $0x180, v26;
	v62 =	vld.idx.msk [tilespmem:v12+s3+$0x0], $0xffff  }
0xee: {  	v61 =	vld.idx.msk [tilespmem:v32+s15+$0x0], $0xffff;
	v63 =	vor.u32 $0x200, v26;
	v29 =	vor.u32 $0x280, v26;
	v57 =	vor.u32 $0x300, v26;
	[tilespmem:v11+s3+$0x0] =	vst.idx.msk $0xffff, v52  }
0xef: {  	vm10 =	vgt.f32 v14, v59;
	v14 =	vmax.f32 v59, v14;
	vm11 =	vgt.f32 v25, v19;
	v30 =	vld.idx.msk [tilespmem:v60+s3+$0x0], $0xffff  }
0xf0: {  	v19 =	vmax.f32 v19, v25;
	vm2 =	vgt.f32 v15, v23;
	v15 =	vmax.f32 v23, v15;
	v16 =	vld.idx.msk [tilespmem:v35+s3+$0x0], $0xffff  }
0xf1: {  	vm12 =	vgt.f32 v19, v14;
	v55 =	vsel vm2, $0x5, v55;
	v14 =	vmax.f32 v14, v19;
	v25 =	vld.idx.msk [tilespmem:v26+s3+$0x0], $0xffff  }
0xf2: {  	v26 =	vor.u32 $0x380, v26;
	v23 =	vld.idx.msk [tilespmem:v51+s3+$0x0], $0xffff;
	v51 =	vand.u32 $0xFFFFFFF8, v33;
	vm3 =	vgt.f32 v62, v24  }
0xf3: {  	v12 =	vld.idx.msk [tilespmem:v63+s3+$0x0], $0xffff;
	v11 =	vmax.f32 v24, v62;
	v60 =	vimm.s32 $0x0;
	v62 =	vimm.s32 $0x2  }
0xf4: {  	v52 =	vld.idx.msk [tilespmem:v29+s3+$0x0], $0xffff;
	v24 =	vor.u32 $0x7, v32;
	v29 =	vimm.s32 $0x4;
	v53 =	vor.u32 $0x6, v51  }
0xf5: {  	[tilespmem:$0x1FEE0] =	vst v61;
	v35 =	vld.idx.msk [tilespmem:v57+s3+$0x0], $0xffff;
	v61 =	vsel vm10, $0x1, v60;
	v63 =	vsel vm11, $0x3, v62;
	v57 =	vor.u32 v51, v55  }
0xf6: {  	vm13 =	vgt.f32 v11, v15;
	v11 =	vmax.f32 v15, v11;
	v59 =	vsel vm3, v58, v53  }
0xf7: {  	v56 =	vsel vm12, v63, v61;
	vm14 =	vgt.f32 v11, v14;
	v61 =	vand.u32 $0xFFFFFFF8, v32  }
0xf8: {  	vm12 =	veq.s32 v54, $0x0;
	v19 =	vor.u32 v56, v51;
	v58 =	vsel vm13, v59, v57  }
0xf9: {  	v51 =	vmax.f32 v14, v11;
	v63 =	vor.u32 $0x6, v61;
	vm13 =	veq.s32 v54, $0x1;
	v26 =	vld.idx.msk [tilespmem:v26+s3+$0x0], $0xffff  }
0xfa: {  	v53 =	vsel vm14, v58, v19;
	vm14 =	veq.s32 v54, $0x2;
	vm15 =	vgt.f32 v30, v25  }
0xfb: {  	v59 =	vmax.f32 v25, v30;
	vm6 =	vgt.f32 v23, v16;
	v60 =	vmax.f32 v16, v23  }
0xfc: {  	vm7 =	vgt.f32 v52, v12;
	v12 =	vmax.f32 v12, v52;
	v25 =	vimm.s32 $0x0  }
0xfd: {  	vm9 =	vgt.f32 v60, v59;
	v11 =	vmax.f32 v59, v60;
	v14 =	vsel vm15, $0x1, v25  }
0xfe: {  	vm8 =	vgt.f32 v26, v35;
	v62 =	vmax.f32 v35, v26;
	v26 =	vimm.s32 $0x2  }
0xff: {  	vm15 =	veq.s32 v54, $0x3;
	v19 =	vsel vm8, v24, v63;
	v23 =	vsel vm6, $0x3, v26  }
0x100: {  	v24 =	vsel vm7, $0x5, v29;
	vm10 =	vgt.f32 v62, v12;
	v12 =	vmax.f32 v12, v62  }
0x101: {  	vm6 =	veq.s32 v54, $0x6;
	vm7 =	veq.s32 v54, $0x7;
	v14 =	vsel vm9, v23, v14  }
0x102: {  	v30 =	vor.u32 v61, v24;
	vm11 =	vgt.f32 v12, v11;
	v52 =	vmax.f32 v11, v12  }
0x103: {  	v14 =	vor.u32 v61, v14;
	v35 =	vsel vm10, v19, v30;
	v16 =	vsel vm12, v52, v27  }
0x104: {  	v24 =	vsel vm13, v52, v36;
	v25 =	vsel vm14, v52, v37;
	v26 =	vsel vm15, v52, v46  }
0x105: {  	v11 =	vsel vm4, v52, v47;
	v12 =	vsel vm5, v52, v48;
	v19 =	vsel vm7, v52, v50  }
0x106: {  	v36 =	vshrl.u32 v33, $0x3;
	v55 =	vsel vm11, v35, v14;
	v14 =	vsel vm6, v52, v49  }
0x107: {  	v56 =	vmax.f32 v16, v24;
	v57 =	vmax.f32 v25, v26;
	v61 =	vmax.f32 v11, v12  }
0x108: {  	vm9 =	vgt.f32 v12, v11;
	v35 =	vsel vm12, v55, v2;
	v2 =	vsel vm13, v55, v3  }
0x109: {  	v3 =	vsel vm14, v55, v4;
	v15 =	vsel vm15, v55, v5;
	v23 =	vsel vm4, v55, v6  }
0x10a: {  	v5 =	vsel vm5, v55, v7;
	v8 =	vsel vm6, v55, v8;
	v10 =	vsel vm7, v55, v10  }
0x10b: {  	vm6 =	vgt.f32 v24, v16;
	vm7 =	vgt.f32 v26, v25;
	vm8 =	vgt.f32 v57, v56  }
0x10c: {  	v58 =	vmax.f32 v56, v57;
	v62 =	vmax.f32 v14, v19;
	vm10 =	vgt.f32 v19, v14  }
0x10d: {  	v59 =	vsel vm6, v2, v35;
	v60 =	vsel vm7, v15, v3;
	vm11 =	vgt.f32 v62, v61  }
0x10e: {  	[tilespmem:$0x1FFE0] =	vst v32;
	v63 =	vmax.f32 v61, v62;
	v30 =	vsel vm9, v5, v23;
	v32 =	vsel vm10, v10, v8  }
0x10f: {  	v4 =	vsel vm8, v60, v59;
	v6 =	vsel vm11, v32, v30;
	vm12 =	vgt.f32 v63, v58  }
0x110: {  	vm0 =	veq.s32 v36, $0x0;
	vm13 =	veq.s32 v36, $0x1;
	v29 =	vsel vm12, v6, v4  }
0x111: {  	vm14 =	veq.s32 v36, $0x2;
	vm15 =	veq.s32 v36, $0x3;
	v4 =	vshll.u32 v29, $0x7  }
0x112: {  	v7 =	vsel vm0, v51, v0;
	v6 =	vshll.u32 v29, $0x8;
	v4 =	vand.u32 $0x380, v4  }
0x113: {  	v50 =	vsel vm0, v53, v28;
	v6 =	vand.u32 $0xFFFFF800, v6;
	v4 =	vor.u32 v4, v41  }
0x114: {  	vm9 =	veq.s32 v36, $0x4;
	v37 =	vor.u32 v41, v6;
	v4 =	vor.u32 v45, v4  }
0x115: {  	vm10 =	veq.s32 v36, $0x5;
	v30 =	vor.u32 v45, v37;
	v4 =	vor.u32 v6, v4  }
0x116: {  	v9 =	vsel vm14, v51, v9;
	v17 =	vsel vm15, v51, v17;
	v46 =	vor.u32 $0x80, v30  }
0x117: {  	vm11 =	veq.s32 v36, $0x6;
	v52 =	vsel vm9, v51, v42;
	v47 =	vor.u32 $0x100, v30  }
0x118: {  	v56 =	vsel vm10, v51, v43;
	v59 =	vimm.f32 $-1.000000000e+00;
	vm12 =	veq.s32 v36, $0x7  }
0x119: {  	[tilespmem:$0x1FFC0] =	vst v33;
	v60 =	vsel vm11, v51, v44;
	v55 =	vsel vm12, v51, v18;
	v54 =	vor.u32 $0x180, v30  }
0x11a: {  	v6 =	vsel vm13, v51, v1;
	v51 =	vld.idx.msk [tilespmem:v29+s15+$0x0], $0xffff;
	v61 =	vor.u32 $0x200, v30;
	[tilespmem:v4+s3+$0x0] =	vst.idx.msk $0xffff, v59  }
0x11b: {  	[tilespmem:$0x1FF00] =	vst v58;
	v57 =	vsel vm13, v53, v20;
	v58 =	vsel vm14, v53, v31;
	v62 =	vor.u32 $0x280, v30;
	v0 =	vld.idx.msk [tilespmem:v46+s3+$0x0], $0xffff  }
0x11c: {  	[tilespmem:$0x1FEF0] =	vst v63;
	v48 =	vsel vm10, v53, v39;
	vm8 =	vgt.f32 v17, v9;
	v63 =	vor.u32 $0x300, v30;
	v1 =	vld.idx.msk [tilespmem:v47+s3+$0x0], $0xffff  }
0x11d: {  	v27 =	vsel vm11, v53, v40;
	v18 =	vsel vm9, v53, v38;
	v31 =	vsel vm12, v53, v13;
	v37 =	vld.idx.msk [tilespmem:v30+s3+$0x0], $0xffff  }
0x11e: {  	vm9 =	vgt.f32 v56, v52;
	v49 =	vmax.f32 v60, v55;
	vm10 =	vgt.f32 v55, v60;
	v28 =	vld.idx.msk [tilespmem:v54+s3+$0x0], $0xffff  }
0x11f: {  	v33 =	vmax.f32 v7, v6;
	v59 =	vsel vm15, v53, v34;
	vm15 =	vgt.f32 v6, v7;
	v4 =	vld.idx.msk [tilespmem:v61+s3+$0x0], $0xffff  }
0x120: {  	v30 =	vor.u32 $0x380, v30;
	v46 =	vmax.f32 v9, v17;
	v47 =	vmax.f32 v52, v56;
	v54 =	vld.idx.msk [tilespmem:v62+s3+$0x0], $0xffff  }
0x121: {  	v36 =	vld.idx.msk [tilespmem:v63+s3+$0x0], $0xffff;
	v61 =	vsel vm15, v57, v50;
	v62 =	vsel vm8, v59, v58;
	v63 =	vsel vm9, v48, v18  }
0x122: {  	[tilespmem:$0x1FF10] =	vst v51;
	vm13 =	vgt.f32 v46, v33;
	v51 =	vmax.f32 v33, v46;
	vm14 =	vgt.f32 v49, v47  }
0x123: {  	v53 =	vmax.f32 v47, v49;
	v46 =	vsel vm10, v31, v27;
	v49 =	vand.u32 $0xFFFFFFF8, v29  }
0x124: {  	v33 =	vimm.s32 $0x4;
	[tilespmem:$0x1FE90] =	vst v51;
	v34 =	vsel vm13, v62, v61;
	v47 =	vsel vm14, v46, v63  }
0x125: {  	[tilespmem:$0x1FE80] =	vst v53;
	vm11 =	vgt.f32 v53, v51;
	v51 =	vor.u32 $0x6, v49;
	v53 =	vor.u32 $0x7, v29  }
0x126: {  	v61 =	vimm.s32 $0x0;
	v63 =	vimm.s32 $0x2;
	v46 =	vshrl.u32 v29, $0x3  }
0x127: {  	v20 =	vsel vm11, v47, v34;
	vm0 =	veq.s32 v46, $0x0;
	vm9 =	veq.s32 v46, $0x1  }
0x128: {  	vm10 =	veq.s32 v46, $0x2;
	vm11 =	veq.s32 v46, $0x3;
	vm12 =	vgt.f32 v0, v37  }
0x129: {  	v30 =	vld.idx.msk [tilespmem:v30+s3+$0x0], $0xffff;
	v0 =	vmax.f32 v37, v0;
	vm13 =	vgt.f32 v28, v1;
	v1 =	vmax.f32 v1, v28  }
0x12a: {  	vm14 =	vgt.f32 v54, v4;
	v4 =	vmax.f32 v4, v54;
	vm6 =	vgt.f32 v1, v0  }
0x12b: {  	v62 =	vsel vm12, $0x1, v61;
	v32 =	vsel vm13, $0x3, v63;
	v34 =	vsel vm14, $0x5, v33  }
0x12c: {  	v0 =	vmax.f32 v0, v1;
	vm12 =	veq.s32 v46, $0x4;
	vm13 =	veq.s32 v46, $0x5  }
0x12d: {  	vm14 =	veq.s32 v46, $0x6;
	v42 =	vsel vm6, v32, v62;
	v43 =	vor.u32 v49, v34  }
0x12e: {  	v1 =	vor.u32 v42, v49;
	vm15 =	vgt.f32 v30, v36;
	v30 =	vmax.f32 v36, v30  }
0x12f: {  	v49 =	vshll.u32 v20, $0x7;
	v54 =	vsel vm15, v53, v51;
	vm7 =	vgt.f32 v30, v4  }
0x130: {  	v4 =	vmax.f32 v4, v30;
	vm15 =	veq.s32 v46, $0x7;
	v53 =	vshll.u32 v20, $0x8  }
0x131: {  	v44 =	vsel vm7, v54, v43;
	vm8 =	vgt.f32 v4, v0;
	v47 =	vmax.f32 v0, v4  }
0x132: {  	v37 =	vsel vm8, v44, v1;
	v0 =	vsel vm0, v47, v16;
	v1 =	vsel vm9, v47, v24  }
0x133: {  	v4 =	vsel vm10, v47, v25;
	v16 =	vsel vm11, v47, v26;
	v24 =	vsel vm12, v47, v11  }
0x134: {  	v26 =	vsel vm13, v47, v12;
	v28 =	vsel vm14, v47, v14;
	v44 =	vsel vm15, v47, v19  }
0x135: {  	v11 =	vand.u32 $0x380, v49;
	v35 =	vsel vm0, v37, v35;
	v2 =	vsel vm9, v37, v2  }
0x136: {  	v46 =	vsel vm10, v37, v3;
	v47 =	vsel vm11, v37, v15;
	v61 =	vsel vm12, v37, v23  }
0x137: {  	v62 =	vsel vm13, v37, v5;
	v63 =	vsel vm14, v37, v8;
	v5 =	vsel vm15, v37, v10  }
0x138: {  	v51 =	vor.u32 v11, v22;
	v8 =	vand.u32 $0xFFFFF800, v53;
	vm4 =	vgt.f32 v1, v0  }
0x139: {  	vm5 =	vgt.f32 v16, v4;
	v54 =	vmax.f32 v0, v1;
	v19 =	vmax.f32 v4, v16  }
0x13a: {  	v32 =	vmax.f32 v24, v26;
	v33 =	vmax.f32 v28, v44;
	vm8 =	vgt.f32 v26, v24  }
0x13b: {  	vm9 =	vgt.f32 v44, v28;
	v3 =	vor.u32 v21, v51;
	vm6 =	vgt.f32 v19, v54  }
0x13c: {  	[tilespmem:$0x1FFF0] =	vst v29;
	v23 =	vsel vm4, v2, v35;
	v25 =	vsel vm5, v47, v46;
	v29 =	vmax.f32 v54, v19  }
0x13d: {  	vm7 =	vgt.f32 v33, v32;
	v3 =	vor.u32 v8, v3;
	v8 =	vor.u32 v22, v8  }
0x13e: {  	v42 =	vld.idx.msk [tilespmem:v20+s15+$0x0], $0xffff;
	v34 =	vmax.f32 v32, v33;
	v38 =	vsel vm8, v62, v61;
	v8 =	vor.u32 v21, v8  }
0x13f: {  	v39 =	vsel vm9, v5, v63;
	v30 =	vsel vm6, v25, v23;
	v36 =	vor.u32 $0x80, v8  }
0x140: {  	v14 =	vsel vm7, v39, v38;
	vm10 =	vgt.f32 v34, v29;
	v37 =	vor.u32 $0x100, v8  }
0x141: {  	v43 =	vimm.f32 $-1.000000000e+00;
	v49 =	vsel vm10, v14, v30;
	v40 =	vor.u32 $0x180, v8  }
0x142: {  	v51 =	vor.u32 $0x200, v8;
	v53 =	vshll.u32 v49, $0x7;
	[tilespmem:v3+s3+$0x0] =	vst.idx.msk $0xffff, v43  }
0x143: {  	[tilespmem:$0x1FEA0] =	vst v42;
	v54 =	vor.u32 $0x280, v8;
	v10 =	vand.u32 $0x380, v53;
	v42 =	vld.idx.msk [tilespmem:v8+s3+$0x0], $0xffff  }
0x144: {  	v33 =	vshll.u32 v49, $0x8;
	v10 =	vor.u32 v10, v41;
	v11 =	vld.idx.msk [tilespmem:v36+s3+$0x0], $0xffff  }
0x145: {  	[tilespmem:$0x1FF20] =	vst v34;
	v34 =	vor.u32 $0x300, v8;
	v19 =	vand.u32 $0xFFFFF800, v33;
	v10 =	vor.u32 v45, v10;
	v12 =	vld.idx.msk [tilespmem:v37+s3+$0x0], $0xffff  }
0x146: {  	v10 =	vor.u32 v19, v10;
	v8 =	vor.u32 $0x380, v8;
	v15 =	vld.idx.msk [tilespmem:v40+s3+$0x0], $0xffff;
	v40 =	vor.u32 v41, v19  }
0x147: {  	v3 =	vld.idx.msk [tilespmem:v51+s3+$0x0], $0xffff;
	v25 =	vor.u32 v45, v40  }
0x148: {  	v13 =	vor.u32 $0x7, v20;
	v14 =	vld.idx.msk [tilespmem:v54+s3+$0x0], $0xffff;
	v43 =	vor.u32 $0x80, v25  }
0x149: {  	v32 =	vimm.f32 $-1.000000000e+00;
	v53 =	vld.idx.msk [tilespmem:v49+s15+$0x0], $0xffff;
	v37 =	vand.u32 $0xFFFFFFF8, v20;
	v33 =	vor.u32 $0x200, v25  }
0x14a: {  	v23 =	vld.idx.msk [tilespmem:v34+s3+$0x0], $0xffff;
	v40 =	vimm.s32 $0x4;
	v51 =	vor.u32 $0x100, v25;
	v34 =	vor.u32 $0x280, v25  }
0x14b: {  	v54 =	vor.u32 $0x180, v25;
	[tilespmem:v10+s3+$0x0] =	vst.idx.msk $0xffff, v32;
	v8 =	vld.idx.msk [tilespmem:v8+s3+$0x0], $0xffff;
	v32 =	vimm.s32 $0x0;
	vm11 =	vgt.f32 v11, v42  }
0x14c: {  	v11 =	vmax.f32 v42, v11;
	vm12 =	vgt.f32 v15, v12;
	v12 =	vmax.f32 v12, v15;
	v15 =	vld.idx.msk [tilespmem:v25+s3+$0x0], $0xffff  }
0x14d: {  	v42 =	vor.u32 $0x300, v25;
	vm13 =	vgt.f32 v14, v3;
	v3 =	vmax.f32 v3, v14;
	v30 =	vld.idx.msk [tilespmem:v43+s3+$0x0], $0xffff  }
0x14e: {  	v25 =	vor.u32 $0x380, v25;
	vm15 =	vgt.f32 v12, v11;
	v11 =	vmax.f32 v11, v12;
	v10 =	vld.idx.msk [tilespmem:v33+s3+$0x0], $0xffff  }
0x14f: {  	v43 =	vor.u32 $0x6, v37;
	v39 =	vld.idx.msk [tilespmem:v34+s3+$0x0], $0xffff;
	v33 =	vsel vm11, $0x1, v32;
	v34 =	vimm.s32 $0x2  }
0x150: {  	v14 =	vld.idx.msk [tilespmem:v54+s3+$0x0], $0xffff;
	v54 =	vshrl.u32 v49, $0x3;
	v38 =	vsel vm12, $0x3, v34;
	vm14 =	vgt.f32 v8, v23  }
0x151: {  	v19 =	vld.idx.msk [tilespmem:v51+s3+$0x0], $0xffff;
	vm0 =	veq.s32 v54, $0x0;
	v8 =	vmax.f32 v23, v8;
	v23 =	vsel vm14, v13, v43  }
0x152: {  	v36 =	vld.idx.msk [tilespmem:v42+s3+$0x0], $0xffff;
	v42 =	vsel vm13, $0x5, v40;
	v43 =	vsel vm15, v38, v33;
	vm6 =	vgt.f32 v8, v3  }
0x153: {  	[tilespmem:$0x1FFD0] =	vst v20;
	v3 =	vmax.f32 v3, v8;
	v33 =	vand.u32 $0xFFFFFFF8, v49;
	v38 =	vimm.s32 $0x0  }
0x154: {  	[tilespmem:$0x1FF30] =	vst v29;
	v29 =	vmovc v20;
	vm15 =	veq.s32 v54, $0x1;
	v20 =	vor.u32 v37, v42;
	v12 =	vor.u32 v43, v37  }
0x155: {  	vm7 =	vgt.f32 v3, v11;
	v11 =	vmax.f32 v11, v3;
	v37 =	vor.u32 $0x7, v49  }
0x156: {  	v42 =	vimm.s32 $0x4;
	v23 =	vsel vm6, v23, v20;
	vm8 =	vgt.f32 v30, v15  }
0x157: {  	v30 =	vmax.f32 v15, v30;
	vm9 =	vgt.f32 v14, v19;
	v32 =	vmax.f32 v19, v14  }
0x158: {  	v25 =	vld.idx.msk [tilespmem:v25+s3+$0x0], $0xffff;
	vm10 =	vgt.f32 v39, v10;
	v10 =	vmax.f32 v10, v39;
	v39 =	vimm.s32 $0x2  }
0x159: {  	v8 =	vsel vm7, v23, v12;
	vm12 =	vgt.f32 v32, v30;
	v3 =	vmax.f32 v30, v32  }
0x15a: {  	v12 =	vsel vm8, $0x1, v38;
	v40 =	vsel vm9, $0x3, v39;
	v43 =	vsel vm10, $0x5, v42  }
0x15b: {  	vm9 =	veq.s32 v54, $0x2;
	vm10 =	veq.s32 v54, $0x3;
	v12 =	vsel vm12, v40, v12  }
0x15c: {  	v51 =	vor.u32 v33, v43;
	vm12 =	veq.s32 v54, $0x5;
	v12 =	vor.u32 v12, v33  }
0x15d: {  	vm11 =	vgt.f32 v25, v36;
	v34 =	vmax.f32 v36, v25;
	v36 =	vor.u32 $0x6, v33  }
0x15e: {  	v19 =	vsel vm11, v37, v36;
	vm13 =	vgt.f32 v34, v10;
	v10 =	vmax.f32 v10, v34  }
0x15f: {  	[tilespmem:$0x1FF40] =	vst v53;
	vm11 =	veq.s32 v54, $0x4;
	v34 =	vshrl.u32 v29, $0x3;
	v53 =	vsel vm13, v19, v51  }
0x160: {  	vm14 =	vgt.f32 v10, v3;
	v10 =	vmax.f32 v3, v10;
	vm13 =	veq.s32 v54, $0x6  }
0x161: {  	v12 =	vsel vm14, v53, v12;
	vm14 =	veq.s32 v54, $0x7;
	v15 =	vsel vm0, v10, v0  }
0x162: {  	v23 =	vsel vm15, v10, v1;
	v25 =	vsel vm9, v10, v4;
	v30 =	vsel vm10, v10, v16  }
0x163: {  	v3 =	vsel vm11, v10, v24;
	v51 =	vsel vm12, v10, v26;
	v53 =	vsel vm13, v10, v28  }
0x164: {  	v54 =	vsel vm14, v10, v44;
	v16 =	vsel vm0, v12, v35;
	v24 =	vsel vm15, v12, v2  }
0x165: {  	v26 =	vsel vm9, v12, v46;
	v20 =	vsel vm10, v12, v47;
	v14 =	vsel vm11, v12, v61  }
0x166: {  	v37 =	vsel vm12, v12, v62;
	v10 =	vsel vm13, v12, v63;
	v36 =	vsel vm14, v12, v5  }
0x167: {  	v0 =	vmax.f32 v15, v23;
	v62 =	vmax.f32 v25, v30;
	vm15 =	vgt.f32 v23, v15  }
0x168: {  	vm4 =	vgt.f32 v30, v25;
	v13 =	vmax.f32 v3, v51;
	vm6 =	vgt.f32 v51, v3  }
0x169: {  	vm0 =	veq.s32 v34, $0x0;
	vm10 =	veq.s32 v34, $0x1;
	vm11 =	veq.s32 v34, $0x2  }
0x16a: {  	vm12 =	veq.s32 v34, $0x3;
	vm13 =	veq.s32 v34, $0x4;
	vm14 =	veq.s32 v34, $0x5  }
0x16b: {  	vm5 =	vgt.f32 v62, v0;
	v63 =	vmax.f32 v0, v62;
	v5 =	vsel vm15, v24, v16  }
0x16c: {  	v12 =	vsel vm4, v20, v26;
	v19 =	vmax.f32 v53, v54;
	vm7 =	vgt.f32 v54, v53  }
0x16d: {  	v32 =	vsel vm6, v37, v14;
	vm15 =	veq.s32 v34, $0x6;
	v38 =	vsel vm0, v11, v7  }
0x16e: {  	v43 =	vsel vm11, v11, v9;
	v42 =	vsel vm12, v11, v17;
	v46 =	vsel vm13, v11, v52  }
0x16f: {  	v40 =	vsel vm14, v11, v56;
	v56 =	vsel vm0, v8, v50;
	v57 =	vsel vm10, v8, v57  }
0x170: {  	vm8 =	vgt.f32 v19, v13;
	v28 =	vmax.f32 v13, v19;
	v33 =	vsel vm7, v36, v10  }
0x171: {  	v0 =	vsel vm5, v12, v5;
	v1 =	vsel vm8, v33, v32;
	vm9 =	vgt.f32 v28, v63  }
0x172: {  	v50 =	vsel vm14, v8, v48;
	v60 =	vsel vm15, v11, v60;
	v44 =	vsel vm9, v1, v0  }
0x173: {  	v61 =	vsel vm15, v8, v27;
	v39 =	vmax.f32 v43, v42;
	v0 =	vshll.u32 v44, $0x7  }
0x174: {  	v52 =	vmax.f32 v46, v40;
	vm14 =	vgt.f32 v40, v46;
	v0 =	vand.u32 $0x380, v0  }
0x175: {  	[tilespmem:$0x1FF60] =	vst v63;
	v63 =	vsel vm10, v11, v6;
	v1 =	vshll.u32 v44, $0x8;
	v0 =	vor.u32 v0, v41  }
0x176: {  	v32 =	vimm.s32 $0x4;
	v1 =	vand.u32 $0xFFFFF800, v1;
	v0 =	vor.u32 v45, v0  }
0x177: {  	vm9 =	veq.s32 v34, $0x7;
	v0 =	vor.u32 v1, v0;
	v1 =	vor.u32 v41, v1  }
0x178: {  	v35 =	vmax.f32 v38, v63;
	v62 =	vsel vm9, v11, v55;
	v1 =	vor.u32 v45, v1  }
0x179: {  	v55 =	vsel vm11, v8, v58;
	v58 =	vsel vm12, v8, v59;
	v48 =	vor.u32 $0x80, v1  }
0x17a: {  	v59 =	vsel vm13, v8, v18;
	v47 =	vsel vm9, v8, v31;
	v13 =	vld.idx.msk [tilespmem:v44+s15+$0x0], $0xffff;
	v12 =	vor.u32 $0x100, v1  }
0x17b: {  	vm10 =	vgt.f32 v39, v35;
	v18 =	vimm.f32 $-1.000000000e+00;
	v17 =	vor.u32 $0x180, v1  }
0x17c: {  	v4 =	vmax.f32 v35, v39;
	vm12 =	vgt.f32 v63, v38;
	v19 =	vor.u32 $0x200, v1;
	[tilespmem:v0+s3+$0x0] =	vst.idx.msk $0xffff, v18  }
0x17d: {  	[tilespmem:$0x1FF50] =	vst v28;
	vm13 =	vgt.f32 v42, v43;
	v39 =	vshrl.u32 v44, $0x3;
	v27 =	vor.u32 $0x280, v1;
	v28 =	vld.idx.msk [tilespmem:v1+s3+$0x0], $0xffff  }
0x17e: {  	v2 =	vmax.f32 v60, v62;
	vm15 =	vgt.f32 v62, v60;
	v31 =	vsel vm12, v57, v56;
	v6 =	vld.idx.msk [tilespmem:v48+s3+$0x0], $0xffff  }
0x17f: {  	vm11 =	vgt.f32 v2, v52;
	v52 =	vmax.f32 v52, v2;
	v29 =	vor.u32 $0x300, v1;
	[tilespmem:$0x1FF70] =	vst v13;
	v8 =	vld.idx.msk [tilespmem:v12+s3+$0x0], $0xffff  }
0x180: {  	v13 =	vsel vm15, v47, v61;
	v12 =	vsel vm13, v58, v55;
	v48 =	vsel vm14, v50, v59;
	v5 =	vld.idx.msk [tilespmem:v17+s3+$0x0], $0xffff  }
0x181: {  	vm7 =	vgt.f32 v52, v4;
	v17 =	vld.idx.msk [tilespmem:v19+s3+$0x0], $0xffff;
	v35 =	vsel vm10, v12, v31;
	v0 =	vsel vm11, v13, v48  }
0x182: {  	vm0 =	veq.s32 v39, $0x0;
	v1 =	vor.u32 $0x380, v1;
	v18 =	vld.idx.msk [tilespmem:v27+s3+$0x0], $0xffff;
	v48 =	vsel vm7, v0, v35  }
0x183: {  	vm15 =	veq.s32 v39, $0x1;
	v19 =	vshll.u32 v48, $0x7;
	v35 =	vshll.u32 v48, $0x8  }
0x184: {  	v11 =	vld.idx.msk [tilespmem:v29+s3+$0x0], $0xffff;
	v29 =	vimm.s32 $0x0;
	v7 =	vand.u32 $0x380, v19;
	v35 =	vand.u32 $0xFFFFF800, v35  }
0x185: {  	v31 =	vimm.s32 $0x2;
	v7 =	vor.u32 v7, v22;
	v22 =	vor.u32 v22, v35  }
0x186: {  	vm8 =	vgt.f32 v6, v28;
	v6 =	vmax.f32 v28, v6;
	vm9 =	vgt.f32 v5, v8  }
0x187: {  	v1 =	vld.idx.msk [tilespmem:v1+s3+$0x0], $0xffff;
	v5 =	vmax.f32 v8, v5;
	vm10 =	vgt.f32 v18, v17;
	v0 =	vmax.f32 v17, v18  }
0x188: {  	v28 =	vor.u32 $0x7, v44;
	v7 =	vor.u32 v21, v7;
	v22 =	vor.u32 v21, v22  }
0x189: {  	v21 =	vand.u32 $0xFFFFFFF8, v44;
	vm12 =	vgt.f32 v5, v6;
	v8 =	vsel vm8, $0x1, v29  }
0x18a: {  	v9 =	vsel vm9, $0x3, v31;
	v5 =	vmax.f32 v6, v5;
	vm9 =	veq.s32 v39, $0x2  }
0x18b: {  	[tilespmem:$0x1FEB0] =	vst v4;
	v4 =	vor.u32 v35, v7;
	v27 =	vor.u32 $0x6, v21;
	v33 =	vsel vm12, v9, v8  }
0x18c: {  	vm12 =	veq.s32 v39, $0x5;
	v2 =	vor.u32 v33, v21;
	vm11 =	vgt.f32 v1, v11  }
0x18d: {  	v1 =	vmax.f32 v11, v1;
	v11 =	vsel vm10, $0x5, v32;
	vm10 =	veq.s32 v39, $0x3  }
0x18e: {  	v7 =	vsel vm11, v28, v27;
	v34 =	vor.u32 v21, v11;
	vm13 =	vgt.f32 v1, v0  }
0x18f: {  	v0 =	vmax.f32 v0, v1;
	vm11 =	veq.s32 v39, $0x4;
	v35 =	vsel vm13, v7, v34  }
0x190: {  	vm14 =	vgt.f32 v0, v5;
	v7 =	vmax.f32 v5, v0;
	vm13 =	veq.s32 v39, $0x6  }
0x191: {  	v2 =	vsel vm14, v35, v2;
	vm14 =	veq.s32 v39, $0x7;
	v17 =	vsel vm0, v7, v15  }
0x192: {  	v12 =	vsel vm15, v7, v23;
	v23 =	vsel vm9, v7, v25;
	v30 =	vsel vm10, v7, v30  }
0x193: {  	v13 =	vsel vm11, v7, v3;
	v35 =	vsel vm12, v7, v51;
	v19 =	vsel vm13, v7, v53  }
0x194: {  	v15 =	vsel vm14, v7, v54;
	v27 =	vsel vm0, v2, v16;
	v29 =	vsel vm15, v2, v24  }
0x195: {  	v34 =	vsel vm9, v2, v26;
	v33 =	vsel vm10, v2, v20;
	v28 =	vsel vm11, v2, v14  }
0x196: {  	v31 =	vsel vm12, v2, v37;
	v32 =	vsel vm13, v2, v10;
	v9 =	vmax.f32 v17, v12  }
0x197: {  	v10 =	vmax.f32 v23, v30;
	v25 =	vsel vm14, v2, v36;
	vm15 =	vgt.f32 v12, v17  }
0x198: {  	vm5 =	vgt.f32 v30, v23;
	v26 =	vmax.f32 v13, v35;
	vm7 =	vgt.f32 v35, v13  }
0x199: {  	v37 =	vor.u32 $0x80, v22;
	v16 =	vor.u32 $0x100, v22;
	vm4 =	vgt.f32 v10, v9  }
0x19a: {  	v39 =	vmax.f32 v9, v10;
	v11 =	vsel vm15, v29, v27;
	v24 =	vsel vm5, v33, v34  }
0x19b: {  	v36 =	vmax.f32 v19, v15;
	vm8 =	vgt.f32 v15, v19;
	v7 =	vsel vm7, v31, v28  }
0x19c: {  	vm6 =	vgt.f32 v36, v26;
	v51 =	vmax.f32 v26, v36;
	v8 =	vsel vm8, v25, v32  }
0x19d: {  	v1 =	vld [tilespmem:$0x1FDF0];
	v3 =	vsel vm4, v24, v11;
	v21 =	vsel vm6, v8, v7;
	vm9 =	vgt.f32 v51, v39  }
0x19e: {  	v54 =	vld.idx.msk [tilespmem:v48+s15+$0x0], $0xffff;
	v9 =	vimm.f32 $-1.000000000e+00;
	v24 =	vor.u32 $0x180, v22;
	v21 =	vsel vm9, v21, v3  }
0x19f: {  	v20 =	vld [tilespmem:$0x1FD90];
	[tilespmem:v4+s3+$0x0] =	vst.idx.msk $0xffff, v9;
	v11 =	vor.u32 $0x280, v22;
	v10 =	vshll.u32 v21, $0x7  }
0x1a0: {  	v8 =	vor.u32 $0x300, v22;
	v0 =	vld.idx.msk [tilespmem:v22+s3+$0x0], $0xffff;
	v4 =	vand.u32 $0x380, v10  }
0x1a1: {  	v3 =	vor.u32 $0x200, v22;
	v14 =	vld.idx.msk [tilespmem:v37+s3+$0x0], $0xffff;
	v7 =	vshll.u32 v21, $0x8;
	v4 =	vor.u32 v4, v41  }
0x1a2: {  	v16 =	vld.idx.msk [tilespmem:v16+s3+$0x0], $0xffff;
	v36 =	vand.u32 $0xFFFFF800, v7;
	v4 =	vor.u32 v45, v4  }
0x1a3: {  	v22 =	vor.u32 $0x380, v22;
	v24 =	vld.idx.msk [tilespmem:v24+s3+$0x0], $0xffff;
	v9 =	vor.u32 v41, v36;
	v4 =	vor.u32 v36, v4  }
0x1a4: {  	v18 =	vld.idx.msk [tilespmem:v11+s3+$0x0], $0xffff;
	v36 =	vor.u32 v45, v9  }
0x1a5: {  	v6 =	vld.idx.msk [tilespmem:v8+s3+$0x0], $0xffff;
	v10 =	vor.u32 $0x80, v36  }
0x1a6: {  	v3 =	vld.idx.msk [tilespmem:v3+s3+$0x0], $0xffff;
	v26 =	vor.u32 $0x100, v36  }
0x1a7: {  	v11 =	vimm.f32 $-1.000000000e+00;
	v53 =	vld.idx.msk [tilespmem:v21+s15+$0x0], $0xffff  }
0x1a8: {  	[tilespmem:v4+s3+$0x0] =	vst.idx.msk $0xffff, v11;
	v4 =	vld.idx.msk [tilespmem:v22+s3+$0x0], $0xffff  }
0x1a9: {  	v22 =	vld [tilespmem:$0x1FDA0]  }
0x1aa: {  	v11 =	vld.idx.msk [tilespmem:v10+s3+$0x0], $0xffff  }
0x1ab: {  	v5 =	vor.u32 $0x180, v36;
	v26 =	vld.idx.msk [tilespmem:v26+s3+$0x0], $0xffff  }
0x1ac: {  	v7 =	vor.u32 $0x200, v36;
	v10 =	vld [tilespmem:$0x1FDB0]  }
0x1ad: {  	v9 =	vor.u32 $0x280, v36;
	v2 =	vld.idx.msk [tilespmem:v36+s3+$0x0], $0xffff  }
0x1ae: {  	v37 =	vmax.f32 v22, v20;
	v20 =	vld [tilespmem:$0x1FDC0]  }
0x1af: {  	v22 =	vld [tilespmem:$0x1FDD0]  }
0x1b0: {  	v5 =	vld.idx.msk [tilespmem:v5+s3+$0x0], $0xffff  }
0x1b1: {  	v7 =	vld.idx.msk [tilespmem:v7+s3+$0x0], $0xffff  }
0x1b2: {  	vm12 =	vgt.f32 v18, v3;
	v18 =	vmax.f32 v3, v18;
	v3 =	vld.idx.msk [tilespmem:v9+s3+$0x0], $0xffff  }
0x1b3: {  	v8 =	vor.u32 $0x300, v36;
	v37 =	vsub.f32 v37, v10;
	v10 =	vor.u32 $0x380, v36;
	v36 =	vld [tilespmem:$0x1FDE0]  }
0x1b4: {  	v22 =	vmax.f32 v22, v20;
	v20 =	vld [tilespmem:$0x1FE00];
	_ =	sdelay $0x1  }
0x1b5: {  	vm10 =	vgt.f32 v14, v0;
	vm11 =	vgt.f32 v24, v16;
	v9 =	vand.u32 $0xFFFFFFF8, v48  }
0x1b6: {  	vm13 =	vgt.f32 v4, v6;
	v4 =	vmax.f32 v6, v4;
	v6 =	vimm.s32 $0x4  }
0x1b7: {  	v8 =	vld.idx.msk [tilespmem:v8+s3+$0x0], $0xffff;
	vm15 =	vgt.f32 v11, v2;
	vm6 =	vgt.f32 v5, v26;
	vm7 =	vgt.f32 v3, v7  }
0x1b8: {  	v3 =	vmax.f32 v7, v3;
	v36 =	vsub.f32 v22, v36;
	v10 =	vld.idx.msk [tilespmem:v10+s3+$0x0], $0xffff;
	v22 =	vmax.f32 v20, v1  }
0x1b9: {  	v1 =	vmax.f32 v0, v14;
	v14 =	vmax.f32 v16, v24;
	v20 =	vor.u32 $0x6, v9  }
0x1ba: {  	v0 =	vor.u32 $0x7, v48;
	v16 =	vimm.s32 $0x0;
	v24 =	vimm.s32 $0x2  }
0x1bb: {  	v20 =	vsel vm13, v0, v20;
	vm14 =	vgt.f32 v14, v1;
	v16 =	vsel vm10, $0x1, v16  }
0x1bc: {  	v24 =	vsel vm11, $0x3, v24;
	v0 =	vsel vm12, $0x5, v6;
	v14 =	vmax.f32 v1, v14  }
0x1bd: {  	vm8 =	vgt.f32 v10, v8;
	v7 =	vmax.f32 v8, v10;
	v24 =	vsel vm14, v24, v16  }
0x1be: {  	v6 =	vor.u32 v9, v0;
	v0 =	vmax.f32 v2, v11;
	v16 =	vmax.f32 v26, v5  }
0x1bf: {  	v5 =	vand.u32 $0xFFFFFFF8, v21;
	v26 =	vor.u32 $0x7, v21;
	vm10 =	vgt.f32 v7, v3  }
0x1c0: {  	v3 =	vmax.f32 v3, v7;
	v1 =	vor.u32 v24, v9;
	v24 =	vor.u32 $0x6, v5  }
0x1c1: {  	vm9 =	vgt.f32 v16, v0;
	v0 =	vmax.f32 v0, v16;
	v16 =	vimm.s32 $0x0  }
0x1c2: {  	v8 =	vsel vm8, v26, v24;
	v2 =	vsel vm15, $0x1, v16;
	v24 =	vimm.s32 $0x2  }
0x1c3: {  	v26 =	vimm.s32 $0x4;
	vm11 =	vgt.f32 v3, v0;
	v0 =	vmax.f32 v0, v3  }
0x1c4: {  	v9 =	vsel vm6, $0x3, v24;
	v10 =	vsel vm7, $0x5, v26;
	v26 =	vshrl.u32 v21, $0x3  }
0x1c5: {  	vm6 =	vgt.f32 v4, v18;
	v4 =	vmax.f32 v18, v4;
	v2 =	vsel vm9, v9, v2  }
0x1c6: {  	v16 =	vor.u32 v5, v10;
	vm0 =	veq.s32 v26, $0x0;
	vm12 =	veq.s32 v26, $0x1  }
0x1c7: {  	vm13 =	veq.s32 v26, $0x2;
	vm14 =	veq.s32 v26, $0x3;
	vm15 =	veq.s32 v26, $0x4  }
0x1c8: {  	vm9 =	veq.s32 v26, $0x5;
	v6 =	vsel vm6, v20, v6;
	vm8 =	vgt.f32 v4, v14  }
0x1c9: {  	v4 =	vmax.f32 v14, v4;
	v2 =	vor.u32 v2, v5;
	v24 =	vsel vm10, v8, v16  }
0x1ca: {  	vm10 =	veq.s32 v26, $0x6;
	v5 =	vsel vm0, v0, v17;
	v3 =	vsel vm12, v0, v12  }
0x1cb: {  	v7 =	vsel vm13, v0, v23;
	v16 =	vsel vm14, v0, v30;
	v1 =	vsel vm8, v6, v1  }
0x1cc: {  	v2 =	vsel vm11, v24, v2;
	vm11 =	veq.s32 v26, $0x7;
	v24 =	vsel vm15, v0, v13  }
0x1cd: {  	v26 =	vsel vm9, v0, v35;
	v35 =	vsel vm10, v0, v19;
	v12 =	vmax.f32 v7, v16  }
0x1ce: {  	v0 =	vsel vm11, v0, v15;
	v8 =	vsel vm0, v2, v27;
	v9 =	vsel vm12, v2, v29  }
0x1cf: {  	v15 =	vsel vm13, v2, v34;
	v23 =	vsel vm14, v2, v33;
	v17 =	vsel vm15, v2, v28  }
0x1d0: {  	v30 =	vsel vm9, v2, v31;
	v27 =	vsel vm10, v2, v32;
	v2 =	vsel vm11, v2, v25  }
0x1d1: {  	v34 =	vmax.f32 v5, v3;
	vm12 =	vgt.f32 v3, v5;
	vm13 =	vgt.f32 v16, v7  }
0x1d2: {  	v28 =	vmax.f32 v24, v26;
	vm15 =	vgt.f32 v26, v24;
	vm14 =	vgt.f32 v12, v34  }
0x1d3: {  	v19 =	vmax.f32 v34, v12;
	v13 =	vsel vm12, v9, v8;
	v25 =	vsel vm13, v23, v15  }
0x1d4: {  	v29 =	vmax.f32 v35, v0;
	vm4 =	vgt.f32 v0, v35;
	v31 =	vsel vm15, v30, v17  }
0x1d5: {  	v34 =	vshrl.u32 v48, $0x3;
	v10 =	vsel vm14, v25, v13;
	vm5 =	vgt.f32 v29, v28  }
0x1d6: {  	v11 =	vmax.f32 v28, v29;
	v32 =	vsel vm4, v2, v27;
	vm0 =	veq.s32 v34, $0x0  }
0x1d7: {  	vm9 =	veq.s32 v34, $0x1;
	vm10 =	veq.s32 v34, $0x2;
	vm11 =	veq.s32 v34, $0x3  }
0x1d8: {  	vm12 =	veq.s32 v34, $0x4;
	vm13 =	veq.s32 v34, $0x5;
	vm14 =	veq.s32 v34, $0x6  }
0x1d9: {  	vm15 =	veq.s32 v34, $0x7;
	v12 =	vsel vm5, v32, v31;
	vm7 =	vgt.f32 v11, v19  }
0x1da: {  	v18 =	vsel vm0, v4, v38;
	v25 =	vsel vm9, v4, v63;
	v28 =	vsel vm10, v4, v43  }
0x1db: {  	v29 =	vsel vm11, v4, v42;
	v31 =	vsel vm12, v4, v46;
	v32 =	vsel vm13, v4, v40  }
0x1dc: {  	v34 =	vsel vm14, v4, v60;
	v4 =	vsel vm15, v4, v62;
	v13 =	vsel vm7, v12, v10  }
0x1dd: {  	v62 =	vimm.f32 $-1.000000000e+00;
	v38 =	vsel vm0, v1, v56;
	v10 =	vshll.u32 v13, $0x7  }
0x1de: {  	v63 =	vsel vm9, v1, v57;
	v43 =	vsel vm10, v1, v55;
	v33 =	vand.u32 $0x380, v10  }
0x1df: {  	v46 =	vsel vm11, v1, v58;
	v12 =	vshll.u32 v13, $0x8;
	v6 =	vor.u32 v33, v41  }
0x1e0: {  	v60 =	vsel vm12, v1, v59;
	v12 =	vand.u32 $0xFFFFF800, v12;
	v6 =	vor.u32 v45, v6  }
0x1e1: {  	v50 =	vsel vm13, v1, v50;
	v6 =	vor.u32 v12, v6;
	v12 =	vor.u32 v41, v12  }
0x1e2: {  	vm7 =	vgt.f32 v25, v18;
	v18 =	vmax.f32 v18, v25;
	v12 =	vor.u32 v45, v12  }
0x1e3: {  	vm8 =	vgt.f32 v29, v28;
	v28 =	vmax.f32 v28, v29;
	v14 =	vor.u32 $0x80, v12  }
0x1e4: {  	vm9 =	vgt.f32 v32, v31;
	v31 =	vmax.f32 v31, v32;
	v20 =	vor.u32 $0x100, v12  }
0x1e5: {  	vm10 =	vgt.f32 v4, v34;
	v4 =	vmax.f32 v34, v4;
	v33 =	vor.u32 $0x180, v12  }
0x1e6: {  	v63 =	vsel vm7, v63, v38;
	v46 =	vsel vm8, v46, v43;
	v10 =	vld.idx.msk [tilespmem:v13+s15+$0x0], $0xffff;
	[tilespmem:v6+s3+$0x0] =	vst.idx.msk $0xffff, v62  }
0x1e7: {  	v50 =	vsel vm9, v50, v60;
	vm11 =	vgt.f32 v28, v18;
	v42 =	vor.u32 $0x380, v12;
	v57 =	vld.idx.msk [tilespmem:v12+s3+$0x0], $0xffff  }
0x1e8: {  	v18 =	vmax.f32 v18, v28;
	vm12 =	vgt.f32 v4, v31;
	v55 =	vor.u32 $0x200, v12;
	v14 =	vld.idx.msk [tilespmem:v14+s3+$0x0], $0xffff  }
0x1e9: {  	v4 =	vmax.f32 v31, v4;
	v58 =	vand.u32 $0xFFFFFFF8, v13;
	v6 =	vor.u32 $0x300, v12;
	v20 =	vld.idx.msk [tilespmem:v20+s3+$0x0], $0xffff  }
0x1ea: {  	v60 =	vor.u32 $0x7, v13;
	v25 =	vsel vm11, v46, v63;
	v12 =	vor.u32 $0x280, v12;
	v33 =	vld.idx.msk [tilespmem:v33+s3+$0x0], $0xffff  }
0x1eb: {  	v59 =	vor.u32 $0x6, v58;
	v62 =	vsel vm14, v1, v61;
	v1 =	vsel vm15, v1, v47  }
0x1ec: {  	v63 =	vimm.s32 $0x4;
	v61 =	vimm.s32 $0x0;
	v1 =	vsel vm10, v1, v62;
	v47 =	vld.idx.msk [tilespmem:v42+s3+$0x0], $0xffff  }
0x1ed: {  	v62 =	vimm.s32 $0x2;
	v56 =	vld.idx.msk [tilespmem:v55+s3+$0x0], $0xffff;
	v29 =	vsel vm12, v1, v50;
	v42 =	vshrl.u32 v13, $0x3  }
0x1ee: {  	vm0 =	veq.s32 v42, $0x0;
	vm10 =	veq.s32 v42, $0x1;
	v6 =	vld.idx.msk [tilespmem:v6+s3+$0x0], $0xffff;
	vm14 =	vgt.f32 v14, v57  }
0x1ef: {  	v12 =	vld.idx.msk [tilespmem:v12+s3+$0x0], $0xffff;
	v14 =	vmax.f32 v57, v14;
	vm15 =	vgt.f32 v33, v20;
	v20 =	vmax.f32 v20, v33  }
0x1f0: {  	vm11 =	veq.s32 v42, $0x2;
	vm12 =	veq.s32 v42, $0x3;
	vm7 =	vgt.f32 v20, v14  }
0x1f1: {  	v31 =	vsel vm14, $0x1, v61;
	v32 =	vsel vm15, $0x3, v62;
	v14 =	vmax.f32 v14, v20  }
0x1f2: {  	vm14 =	veq.s32 v42, $0x5;
	vm15 =	veq.s32 v42, $0x6;
	v34 =	vsel vm7, v32, v31  }
0x1f3: {  	vm13 =	vgt.f32 v47, v6;
	v6 =	vmax.f32 v6, v47;
	v1 =	vor.u32 v34, v58  }
0x1f4: {  	v28 =	vsel vm13, v60, v59;
	vm6 =	vgt.f32 v12, v56;
	v12 =	vmax.f32 v56, v12  }
0x1f5: {  	v33 =	vsel vm6, $0x5, v63;
	vm8 =	vgt.f32 v6, v12;
	v6 =	vmax.f32 v12, v6  }
0x1f6: {  	v38 =	vor.u32 v58, v33;
	vm9 =	vgt.f32 v6, v14;
	v6 =	vmax.f32 v14, v6  }
0x1f7: {  	vm13 =	veq.s32 v42, $0x4;
	v40 =	vsel vm8, v28, v38;
	v14 =	vsel vm0, v6, v5  }
0x1f8: {  	v31 =	vsel vm10, v6, v3;
	v32 =	vsel vm11, v6, v7;
	v16 =	vsel vm12, v6, v16  }
0x1f9: {  	v24 =	vsel vm13, v6, v24;
	v26 =	vsel vm14, v6, v26;
	v12 =	vsel vm15, v6, v35  }
0x1fa: {  	v1 =	vsel vm9, v40, v1;
	vm9 =	veq.s32 v42, $0x7;
	v43 =	vmax.f32 v14, v31  }
0x1fb: {  	v46 =	vmax.f32 v32, v16;
	v47 =	vmax.f32 v24, v26;
	v7 =	vsel vm9, v6, v0  }
0x1fc: {  	v8 =	vsel vm0, v1, v8;
	v33 =	vsel vm10, v1, v9;
	v15 =	vsel vm11, v1, v15  }
0x1fd: {  	v23 =	vsel vm12, v1, v23;
	v34 =	vsel vm13, v1, v17;
	v30 =	vsel vm14, v1, v30  }
0x1fe: {  	v27 =	vsel vm15, v1, v27;
	v35 =	vsel vm9, v1, v2;
	vm10 =	vgt.f32 v46, v43  }
0x1ff: {  	v60 =	vld [tilespmem:$0x1FE10];
	v20 =	vmax.f32 v43, v46;
	vm12 =	vgt.f32 v31, v14;
	vm13 =	vgt.f32 v16, v32  }
0x200: {  	vm14 =	vgt.f32 v26, v24;
	v50 =	vmax.f32 v12, v7;
	vm15 =	vgt.f32 v7, v12  }
0x201: {  	v55 =	vsel vm12, v33, v8;
	v56 =	vsel vm13, v23, v15;
	v57 =	vsel vm14, v30, v34  }
0x202: {  	vm11 =	vgt.f32 v50, v47;
	v28 =	vmax.f32 v47, v50;
	v58 =	vsel vm15, v35, v27  }
0x203: {  	v63 =	vld [tilespmem:$0x1FE20];
	v0 =	vsel vm10, v56, v55;
	v59 =	vsel vm11, v58, v57;
	vm4 =	vgt.f32 v28, v20  }
0x204: {  	v17 =	vsub.f32 v22, v60;
	v22 =	vld [tilespmem:$0x1FE30];
	v1 =	vsel vm4, v59, v0  }
0x205: {  	vm5 =	vgt.f32 v4, v18;
	v61 =	vadd.f32 $0.0e+00, v37;
	v38 =	vld [tilespmem:$0x1FE40];
	v62 =	vshll.u32 v1, $0x7  }
0x206: {  	v9 =	vsel vm5, v29, v25;
	v43 =	vld [tilespmem:$0x1FE50];
	v25 =	vshll.u32 v1, $0x8;
	v2 =	vand.u32 $0x380, v62  }
0x207: {  	v60 =	vld [tilespmem:$0x1FE90];
	v5 =	vand.u32 $0xFFFFF800, v25;
	v29 =	vor.u32 v2, v41  }
0x208: {  	v47 =	vld [tilespmem:$0x1FEB0];
	v0 =	vadd.f32 v36, v61;
	v41 =	vor.u32 v41, v5;
	v40 =	vor.u32 v45, v29  }
0x209: {  	v56 =	vld [tilespmem:$0x1FE70];
	v3 =	vmax.f32 v22, v63;
	v22 =	vor.u32 v45, v41;
	v5 =	vor.u32 v5, v40  }
0x20a: {  	v59 =	vld [tilespmem:$0x1FE80];
	v42 =	vadd.f32 v17, v0;
	v2 =	vsub.f32 v3, v38;
	v46 =	vor.u32 $0x80, v22  }
0x20b: {  	v61 =	vld.idx.msk [tilespmem:v9+s15+$0x0], $0xffff;
	v58 =	vor.u32 $0x100, v22  }
0x20c: {  	v45 =	vld [tilespmem:$0x1FE60];
	v57 =	vadd.f32 v2, v42;
	v63 =	vor.u32 $0x180, v22  }
0x20d: {  	v62 =	vld [tilespmem:$0x1FEA0];
	v42 =	vmax.f32 v47, v52;
	v52 =	vimm.f32 $-1.000000000e+00;
	v50 =	vor.u32 $0x300, v22  }
0x20e: {  	v40 =	vld.idx.msk [tilespmem:v1+s15+$0x0], $0xffff;
	[tilespmem:v5+s3+$0x0] =	vst.idx.msk $0xffff, v52  }
0x20f: {  	v5 =	vsub.f32 v42, v54;
	v42 =	vld.idx.msk [tilespmem:v46+s3+$0x0], $0xffff  }
0x210: {  	v4 =	vmax.f32 v18, v4;
	v18 =	vld.idx.msk [tilespmem:v58+s3+$0x0], $0xffff  }
0x211: {  	v0 =	vmax.f32 v45, v43;
	v38 =	vld.idx.msk [tilespmem:v63+s3+$0x0], $0xffff  }
0x212: {  	v0 =	vsub.f32 v0, v56;
	v58 =	vld.idx.msk [tilespmem:v50+s3+$0x0], $0xffff  }
0x213: {  	v3 =	vmax.f32 v60, v59;
	v55 =	vor.u32 $0x200, v22;
	v63 =	vld [tilespmem:$0x1FEF0]  }
0x214: {  	v3 =	vsub.f32 v3, v62;
	v45 =	vor.u32 $0x380, v22;
	v50 =	vld [tilespmem:$0x1FF00];
	v25 =	vadd.f32 v0, v57  }
0x215: {  	v57 =	vld.idx.msk [tilespmem:v22+s3+$0x0], $0xffff  }
0x216: {  	v47 =	vimm.s32 $0x0;
	v25 =	vadd.f32 v3, v25  }
0x217: {  	v6 =	vsub.f32 v4, v61;
	v46 =	vand.u32 $0xFFFFFFF8, v1;
	v22 =	vor.u32 $0x280, v22  }
0x218: {  	v54 =	vimm.s32 $0x4;
	v29 =	vld.idx.msk [tilespmem:v55+s3+$0x0], $0xffff;
	v55 =	vor.u32 $0x6, v46;
	v56 =	vadd.f32 v5, v25  }
0x219: {  	v59 =	vld.idx.msk [tilespmem:v45+s3+$0x0], $0xffff;
	v45 =	vmax.f32 v50, v63;
	v50 =	vimm.s32 $0x2;
	vm8 =	vgt.f32 v38, v18  }
0x21a: {  	v60 =	vld [tilespmem:$0x1FEC0];
	v18 =	vmax.f32 v18, v38;
	vm7 =	vgt.f32 v42, v57;
	v25 =	vmax.f32 v57, v42  }
0x21b: {  	v61 =	vld [tilespmem:$0x1FED0];
	v42 =	vshrl.u32 v1, $0x3;
	v4 =	vadd.f32 v6, v56;
	v56 =	vor.u32 $0x7, v1  }
0x21c: {  	v22 =	vld.idx.msk [tilespmem:v22+s3+$0x0], $0xffff;
	vm10 =	vgt.f32 v18, v25;
	v18 =	vmax.f32 v25, v18;
	vm13 =	veq.s32 v42, $0x0  }
0x21d: {  	v62 =	vld [tilespmem:$0x1FEE0];
	vm14 =	veq.s32 v42, $0x1;
	vm15 =	veq.s32 v42, $0x2;
	vm4 =	veq.s32 v42, $0x3  }
0x21e: {  	vm5 =	veq.s32 v42, $0x4;
	vm6 =	vgt.f32 v59, v58;
	v4 =	vadd.f32 $9.999999680e-21, v4  }
0x21f: {  	v58 =	vmax.f32 v58, v59;
	v59 =	vsel vm7, $0x1, v47;
	vm7 =	veq.s32 v42, $0x6  }
0x220: {  	v57 =	vsel vm6, v56, v55;
	vm6 =	veq.s32 v42, $0x5;
	(erf) = vrcp.f32 v4  }
0x221: {  	v4 =	vmax.f32 v61, v60;
	vm9 =	vgt.f32 v22, v29;
	v22 =	vmax.f32 v29, v22  }
0x222: {  	v60 =	vsel vm8, $0x3, v50;
	vm8 =	veq.s32 v42, $0x7;
	v4 =	vsub.f32 v4, v62  }
0x223: {  	v61 =	vsel vm9, $0x5, v54;
	v62 =	vsel vm10, v60, v59;
	vm11 =	vgt.f32 v58, v22  }
0x224: {  	v22 =	vmax.f32 v22, v58;
	v63 =	vor.u32 v46, v61;
	v25 =	vor.u32 v62, v46  }
0x225: {  	vm12 =	vgt.f32 v22, v18;
	v18 =	vmax.f32 v18, v22;
	v41 =	vsel vm11, v57, v63  }
0x226: {  	v14 =	vsel vm13, v18, v14;
	v46 =	vsel vm14, v18, v31;
	v55 =	vsel vm15, v18, v32  }
0x227: {  	v16 =	vsel vm4, v18, v16;
	v24 =	vsel vm5, v18, v24;
	v26 =	vsel vm6, v18, v26  }
0x228: {  	v12 =	vsel vm7, v18, v12;
	v7 =	vsel vm8, v18, v7;
	v61 =	vadd.f32 $0.0e+00, v4  }
0x229: {  	v43 =	vsel vm12, v41, v25;
	vm9 =	vgt.f32 v46, v14;
	vm10 =	vgt.f32 v16, v55  }
0x22a: {  	v58 =	vld [tilespmem:$0x1FF10];
	v14 =	vmax.f32 v14, v46;
	vm11 =	vgt.f32 v26, v24;
	v16 =	vmax.f32 v55, v16  }
0x22b: {  	v62 =	vld [tilespmem:$0x1FF20];
	vm12 =	vgt.f32 v7, v12;
	v24 =	vmax.f32 v24, v26;
	v7 =	vmax.f32 v12, v7  }
0x22c: {  	v63 =	vld [tilespmem:$0x1FF30];
	v8 =	vsel vm13, v43, v8;
	v29 =	vsel vm14, v43, v33;
	v15 =	vsel vm15, v43, v15  }
0x22d: {  	v25 =	vld [tilespmem:$0x1FF50];
	v23 =	vsel vm4, v43, v23;
	v56 =	vsel vm5, v43, v34;
	v30 =	vsel vm6, v43, v30  }
0x22e: {  	v27 =	vsel vm7, v43, v27;
	vm14 =	vgt.f32 v7, v24;
	v7 =	vmax.f32 v24, v7;
	v24 =	vld [tilespmem:$0x1FF40]  }
0x22f: {  	v26 =	vld [tilespmem:$0x1FF60];
	v57 =	vsel vm8, v43, v35;
	vm13 =	vgt.f32 v16, v14;
	v60 =	vmax.f32 v14, v16  }
0x230: {  	v22 =	vsub.f32 v45, v58;
	v8 =	vsel vm9, v29, v8;
	v18 =	vsel vm12, v57, v27;
	v27 =	vld [tilespmem:$0x1FF70]  }
0x231: {  	v15 =	vsel vm10, v23, v15;
	v59 =	vsel vm11, v30, v56;
	vm15 =	vgt.f32 v7, v60  }
0x232: {  	v8 =	vsel vm13, v15, v8;
	v23 =	vsel vm14, v18, v59;
	v15 =	vmax.f32 v63, v62  }
0x233: {  	v8 =	vsel vm15, v23, v8;
	v14 =	vadd.f32 v22, v61;
	v15 =	vsub.f32 v15, v24  }
0x234: {  	v16 =	vmax.f32 v26, v25  }
0x235: {  	v16 =	vsub.f32 v16, v27;
	v14 =	vadd.f32 v15, v14  }
0x236: {  	v29 =	vmax.f32 v39, v51  }
0x237: {  	v18 =	vsub.f32 v29, v53;
	v14 =	vadd.f32 v16, v14  }
0x238: {  	v11 =	vmax.f32 v19, v11;
	v30 =	vld.idx.msk [tilespmem:v8+s15+$0x0], $0xffff  }
0x239: {  	v10 =	vsub.f32 v11, v10;
	v33 =	vpop (erf);
	v14 =	vadd.f32 v18, v14  }
0x23a: {  	v31 =	vmax.f32 v20, v28;
	v34 =	vmul.f32 $2.500000000e+00, v33  }
0x23b: {  	v11 =	vsub.f32 v31, v40;
	v14 =	vadd.f32 v10, v14  }
0x23c: {  	v7 =	vmax.f32 v60, v7;
	v35 =	vmul.f32 v34, v37;
	v37 =	vld [tilespmem:$0x1FF80]  }
0x23d: {  	v39 =	vld [tilespmem:$0x1FF90];
	v7 =	vsub.f32 v7, v30;
	v14 =	vadd.f32 v11, v14;
	_ =	sdelay $0x1  }
0x23e: {  	v40 =	vld [tilespmem:$0x1FFA0];
	v14 =	vadd.f32 v7, v14  }
0x23f: {  	[tilespmem:s24+$0x5880] =	vst v35  }
0x240: {  	v41 =	vld [tilespmem:$0x1FFB0];
	v38 =	vmul.f32 v34, v36;
	[tilespmem:s24+$0x5080] =	vst v37;
	v14 =	vadd.f32 $9.999999680e-21, v14  }
0x241: {  	[tilespmem:s30+$0x5080] =	vst v39  }
0x242: {  	v42 =	vld [tilespmem:$0x1FFC0];
	v17 =	vmul.f32 v34, v17;
	[tilespmem:s30+$0x5880] =	vst v38;
	(erf) = vrcp.f32 v14  }
0x243: {  	[tilespmem:s24+$0x5180] =	vst v40  }
0x244: {  	v45 =	vld [tilespmem:$0x1FFD0];
	v2 =	vmul.f32 v34, v2;
	[tilespmem:s24+$0x5980] =	vst v17  }
0x245: {  	[tilespmem:s29+$0x5080] =	vst v41  }
0x246: {  	v0 =	vmul.f32 v34, v0;
	[tilespmem:s29+$0x5880] =	vst v2  }
0x247: {  	v55 =	vld [tilespmem:$0x1FFE0];
	[tilespmem:s24+$0x5280] =	vst v42  }
0x248: {  	v43 =	vmul.f32 v34, v3;
	[tilespmem:s24+$0x5A80] =	vst v0  }
0x249: {  	[tilespmem:s28+$0x5080] =	vst v45  }
0x24a: {  	[tilespmem:s28+$0x5880] =	vst v43  }
0x24b: {  	v46 =	vmul.f32 v34, v5;
	[tilespmem:s26+$0x5080] =	vst v48;
	v48 =	vpop (erf)  }
0x24c: {  	v57 =	vld [tilespmem:$0x1FFF0];
	[tilespmem:s31+$0x5080] =	vst v55;
	v2 =	vmul.f32 $2.500000000e+00, v48  }
0x24d: {  	v51 =	vmul.f32 v34, v6;
	[tilespmem:s26+$0x5880] =	vst v46  }
0x24e: {  	[tilespmem:s25+$0x5080] =	vst v9;
	v53 =	vmul.f32 v2, v4  }
0x24f: {  	[tilespmem:s25+$0x5880] =	vst v51  }
0x250: {  	v56 =	vmul.f32 v2, v22;
	[tilespmem:s31+$0x5880] =	vst v53  }
0x251: {  	[tilespmem:s0+$0x5080] =	vst v57  }
0x252: {  	v58 =	vmul.f32 v2, v15;
	[tilespmem:s0+$0x5880] =	vst v56  }
0x253: {  	[tilespmem:s31+$0x5180] =	vst v49  }
0x254: {  	v59 =	vmul.f32 v2, v16;
	[tilespmem:s31+$0x5980] =	vst v58  }
0x255: {  	[tilespmem:s2+$0x5080] =	vst v44  }
0x256: {  	v60 =	vmul.f32 v2, v18;
	[tilespmem:s2+$0x5880] =	vst v59  }
0x257: {  	[tilespmem:s31+$0x5280] =	vst v21  }
0x258: {  	s19 =	sadd.s32 $0x2, s19;
	v61 =	vmul.f32 v2, v10;
	[tilespmem:s31+$0x5A80] =	vst v60  }
0x259: {  	p0 =	slt.u32 s19, $0xE;
	[tilespmem:s1+$0x5080] =	vst v13  }
.Ltmp0:
0x25a: {  	v62 =	vmul.f32 v2, v11;
	[tilespmem:s1+$0x5880] =	vst v61;
	(pc) =	sbr.rel @p0 .LBB2_2-.Ltmp0, $4  }
0x25b: {  	[tilespmem:s10+$0x5080] =	vst v1  }
0x25c: {  	v63 =	vmul.f32 v2, v7;
	[tilespmem:s10+$0x5880] =	vst v62  }
0x25d: {  	s22 =	sadd.s32 $0x2, s22;
	[tilespmem:s11+$0x5080] =	vst v8  }
0x25e: {  	s21 =	sadd.s32 $0x1, s21;
	s20 =	sadd.s32 $0x20, s20;
	s23 =	sadd.s32 $0x100, s23;
	v32 =	vlaneseq.u32;
	[tilespmem:s11+$0x5880] =	vst v63  }
0x25f: {  	[hbm4b:s7+s3] =	stream.linear.scatter [tilespmem:s16], [sflag:$0x1], $0x800, $0x38;
	[tilespmem:$0x6080] =	vst v63  }
0x260: {  	s18 =	sadd.s32 $0x1, s18;
	_ =	swait.ge [sflag:s12], $0x800  }
0x261: {  	p0 =	sne.s32 s18, s9;
	[sflag:s12] =	ssyncset.done $0x0  }
.Ltmp1:
0x262: {  	[sflag:s12] =	ssyncadd.s32 $0xFFFFF800;
	(pc) =	sbr.rel @p0 .LBB2_1-.Ltmp1, $4  }
0x263: {  	[hbm4b:s8+s3] =	stream.linear.scatter [tilespmem:s17], [sflag:$0x1], $0x800, $0x38;
	[tilespmem:$0x6080] =	vst v63  }
0x264: {  	_ =	swait.ge [sflag:s12], $0x800  }
0x265: {  	[sflag:s12] =	ssyncset.done $0x0  }
0x266: {  	[sflag:s12] =	ssyncadd.s32 $0xFFFFF800  }
0x267: {  	_ =	sfence.sel $0x180000  }
0x268: {  	[bflag:$0x0] =	sbarrier.arrive $0xFFFF  }
0x269: {  	_ =	strace $0x90000047  }
0x26a: {  	s0 =	stileid.u32;
	[bflag:$0x2] =	sbarrier.arrive $0xFFFF  }
0x26b: {  	p0 =	sne.s32 s0, $0x0;
	s0 =	rddreg [dreg:$0x4]  }
0x26c: {  	s0 =	sadd.s32 @!p0 $0x100000, s0  }
0x26d: {  	[sflag:s0] =	ssyncadd.tile.s32 @!p0 $0x1;
	_ =	shalt  }
.Lfunc_end2:
_tile_overlayer_lowered:
.L_overlay_start_2:
0x26e: {  	(tag) =	ssettag $0x2  }
0x26f: {  	s0 =	rddreg [dreg:$0x0];
	s2 =	stileid.u32  }
0x270: {  	s1 =	rddreg [dreg:$0x1];
	p0 =	sne.s32 s2, $0x0  }
0x271: {  	s3 =	rddreg [dreg:$0x2];
	[bflag:$0x3] =	sbarrier.arrive $0xFFFF;
	s2 =	simm.s32 @!p0 $0x1C01  }
0x272: {  	[timem:s3], [sflag:s2] =	dma.local @!p0 [hbm:s0], s1  }
0x273: {  	s0 =	simm.s32 @!p0 $0x1  }
0x274: {  	_ =	swait.ge @!p0 [sflag:s0], s1  }
0x275: {  	s1 =	ssub.s32 @!p0 $0x0, s1;
	[sflag:s0] =	ssyncset.done @!p0 $0x0  }
0x276: {  	[sflag:s0] =	ssyncadd.s32 @!p0 s1  }
0x277: {  	[bflag:$0x3] =	sbarrier.arrive $0xFFFF  }
0x278: {  	_ =	shalt  }

</sc_bundles>
